<compile_context>
chip_gen: v7x
topology: tpu7x:2x2x1
jax: 0.10.2.dev20260603
libtpu: 0.0.44.dev20260713+nightly
codegen_flags: <defaults>
</compile_context>

<pallas_src>
import functools

import jax
import jax.numpy as jnp
from jax import lax
from jax.experimental import pallas as pl
from jax.experimental.pallas import tpu as pltpu
from jax.experimental.pallas import tpu_sc as plsc

N = 10000
NPAD = 10240
E = 320000
D = 128
G = 64
NC = 2
NS = 16
EK = 80
NCHUNK = 125
WE = E // (NC * NS)
RPS = NPAD // NS
EDGES_PER_SUB = E // (NC * NS)
NB = 10
BN = NPAD // NB


def _sc_mesh():
    return plsc.VectorSubcoreMesh(core_axis_name="c", subcore_axis_name="s")


def _deg_body(ei_hbm, out_hbm, didx_v, hist_v):
    c = lax.axis_index("c")
    s = lax.axis_index("s")
    zeros16 = jnp.zeros((16,), jnp.float32)

    def zstep(i, carry):
        hist_v[pl.ds(i * 16, 16)] = zeros16
        return carry

    lax.fori_loop(0, NPAD // 16, zstep, 0)
    base = c * (E // NC) + s * EDGES_PER_SUB
    pltpu.sync_copy(ei_hbm.at[pl.ds(E + base, EDGES_PER_SUB)], didx_v)
    ones16 = jnp.ones((16,), jnp.float32)

    def step(i, carry):
        idx = didx_v[pl.ds(i * 16, 16)]
        plsc.addupdate_scatter(hist_v, [idx], ones16)
        return carry

    lax.fori_loop(0, EDGES_PER_SUB // 16, step, 0)
    pltpu.sync_copy(hist_v, out_hbm.at[c, s])


def _sc_degree(ei):
    return pl.kernel(
        _deg_body,
        out_type=jax.ShapeDtypeStruct((NC, NS, NPAD), jnp.float32),
        mesh=_sc_mesh(),
        compiler_params=pltpu.CompilerParams(needs_layout_passes=False),
        scratch_types=[
            pltpu.VMEM((EDGES_PER_SUB,), jnp.int32),
            pltpu.VMEM((NPAD,), jnp.float32),
        ],
    )(ei)


def _scatter_body(g_hbm, ei_hbm, out_hbm,
                  si0, si1, si2, si3, di0, di1, di2, di3,
                  r0_, r1_, r2_, r3_,
                  is0, is1, is2, is3, gs0, gs1, gs2, gs3,
                  ss0, ss1, ss2, ss3, acc_sh):
    c = lax.axis_index("c")
    s = lax.axis_index("s")
    w = c * NS + s
    r0 = s * RPS
    pltpu.sync_copy(g_hbm.at[pl.ds(r0, RPS)], acc_sh.at[pl.ds(r0, RPS)])
    plsc.subcore_barrier()
    base = w * WE

    sidx = (si0, si1, si2, si3)
    didx = (di0, di1, di2, di3)
    rows = (r0_, r1_, r2_, r3_)
    isem = (is0, is1, is2, is3)
    gsem = (gs0, gs1, gs2, gs3)
    ssem = (ss0, ss1, ss2, ss3)

    def prefetch(j, b):
        pltpu.async_copy(ei_hbm.at[pl.ds(base + j * EK, EK)], sidx[b],
                         isem[b])
        pltpu.async_copy(ei_hbm.at[pl.ds(E + base + j * EK, EK)], didx[b],
                         isem[b])

    def iwait(b):
        pltpu.make_async_copy(ei_hbm.at[pl.ds(0, EK)], sidx[b],
                              isem[b]).wait()
        pltpu.make_async_copy(ei_hbm.at[pl.ds(0, EK)], didx[b],
                              isem[b]).wait()

    def gissue(j, b):
        pltpu.async_copy(g_hbm.at[sidx[b]], rows[b], gsem[b])

    def gwait(b):
        pltpu.make_async_copy(g_hbm.at[sidx[b]], rows[b], gsem[b]).wait()

    def sissue(j, b):
        pltpu.async_copy(rows[b], acc_sh.at[didx[b]], ssem[b], add=True)

    def swait(b):
        pltpu.make_async_copy(rows[b], acc_sh.at[didx[b]], ssem[b]).wait()

    prefetch(0, 0)
    prefetch(1, 1)
    iwait(0)
    gissue(0, 0)
    iwait(1)
    gissue(1, 1)
    gwait(0)
    sissue(0, 0)
    prefetch(2, 2)
    iwait(2)
    gissue(2, 2)
    gwait(1)
    sissue(1, 1)
    prefetch(3, 3)

    def quad(k, carry):
        for jj in range(4):
            j = 4 * k + jj + 2
            b = (jj + 2) % 4
            swait((jj) % 4)
            iwait((jj + 3) % 4)
            gissue(j + 1, (jj + 3) % 4)
            gwait(b)
            sissue(j, b)
            prefetch(j + 2, jj % 4)
        return carry

    lax.fori_loop(0, 30, quad, 0)
    swait(0)
    iwait(3)
    gissue(123, 3)
    gwait(2)
    sissue(122, 2)
    prefetch(124, 0)
    swait(1)
    iwait(0)
    gissue(124, 0)
    gwait(3)
    sissue(123, 3)
    swait(2)
    gwait(0)
    sissue(124, 0)
    swait(3)
    swait(0)
    plsc.subcore_barrier()
    pltpu.sync_copy(acc_sh.at[pl.ds(r0, RPS)], out_hbm.at[c, pl.ds(r0, RPS)])


def _sc_scatter(g, ei):
    idx_t = [pltpu.VMEM((EK,), jnp.int32) for _ in range(8)]
    row_t = [pltpu.VMEM((EK, D), jnp.float32) for _ in range(4)]
    sem_t = [pltpu.SemaphoreType.DMA for _ in range(12)]
    return pl.kernel(
        _scatter_body,
        out_type=jax.ShapeDtypeStruct((NC, NPAD, D), jnp.float32),
        mesh=_sc_mesh(),
        scratch_types=idx_t + row_t + sem_t + [
            pltpu.VMEM_SHARED((NPAD, D), jnp.float32),
        ],
    )(g, ei)


def _tc0_body(p_ref, dinv_ref):
    ones = jnp.ones((NC * NS, 1), jnp.float32)
    deg = lax.dot_general(p_ref[...], ones, (((0,), (0,)), ((), ()))) + 1.0
    dinv_ref[...] = jnp.broadcast_to(lax.rsqrt(deg), (BN, 8))


def _tc_stage0(parts):
    return pl.pallas_call(
        _tc0_body,
        grid=(NB,),
        in_specs=[pl.BlockSpec((NC * NS, BN), lambda i: (0, i))],
        out_specs=pl.BlockSpec((BN, 8), lambda i: (i, 0)),
        out_shape=jax.ShapeDtypeStruct((NPAD, 8), jnp.float32),
    )(parts)


def _tc1_body(x_ref, w_ref, dinv_ref, g_ref):
    dinv = dinv_ref[:, 0:1]
    h = jnp.dot(x_ref[...], w_ref[...], preferred_element_type=jnp.float32)
    g_ref[...] = h * dinv


def _tc_stage1(x, W1, dinv8):
    return pl.pallas_call(
        _tc1_body,
        grid=(NB,),
        in_specs=[
            pl.BlockSpec((BN, D), lambda i: (i, 0)),
            pl.BlockSpec((D, D), lambda i: (0, 0)),
            pl.BlockSpec((BN, 8), lambda i: (i, 0)),
        ],
        out_specs=pl.BlockSpec((BN, D), lambda i: (i, 0)),
        out_shape=jax.ShapeDtypeStruct((NPAD, D), jnp.float32),
    )(x, W1, dinv8)


def _tc2_body(acc_ref, g1_ref, dinv_ref, w2_ref, b1_ref, batch_ref,
              g2_ref, p1_ref, p1_acc):
    i = pl.program_id(0)
    dinv = dinv_ref[:, 0:1]
    esum = acc_ref[0] + acc_ref[1] - g1_ref[...]
    out1 = jax.nn.relu(esum * dinv + b1_ref[...])
    h2 = jnp.dot(out1, w2_ref[...], preferred_element_type=jnp.float32)
    g2_ref[...] = h2 * dinv
    onehot = (batch_ref[0] == lax.broadcasted_iota(jnp.int32, (G, BN), 0)
              ).astype(jnp.float32)
    part = jnp.dot(onehot, out1, preferred_element_type=jnp.float32)

    @pl.when(i == 0)
    def _():
        p1_acc[...] = jnp.zeros_like(p1_acc)

    p1_acc[...] += part

    @pl.when(i == NB - 1)
    def _():
        p1_ref[...] = p1_acc[...]


def _tc_stage2(acc1, g1, dinv8, W2, b1r, batch3):
    return pl.pallas_call(
        _tc2_body,
        grid=(NB,),
        in_specs=[
            pl.BlockSpec((NC, BN, D), lambda i: (0, i, 0)),
            pl.BlockSpec((BN, D), lambda i: (i, 0)),
            pl.BlockSpec((BN, 8), lambda i: (i, 0)),
            pl.BlockSpec((D, D), lambda i: (0, 0)),
            pl.BlockSpec((1, D), lambda i: (0, 0)),
            pl.BlockSpec((1, 1, BN), lambda i: (i, 0, 0)),
        ],
        out_specs=[
            pl.BlockSpec((BN, D), lambda i: (i, 0)),
            pl.BlockSpec((G, D), lambda i: (0, 0)),
        ],
        out_shape=[
            jax.ShapeDtypeStruct((NPAD, D), jnp.float32),
            jax.ShapeDtypeStruct((G, D), jnp.float32),
        ],
        scratch_shapes=[pltpu.VMEM((G, D), jnp.float32)],
    )(acc1, g1, dinv8, W2, b1r, batch3)


def _tc3_body(acc_ref, g2_ref, dinv_ref, b2_ref, batch_ref, p1_ref,
              wl1_ref, bl1_ref, wl2_ref, bl2_ref, h_ref, lsm_ref, p2_acc):
    i = pl.program_id(0)
    dinv = dinv_ref[:, 0:1]
    esum = acc_ref[0] + acc_ref[1] - g2_ref[...]
    out2 = jax.nn.relu(esum * dinv + b2_ref[...])
    onehot = (batch_ref[0] == lax.broadcasted_iota(jnp.int32, (G, BN), 0)
              ).astype(jnp.float32)
    part = jnp.dot(onehot, out2, preferred_element_type=jnp.float32)

    @pl.when(i == 0)
    def _():
        p2_acc[...] = jnp.zeros_like(p2_acc)

    p2_acc[...] += part

    @pl.when(i == NB - 1)
    def _():
        p = jnp.concatenate([p1_ref[...], p2_acc[...]], axis=1)
        h = jnp.dot(p, wl1_ref[...], preferred_element_type=jnp.float32)
        h = jax.nn.relu(h + bl1_ref[...])
        h = jnp.dot(h, wl2_ref[...], preferred_element_type=jnp.float32)
        h = h + bl2_ref[...]
        m = jnp.max(h, axis=1, keepdims=True)
        lse = jnp.log(jnp.sum(jnp.exp(h - m), axis=1, keepdims=True))
        h_ref[...] = h
        lsm_ref[...] = h - m - lse


def _tc_stage3(acc2, g2, dinv8, b2r, batch3, p1, Wl1, bl1r, Wl2, bl2r):
    return pl.pallas_call(
        _tc3_body,
        grid=(NB,),
        in_specs=[
            pl.BlockSpec((NC, BN, D), lambda i: (0, i, 0)),
            pl.BlockSpec((BN, D), lambda i: (i, 0)),
            pl.BlockSpec((BN, 8), lambda i: (i, 0)),
            pl.BlockSpec((1, D), lambda i: (0, 0)),
            pl.BlockSpec((1, 1, BN), lambda i: (i, 0, 0)),
            pl.BlockSpec((G, D), lambda i: (0, 0)),
            pl.BlockSpec((2 * D, 2 * D), lambda i: (0, 0)),
            pl.BlockSpec((1, 2 * D), lambda i: (0, 0)),
            pl.BlockSpec((2 * D, 10), lambda i: (0, 0)),
            pl.BlockSpec((1, 10), lambda i: (0, 0)),
        ],
        out_specs=[
            pl.BlockSpec((G, 10), lambda i: (0, 0)),
            pl.BlockSpec((G, 10), lambda i: (0, 0)),
        ],
        out_shape=[
            jax.ShapeDtypeStruct((G, 10), jnp.float32),
            jax.ShapeDtypeStruct((G, 10), jnp.float32),
        ],
        scratch_shapes=[pltpu.VMEM((G, D), jnp.float32)],
    )(acc2, g2, dinv8, b2r, batch3, p1, Wl1, bl1r, Wl2, bl2r)


def kernel(x, edge_index, batch, W1, b1, W2, b2, Wl1, bl1, Wl2, bl2):
    batchp = jnp.pad(batch, (0, NPAD - N), constant_values=G)
    batch3 = jnp.reshape(batchp, (NB, 1, BN))

    xp = jnp.pad(x, ((0, NPAD - N), (0, 0)))

    eif = jnp.reshape(edge_index, (2 * E,))
    parts = jnp.reshape(_sc_degree(eif), (NC * NS, NPAD))
    dinv8 = _tc_stage0(parts)
    g1 = _tc_stage1(xp, W1, dinv8)
    acc1 = _sc_scatter(g1, eif)
    g2, p1 = _tc_stage2(acc1, g1, dinv8, W2, jnp.reshape(b1, (1, D)), batch3)
    acc2 = _sc_scatter(g2, eif)
    h, lsm = _tc_stage3(acc2, g2, dinv8, jnp.reshape(b2, (1, D)), batch3, p1,
                        Wl1, jnp.reshape(bl1, (1, 2 * D)), Wl2,
                        jnp.reshape(bl2, (1, 10)))
    return (h, lsm)

# --- scband reference (transcript-rebuilt; emitter-appended) ---
"""Pipeline reference for scband-gcn-19086834664141 (READ-ONLY COPY).

The authoritative reference and input builder live on the scoring server;
editing this copy changes nothing except your own understanding.
"""

import jax, jax.numpy as jnp
import numpy as np

N = 10000
E = 320000
DIN = 128
DH = 128
DOUT = 10
G = 64


def setup_inputs(seed: int = 0) -> dict:
    key = jax.random.key(seed)
    ks = jax.random.split(key, 12)
    x = jax.random.normal(ks[0], (N, DIN), dtype=jnp.float32)
    edge_index = jax.random.randint(ks[1], (2, E), 0, N, dtype=jnp.int32)
    batch = jnp.sort(jax.random.randint(ks[2], (N,), 0, G, dtype=jnp.int32))
    def lin(k, fan_in, shape):
        return (jax.random.normal(k, shape, dtype=jnp.float32) / np.sqrt(fan_in)).astype(jnp.float32)
    W1 = lin(ks[3], DIN, (DIN, DH)); b1 = jnp.zeros((DH,), jnp.float32)
    W2 = lin(ks[4], DH, (DH, DH)); b2 = jnp.zeros((DH,), jnp.float32)
    Wl1 = lin(ks[5], 2 * DH, (2 * DH, 2 * DH)); bl1 = jnp.zeros((2 * DH,), jnp.float32)
    Wl2 = lin(ks[6], 2 * DH, (2 * DH, DOUT)); bl2 = jnp.zeros((DOUT,), jnp.float32)
    return {"x": x, "edge_index": edge_index, "batch": batch,
            "W1": W1, "b1": b1, "W2": W2, "b2": b2,
            "Wl1": Wl1, "bl1": bl1, "Wl2": Wl2, "bl2": bl2}


def _gcn_conv(x, src, dst, W, b):
    # GCNConv: x' = D^{-1/2} (A + I) D^{-1/2} X W + b  (self-loops added)
    n = x.shape[0]
    loop = jnp.arange(n, dtype=src.dtype)
    s = jnp.concatenate([src, loop])
    d = jnp.concatenate([dst, loop])
    h = x @ W
    deg = jnp.zeros((n,), jnp.float32).at[d].add(1.0)
    dinv = jnp.where(deg > 0, deg ** -0.5, 0.0)
    norm = dinv[s] * dinv[d]
    msg = h[s] * norm[:, None]
    out = jnp.zeros((n, h.shape[1]), jnp.float32).at[d].add(msg)
    return out + b


def reference(x, edge_index, batch, W1, b1, W2, b2, Wl1, bl1, Wl2, bl2):
    src, dst = edge_index[0], edge_index[1]
    # eval mode: dropout is identity
    h1 = jax.nn.relu(_gcn_conv(x, src, dst, W1, b1))
    h2 = jax.nn.relu(_gcn_conv(h1, src, dst, W2, b2))
    p1 = jax.ops.segment_sum(h1, batch, num_segments=G)
    p2 = jax.ops.segment_sum(h2, batch, num_segments=G)
    h = jnp.concatenate([p1, p2], axis=1)
    h = h @ Wl1 + bl1
    h = jax.nn.relu(h)
    h = h @ Wl2 + bl2
    return (h, jax.nn.log_softmax(h, axis=1))

if __name__ == "__main__":
    import jax
    _d = setup_inputs()
    print(jax.jit(kernel)(*tuple(_d.values())))

</pallas_src>

<mosaic_0001>
#map = affine_map<(d0, d1) -> (0)>
#map1 = affine_map<(d0, d1) -> (0, 0, 0)>
module attributes {stable_mosaic.version = 14 : i64} {
  func.func @_deg_body(%arg0: i32, %arg1: i32, %arg2: memref<640000xi32, #tpu.memory_space<hbm>>, %arg3: memref<2x16x10240xf32, #tpu.memory_space<hbm>>, %arg4: memref<10000xi32, #tpu.memory_space<vmem>>, %arg5: memref<10240xf32, #tpu.memory_space<vmem>>) attributes {dimension_semantics = [#tpu.dimension_semantics<core_parallel>, #tpu.dimension_semantics<subcore_parallel>], iteration_bounds = array<i64: 2, 16>, scalar_prefetch = 0 : i64, scratch_operands = 2 : i64, tpu.core_type = #tpu.core_type<sc_vector_subcore>, window_params = [{transform_indices = #map}, {transform_indices = #map1}]} {
    %broadcast_in_dim3A = arith.constant 0.000000e+00 : f32
    %broadcast_in_dim3A_0 = vector.broadcast %broadcast_in_dim3A : f32 to vector<16xf32>
    %scan3A = arith.constant 0 : i32
    %scan3A_1 = arith.constant 0 : i32
    %scan3A_2 = arith.constant 640 : i32
    %scan3A_3 = arith.addi %scan3A_1, %scan3A_2 : i32
    %scan3A_4 = arith.constant 1 : i32
    scf.for %scan3A_19 = %scan3A_1 to %scan3A_3 step %scan3A_4  : i32 {
      %mul3A_20 = arith.constant 16 : i32
      %mul3A_21 = arith.muli %scan3A_19, %mul3A_20 : i32
      %swap3A = arith.index_cast %mul3A_21 : i32 to index
      %swap3A_22 = tpu.vector_load %arg5[%swap3A] {strides = array<i32>} : memref<10240xf32, #tpu.memory_space<vmem>>, vector<16xf32>,
      tpu.vector_store %arg5[%swap3A], %broadcast_in_dim3A_0 {strides = array<i32>} : memref<10240xf32, #tpu.memory_space<vmem>>, vector<16xf32>,
    }
    %scan3A_5 = arith.constant 640 : i32
    %mul3A = arith.constant 160000 : i32
    %mul3A_6 = arith.muli %arg0, %mul3A : i32
    %mul3A_7 = arith.constant 10000 : i32
    %mul3A_8 = arith.muli %arg1, %mul3A_7 : i32
    %add3A = arith.addi %mul3A_6, %mul3A_8 : i32
    %add3A_9 = arith.constant 320000 : i32
    %add3A_10 = arith.addi %add3A_9, %add3A : i32
    "tpu.region"() ({
      %run_scoped3A = tpu.sem_alloc : memref<!tpu.dma_semaphore, #tpu.memory_space<semaphore_mem>>
      %dma_start3A = tpu.memref_slice %arg2[%add3A_10] : memref<640000xi32, #tpu.memory_space<hbm>> -> memref<10000xi32, #tpu.memory_space<hbm>>
      %dma_start3A_19 = tpu.memref_slice %arg2[%add3A_10] : memref<640000xi32, #tpu.memory_space<hbm>> -> memref<10000xi32, #tpu.memory_space<hbm>>
      tpu.enqueue_dma source(%dma_start3A_19 : memref<10000xi32, #tpu.memory_space<hbm>>) target(%arg4 : memref<10000xi32, #tpu.memory_space<vmem>>) target_semaphore(%run_scoped3A : memref<!tpu.dma_semaphore, #tpu.memory_space<semaphore_mem>>)
      %dma_wait3A = tpu.memref_slice %arg2[%add3A_10] : memref<640000xi32, #tpu.memory_space<hbm>> -> memref<10000xi32, #tpu.memory_space<hbm>>
      %dma_wait3A_20 = tpu.memref_slice %arg2[%add3A_10] : memref<640000xi32, #tpu.memory_space<hbm>> -> memref<10000xi32, #tpu.memory_space<hbm>>
      tpu.wait_dma2 semaphore(%run_scoped3A : memref<!tpu.dma_semaphore, #tpu.memory_space<semaphore_mem>>) src(%dma_wait3A_20 : memref<10000xi32, #tpu.memory_space<hbm>>) dst(%arg4 : memref<10000xi32, #tpu.memory_space<vmem>>)
      tpu.yield
    }) : () -> ()
    %broadcast_in_dim3A_11 = arith.constant 1.000000e+00 : f32
    %broadcast_in_dim3A_12 = vector.broadcast %broadcast_in_dim3A_11 : f32 to vector<16xf32>
    %scan3A_13 = arith.constant 0 : i32
    %scan3A_14 = arith.constant 0 : i32
    %scan3A_15 = arith.constant 625 : i32
    %scan3A_16 = arith.addi %scan3A_14, %scan3A_15 : i32
    %scan3A_17 = arith.constant 1 : i32
    scf.for %scan3A_19 = %scan3A_14 to %scan3A_16 step %scan3A_17  : i32 {
      %mul3A_20 = arith.constant 16 : i32
      %mul3A_21 = arith.muli %scan3A_19, %mul3A_20 : i32
      %get3A = arith.index_cast %mul3A_21 : i32 to index
      %get3A_22 = tpu.vector_load %arg4[%get3A] {strides = array<i32>} : memref<10000xi32, #tpu.memory_space<vmem>>, vector<16xi32>,
      tpu.vector_store_idx %arg5[%get3A_22], %broadcast_in_dim3A_12 {add = true} : memref<10240xf32, #tpu.memory_space<vmem>>[vector<16xi32>], vector<16xf32>,
    }
    %scan3A_18 = arith.constant 625 : i32
    "tpu.region"() ({
      %run_scoped3A = tpu.sem_alloc : memref<!tpu.dma_semaphore, #tpu.memory_space<semaphore_mem>>
      %dma_start3A = arith.constant 0 : i32
      %dma_start3A_19 = tpu.memref_slice %arg3[%arg0, %arg1, %dma_start3A] : memref<2x16x10240xf32, #tpu.memory_space<hbm>> -> memref<1x1x10240xf32, #tpu.memory_space<hbm>>
      %dma_start3A_20 = tpu.memref_squeeze %dma_start3A_19 : memref<1x1x10240xf32, #tpu.memory_space<hbm>> -> memref<10240xf32, #tpu.memory_space<hbm>>
      %dma_start3A_21 = arith.constant 0 : i32
      %dma_start3A_22 = tpu.memref_slice %arg3[%arg0, %arg1, %dma_start3A_21] : memref<2x16x10240xf32, #tpu.memory_space<hbm>> -> memref<1x1x10240xf32, #tpu.memory_space<hbm>>
      %dma_start3A_23 = tpu.memref_squeeze %dma_start3A_22 : memref<1x1x10240xf32, #tpu.memory_space<hbm>> -> memref<10240xf32, #tpu.memory_space<hbm>>
      tpu.enqueue_dma source(%arg5 : memref<10240xf32, #tpu.memory_space<vmem>>) target(%dma_start3A_23 : memref<10240xf32, #tpu.memory_space<hbm>>) target_semaphore(%run_scoped3A : memref<!tpu.dma_semaphore, #tpu.memory_space<semaphore_mem>>)
      %dma_wait3A = arith.constant 0 : i32
      %dma_wait3A_24 = tpu.memref_slice %arg3[%arg0, %arg1, %dma_wait3A] : memref<2x16x10240xf32, #tpu.memory_space<hbm>> -> memref<1x1x10240xf32, #tpu.memory_space<hbm>>
      %dma_wait3A_25 = tpu.memref_squeeze %dma_wait3A_24 : memref<1x1x10240xf32, #tpu.memory_space<hbm>> -> memref<10240xf32, #tpu.memory_space<hbm>>
      %dma_wait3A_26 = arith.constant 0 : i32
      %dma_wait3A_27 = tpu.memref_slice %arg3[%arg0, %arg1, %dma_wait3A_26] : memref<2x16x10240xf32, #tpu.memory_space<hbm>> -> memref<1x1x10240xf32, #tpu.memory_space<hbm>>
      %dma_wait3A_28 = tpu.memref_squeeze %dma_wait3A_27 : memref<1x1x10240xf32, #tpu.memory_space<hbm>> -> memref<10240xf32, #tpu.memory_space<hbm>>
      tpu.wait_dma2 semaphore(%run_scoped3A : memref<!tpu.dma_semaphore, #tpu.memory_space<semaphore_mem>>) src(%arg5 : memref<10240xf32, #tpu.memory_space<vmem>>) dst(%dma_wait3A_28 : memref<10240xf32, #tpu.memory_space<hbm>>)
      tpu.yield
    }) : () -> ()
    return
  }
}

#map = affine_map<(d0, d1) -> (0, 0)>
#map1 = affine_map<(d0, d1) -> (0)>
#map2 = affine_map<(d0, d1) -> (0, 0, 0)>
module attributes {stable_mosaic.version = 14 : i64} {
  func.func @_scatter_body(%arg0: i32, %arg1: i32, %arg2: memref<10240x128xf32, #tpu.memory_space<hbm>>, %arg3: memref<640000xi32, #tpu.memory_space<hbm>>, %arg4: memref<2x10240x128xf32, #tpu.memory_space<hbm>>, %arg5: memref<80xi32, #tpu.memory_space<vmem>>, %arg6: memref<80xi32, #tpu.memory_space<vmem>>, %arg7: memref<80xi32, #tpu.memory_space<vmem>>, %arg8: memref<80xi32, #tpu.memory_space<vmem>>, %arg9: memref<80xi32, #tpu.memory_space<vmem>>, %arg10: memref<80xi32, #tpu.memory_space<vmem>>, %arg11: memref<80xi32, #tpu.memory_space<vmem>>, %arg12: memref<80xi32, #tpu.memory_space<vmem>>, %arg13: memref<80x128xf32, #tpu.memory_space<vmem>>, %arg14: memref<80x128xf32, #tpu.memory_space<vmem>>, %arg15: memref<80x128xf32, #tpu.memory_space<vmem>>, %arg16: memref<80x128xf32, #tpu.memory_space<vmem>>, %arg17: memref<!tpu.dma_semaphore, #tpu.memory_space<semaphore_mem>>, %arg18: memref<!tpu.dma_semaphore, #tpu.memory_space<semaphore_mem>>, %arg19: memref<!tpu.dma_semaphore, #tpu.memory_space<semaphore_mem>>, %arg20: memref<!tpu.dma_semaphore, #tpu.memory_space<semaphore_mem>>, %arg21: memref<!tpu.dma_semaphore, #tpu.memory_space<semaphore_mem>>, %arg22: memref<!tpu.dma_semaphore, #tpu.memory_space<semaphore_mem>>, %arg23: memref<!tpu.dma_semaphore, #tpu.memory_space<semaphore_mem>>, %arg24: memref<!tpu.dma_semaphore, #tpu.memory_space<semaphore_mem>>, %arg25: memref<!tpu.dma_semaphore, #tpu.memory_space<semaphore_mem>>, %arg26: memref<!tpu.dma_semaphore, #tpu.memory_space<semaphore_mem>>, %arg27: memref<!tpu.dma_semaphore, #tpu.memory_space<semaphore_mem>>, %arg28: memref<!tpu.dma_semaphore, #tpu.memory_space<semaphore_mem>>, %arg29: memref<10240x128xf32, #tpu.memory_space<vmem_shared>>) attributes {dimension_semantics = [#tpu.dimension_semantics<core_parallel>, #tpu.dimension_semantics<subcore_parallel>], iteration_bounds = array<i64: 2, 16>, scalar_prefetch = 0 : i64, scratch_operands = 25 : i64, tpu.core_type = #tpu.core_type<sc_vector_subcore>, window_params = [{transform_indices = #map}, {transform_indices = #map1}, {transform_indices = #map2}]} {
    %mul3A = arith.constant 16 : i32
    %mul3A_0 = arith.muli %arg0, %mul3A : i32
    %add3A = arith.addi %mul3A_0, %arg1 : i32
    %mul3A_1 = arith.constant 640 : i32
    %mul3A_2 = arith.muli %arg1, %mul3A_1 : i32
    "tpu.region"() ({
      %run_scoped3A = tpu.sem_alloc : memref<!tpu.dma_semaphore, #tpu.memory_space<semaphore_mem>>
      %dma_start3A_159 = arith.constant 0 : i32
      %dma_start3A_160 = tpu.memref_slice %arg29[%mul3A_2, %dma_start3A_159] : memref<10240x128xf32, #tpu.memory_space<vmem_shared>> -> memref<640x128xf32, #tpu.memory_space<vmem_shared>>
      %dma_start3A_161 = arith.constant 0 : i32
      %dma_start3A_162 = tpu.memref_slice %arg2[%mul3A_2, %dma_start3A_161] : memref<10240x128xf32, #tpu.memory_space<hbm>> -> memref<640x128xf32, #tpu.memory_space<hbm>>
      tpu.enqueue_dma source(%dma_start3A_162 : memref<640x128xf32, #tpu.memory_space<hbm>>) target(%dma_start3A_160 : memref<640x128xf32, #tpu.memory_space<vmem_shared>>) target_semaphore(%run_scoped3A : memref<!tpu.dma_semaphore, #tpu.memory_space<semaphore_mem>>)
      %dma_wait3A_163 = arith.constant 0 : i32
      %dma_wait3A_164 = tpu.memref_slice %arg29[%mul3A_2, %dma_wait3A_163] : memref<10240x128xf32, #tpu.memory_space<vmem_shared>> -> memref<640x128xf32, #tpu.memory_space<vmem_shared>>
      %dma_wait3A_165 = arith.constant 0 : i32
      %dma_wait3A_166 = tpu.memref_slice %arg2[%mul3A_2, %dma_wait3A_165] : memref<10240x128xf32, #tpu.memory_space<hbm>> -> memref<640x128xf32, #tpu.memory_space<hbm>>
      tpu.wait_dma2 semaphore(%run_scoped3A : memref<!tpu.dma_semaphore, #tpu.memory_space<semaphore_mem>>) src(%dma_wait3A_166 : memref<640x128xf32, #tpu.memory_space<hbm>>) dst(%dma_wait3A_164 : memref<640x128xf32, #tpu.memory_space<vmem_shared>>)
      tpu.yield
    }) : () -> ()
    %barrier3A = arith.constant 0 : index
    tpu.barrier barrier_id(%barrier3A)
    %mul3A_3 = arith.constant 10000 : i32
    %mul3A_4 = arith.muli %add3A, %mul3A_3 : i32
    %add3A_5 = arith.constant 0 : i32
    %add3A_6 = arith.addi %mul3A_4, %add3A_5 : i32
    %dma_start3A = tpu.memref_slice %arg3[%add3A_6] : memref<640000xi32, #tpu.memory_space<hbm>> -> memref<80xi32, #tpu.memory_space<hbm>>
    %dma_start3A_7 = tpu.memref_slice %arg3[%add3A_6] : memref<640000xi32, #tpu.memory_space<hbm>> -> memref<80xi32, #tpu.memory_space<hbm>>
    tpu.enqueue_dma source(%dma_start3A_7 : memref<80xi32, #tpu.memory_space<hbm>>) target(%arg5 : memref<80xi32, #tpu.memory_space<vmem>>) target_semaphore(%arg17 : memref<!tpu.dma_semaphore, #tpu.memory_space<semaphore_mem>>)
    %add3A_8 = arith.constant 320000 : i32
    %add3A_9 = arith.addi %add3A_8, %mul3A_4 : i32
    %add3A_10 = arith.constant 0 : i32
    %add3A_11 = arith.addi %add3A_9, %add3A_10 : i32
    %dma_start3A_12 = tpu.memref_slice %arg3[%add3A_11] : memref<640000xi32, #tpu.memory_space<hbm>> -> memref<80xi32, #tpu.memory_space<hbm>>
    %dma_start3A_13 = tpu.memref_slice %arg3[%add3A_11] : memref<640000xi32, #tpu.memory_space<hbm>> -> memref<80xi32, #tpu.memory_space<hbm>>
    tpu.enqueue_dma source(%dma_start3A_13 : memref<80xi32, #tpu.memory_space<hbm>>) target(%arg9 : memref<80xi32, #tpu.memory_space<vmem>>) target_semaphore(%arg17 : memref<!tpu.dma_semaphore, #tpu.memory_space<semaphore_mem>>)
    %add3A_14 = arith.constant 80 : i32
    %add3A_15 = arith.addi %mul3A_4, %add3A_14 : i32
    %dma_start3A_16 = tpu.memref_slice %arg3[%add3A_15] : memref<640000xi32, #tpu.memory_space<hbm>> -> memref<80xi32, #tpu.memory_space<hbm>>
    %dma_start3A_17 = tpu.memref_slice %arg3[%add3A_15] : memref<640000xi32, #tpu.memory_space<hbm>> -> memref<80xi32, #tpu.memory_space<hbm>>
    tpu.enqueue_dma source(%dma_start3A_17 : memref<80xi32, #tpu.memory_space<hbm>>) target(%arg6 : memref<80xi32, #tpu.memory_space<vmem>>) target_semaphore(%arg18 : memref<!tpu.dma_semaphore, #tpu.memory_space<semaphore_mem>>)
    %add3A_18 = arith.constant 320000 : i32
    %add3A_19 = arith.addi %add3A_18, %mul3A_4 : i32
    %add3A_20 = arith.constant 80 : i32
    %add3A_21 = arith.addi %add3A_19, %add3A_20 : i32
    %dma_start3A_22 = tpu.memref_slice %arg3[%add3A_21] : memref<640000xi32, #tpu.memory_space<hbm>> -> memref<80xi32, #tpu.memory_space<hbm>>
    %dma_start3A_23 = tpu.memref_slice %arg3[%add3A_21] : memref<640000xi32, #tpu.memory_space<hbm>> -> memref<80xi32, #tpu.memory_space<hbm>>
    tpu.enqueue_dma source(%dma_start3A_23 : memref<80xi32, #tpu.memory_space<hbm>>) target(%arg10 : memref<80xi32, #tpu.memory_space<vmem>>) target_semaphore(%arg18 : memref<!tpu.dma_semaphore, #tpu.memory_space<semaphore_mem>>)
    %dma_wait3A = arith.constant 0 : i32
    %dma_wait3A_24 = tpu.memref_slice %arg3[%dma_wait3A] : memref<640000xi32, #tpu.memory_space<hbm>> -> memref<80xi32, #tpu.memory_space<hbm>>
    %dma_wait3A_25 = arith.constant 0 : i32
    %dma_wait3A_26 = tpu.memref_slice %arg3[%dma_wait3A_25] : memref<640000xi32, #tpu.memory_space<hbm>> -> memref<80xi32, #tpu.memory_space<hbm>>
    tpu.wait_dma2 semaphore(%arg17 : memref<!tpu.dma_semaphore, #tpu.memory_space<semaphore_mem>>) src(%dma_wait3A_26 : memref<80xi32, #tpu.memory_space<hbm>>) dst(%arg5 : memref<80xi32, #tpu.memory_space<vmem>>)
    %dma_wait3A_27 = arith.constant 0 : i32
    %dma_wait3A_28 = tpu.memref_slice %arg3[%dma_wait3A_27] : memref<640000xi32, #tpu.memory_space<hbm>> -> memref<80xi32, #tpu.memory_space<hbm>>
    %dma_wait3A_29 = arith.constant 0 : i32
    %dma_wait3A_30 = tpu.memref_slice %arg3[%dma_wait3A_29] : memref<640000xi32, #tpu.memory_space<hbm>> -> memref<80xi32, #tpu.memory_space<hbm>>
    tpu.wait_dma2 semaphore(%arg17 : memref<!tpu.dma_semaphore, #tpu.memory_space<semaphore_mem>>) src(%dma_wait3A_30 : memref<80xi32, #tpu.memory_space<hbm>>) dst(%arg9 : memref<80xi32, #tpu.memory_space<vmem>>)
    %dma_start3A_31 = arith.constant 0 : i32
    %dma_start3A_32 = arith.constant 0 : i32
    %dma_start3A_33 = tpu.memref_slice %arg2[%dma_start3A_31, %dma_start3A_32] : memref<10240x128xf32, #tpu.memory_space<hbm>> -> memref<10240x128xf32, #tpu.memory_space<hbm>>
    tpu.enqueue_indirect_dma source(%dma_start3A_33 : memref<10240x128xf32, #tpu.memory_space<hbm>>) target(%arg13 : memref<80x128xf32, #tpu.memory_space<vmem>>) offsets(%arg5 : memref<80xi32, #tpu.memory_space<vmem>>) semaphore(%arg21 : memref<!tpu.dma_semaphore, #tpu.memory_space<semaphore_mem>>)
    %dma_wait3A_34 = arith.constant 0 : i32
    %dma_wait3A_35 = tpu.memref_slice %arg3[%dma_wait3A_34] : memref<640000xi32, #tpu.memory_space<hbm>> -> memref<80xi32, #tpu.memory_space<hbm>>
    %dma_wait3A_36 = arith.constant 0 : i32
    %dma_wait3A_37 = tpu.memref_slice %arg3[%dma_wait3A_36] : memref<640000xi32, #tpu.memory_space<hbm>> -> memref<80xi32, #tpu.memory_space<hbm>>
    tpu.wait_dma2 semaphore(%arg18 : memref<!tpu.dma_semaphore, #tpu.memory_space<semaphore_mem>>) src(%dma_wait3A_37 : memref<80xi32, #tpu.memory_space<hbm>>) dst(%arg6 : memref<80xi32, #tpu.memory_space<vmem>>)
    %dma_wait3A_38 = arith.constant 0 : i32
    %dma_wait3A_39 = tpu.memref_slice %arg3[%dma_wait3A_38] : memref<640000xi32, #tpu.memory_space<hbm>> -> memref<80xi32, #tpu.memory_space<hbm>>
    %dma_wait3A_40 = arith.constant 0 : i32
    %dma_wait3A_41 = tpu.memref_slice %arg3[%dma_wait3A_40] : memref<640000xi32, #tpu.memory_space<hbm>> -> memref<80xi32, #tpu.memory_space<hbm>>
    tpu.wait_dma2 semaphore(%arg18 : memref<!tpu.dma_semaphore, #tpu.memory_space<semaphore_mem>>) src(%dma_wait3A_41 : memref<80xi32, #tpu.memory_space<hbm>>) dst(%arg10 : memref<80xi32, #tpu.memory_space<vmem>>)
    %dma_start3A_42 = arith.constant 0 : i32
    %dma_start3A_43 = arith.constant 0 : i32
    %dma_start3A_44 = tpu.memref_slice %arg2[%dma_start3A_42, %dma_start3A_43] : memref<10240x128xf32, #tpu.memory_space<hbm>> -> memref<10240x128xf32, #tpu.memory_space<hbm>>
    tpu.enqueue_indirect_dma source(%dma_start3A_44 : memref<10240x128xf32, #tpu.memory_space<hbm>>) target(%arg14 : memref<80x128xf32, #tpu.memory_space<vmem>>) offsets(%arg6 : memref<80xi32, #tpu.memory_space<vmem>>) semaphore(%arg22 : memref<!tpu.dma_semaphore, #tpu.memory_space<semaphore_mem>>)
    %dma_wait3A_45 = arith.constant 0 : i32
    %dma_wait3A_46 = arith.constant 0 : i32
    %dma_wait3A_47 = tpu.memref_slice %arg2[%dma_wait3A_45, %dma_wait3A_46] : memref<10240x128xf32, #tpu.memory_space<hbm>> -> memref<10240x128xf32, #tpu.memory_space<hbm>>
    tpu.wait_indirect_dma semaphore(%arg21 : memref<!tpu.dma_semaphore, #tpu.memory_space<semaphore_mem>>) src(%dma_wait3A_47 : memref<10240x128xf32, #tpu.memory_space<hbm>>) dst(%arg13 : memref<80x128xf32, #tpu.memory_space<vmem>>)
    %dma_start3A_48 = arith.constant 0 : i32
    %dma_start3A_49 = arith.constant 0 : i32
    %dma_start3A_50 = tpu.memref_slice %arg29[%dma_start3A_48, %dma_start3A_49] : memref<10240x128xf32, #tpu.memory_space<vmem_shared>> -> memref<10240x128xf32, #tpu.memory_space<vmem_shared>>
    tpu.enqueue_indirect_dma source(%arg13 : memref<80x128xf32, #tpu.memory_space<vmem>>) target(%dma_start3A_50 : memref<10240x128xf32, #tpu.memory_space<vmem_shared>>) offsets(%arg9 : memref<80xi32, #tpu.memory_space<vmem>>) semaphore(%arg25 : memref<!tpu.dma_semaphore, #tpu.memory_space<semaphore_mem>>) {add = true}
    %add3A_51 = arith.constant 160 : i32
    %add3A_52 = arith.addi %mul3A_4, %add3A_51 : i32
    %dma_start3A_53 = tpu.memref_slice %arg3[%add3A_52] : memref<640000xi32, #tpu.memory_space<hbm>> -> memref<80xi32, #tpu.memory_space<hbm>>
    %dma_start3A_54 = tpu.memref_slice %arg3[%add3A_52] : memref<640000xi32, #tpu.memory_space<hbm>> -> memref<80xi32, #tpu.memory_space<hbm>>
    tpu.enqueue_dma source(%dma_start3A_54 : memref<80xi32, #tpu.memory_space<hbm>>) target(%arg7 : memref<80xi32, #tpu.memory_space<vmem>>) target_semaphore(%arg19 : memref<!tpu.dma_semaphore, #tpu.memory_space<semaphore_mem>>)
    %add3A_55 = arith.constant 320000 : i32
    %add3A_56 = arith.addi %add3A_55, %mul3A_4 : i32
    %add3A_57 = arith.constant 160 : i32
    %add3A_58 = arith.addi %add3A_56, %add3A_57 : i32
    %dma_start3A_59 = tpu.memref_slice %arg3[%add3A_58] : memref<640000xi32, #tpu.memory_space<hbm>> -> memref<80xi32, #tpu.memory_space<hbm>>
    %dma_start3A_60 = tpu.memref_slice %arg3[%add3A_58] : memref<640000xi32, #tpu.memory_space<hbm>> -> memref<80xi32, #tpu.memory_space<hbm>>
    tpu.enqueue_dma source(%dma_start3A_60 : memref<80xi32, #tpu.memory_space<hbm>>) target(%arg11 : memref<80xi32, #tpu.memory_space<vmem>>) target_semaphore(%arg19 : memref<!tpu.dma_semaphore, #tpu.memory_space<semaphore_mem>>)
    %dma_wait3A_61 = arith.constant 0 : i32
    %dma_wait3A_62 = tpu.memref_slice %arg3[%dma_wait3A_61] : memref<640000xi32, #tpu.memory_space<hbm>> -> memref<80xi32, #tpu.memory_space<hbm>>
    %dma_wait3A_63 = arith.constant 0 : i32
    %dma_wait3A_64 = tpu.memref_slice %arg3[%dma_wait3A_63] : memref<640000xi32, #tpu.memory_space<hbm>> -> memref<80xi32, #tpu.memory_space<hbm>>
    tpu.wait_dma2 semaphore(%arg19 : memref<!tpu.dma_semaphore, #tpu.memory_space<semaphore_mem>>) src(%dma_wait3A_64 : memref<80xi32, #tpu.memory_space<hbm>>) dst(%arg7 : memref<80xi32, #tpu.memory_space<vmem>>)
    %dma_wait3A_65 = arith.constant 0 : i32
    %dma_wait3A_66 = tpu.memref_slice %arg3[%dma_wait3A_65] : memref<640000xi32, #tpu.memory_space<hbm>> -> memref<80xi32, #tpu.memory_space<hbm>>
    %dma_wait3A_67 = arith.constant 0 : i32
    %dma_wait3A_68 = tpu.memref_slice %arg3[%dma_wait3A_67] : memref<640000xi32, #tpu.memory_space<hbm>> -> memref<80xi32, #tpu.memory_space<hbm>>
    tpu.wait_dma2 semaphore(%arg19 : memref<!tpu.dma_semaphore, #tpu.memory_space<semaphore_mem>>) src(%dma_wait3A_68 : memref<80xi32, #tpu.memory_space<hbm>>) dst(%arg11 : memref<80xi32, #tpu.memory_space<vmem>>)
    %dma_start3A_69 = arith.constant 0 : i32
    %dma_start3A_70 = arith.constant 0 : i32
    %dma_start3A_71 = tpu.memref_slice %arg2[%dma_start3A_69, %dma_start3A_70] : memref<10240x128xf32, #tpu.memory_space<hbm>> -> memref<10240x128xf32, #tpu.memory_space<hbm>>
    tpu.enqueue_indirect_dma source(%dma_start3A_71 : memref<10240x128xf32, #tpu.memory_space<hbm>>) target(%arg15 : memref<80x128xf32, #tpu.memory_space<vmem>>) offsets(%arg7 : memref<80xi32, #tpu.memory_space<vmem>>) semaphore(%arg23 : memref<!tpu.dma_semaphore, #tpu.memory_space<semaphore_mem>>)
    %dma_wait3A_72 = arith.constant 0 : i32
    %dma_wait3A_73 = arith.constant 0 : i32
    %dma_wait3A_74 = tpu.memref_slice %arg2[%dma_wait3A_72, %dma_wait3A_73] : memref<10240x128xf32, #tpu.memory_space<hbm>> -> memref<10240x128xf32, #tpu.memory_space<hbm>>
    tpu.wait_indirect_dma semaphore(%arg22 : memref<!tpu.dma_semaphore, #tpu.memory_space<semaphore_mem>>) src(%dma_wait3A_74 : memref<10240x128xf32, #tpu.memory_space<hbm>>) dst(%arg14 : memref<80x128xf32, #tpu.memory_space<vmem>>)
    %dma_start3A_75 = arith.constant 0 : i32
    %dma_start3A_76 = arith.constant 0 : i32
    %dma_start3A_77 = tpu.memref_slice %arg29[%dma_start3A_75, %dma_start3A_76] : memref<10240x128xf32, #tpu.memory_space<vmem_shared>> -> memref<10240x128xf32, #tpu.memory_space<vmem_shared>>
    tpu.enqueue_indirect_dma source(%arg14 : memref<80x128xf32, #tpu.memory_space<vmem>>) target(%dma_start3A_77 : memref<10240x128xf32, #tpu.memory_space<vmem_shared>>) offsets(%arg10 : memref<80xi32, #tpu.memory_space<vmem>>) semaphore(%arg26 : memref<!tpu.dma_semaphore, #tpu.memory_space<semaphore_mem>>) {add = true}
    %add3A_78 = arith.constant 240 : i32
    %add3A_79 = arith.addi %mul3A_4, %add3A_78 : i32
    %dma_start3A_80 = tpu.memref_slice %arg3[%add3A_79] : memref<640000xi32, #tpu.memory_space<hbm>> -> memref<80xi32, #tpu.memory_space<hbm>>
    %dma_start3A_81 = tpu.memref_slice %arg3[%add3A_79] : memref<640000xi32, #tpu.memory_space<hbm>> -> memref<80xi32, #tpu.memory_space<hbm>>
    tpu.enqueue_dma source(%dma_start3A_81 : memref<80xi32, #tpu.memory_space<hbm>>) target(%arg8 : memref<80xi32, #tpu.memory_space<vmem>>) target_semaphore(%arg20 : memref<!tpu.dma_semaphore, #tpu.memory_space<semaphore_mem>>)
    %add3A_82 = arith.constant 320000 : i32
    %add3A_83 = arith.addi %add3A_82, %mul3A_4 : i32
    %add3A_84 = arith.constant 240 : i32
    %add3A_85 = arith.addi %add3A_83, %add3A_84 : i32
    %dma_start3A_86 = tpu.memref_slice %arg3[%add3A_85] : memref<640000xi32, #tpu.memory_space<hbm>> -> memref<80xi32, #tpu.memory_space<hbm>>
    %dma_start3A_87 = tpu.memref_slice %arg3[%add3A_85] : memref<640000xi32, #tpu.memory_space<hbm>> -> memref<80xi32, #tpu.memory_space<hbm>>
    tpu.enqueue_dma source(%dma_start3A_87 : memref<80xi32, #tpu.memory_space<hbm>>) target(%arg12 : memref<80xi32, #tpu.memory_space<vmem>>) target_semaphore(%arg20 : memref<!tpu.dma_semaphore, #tpu.memory_space<semaphore_mem>>)
    %scan3A = arith.constant 0 : i32
    %scan3A_88 = arith.constant 0 : i32
    %scan3A_89 = arith.constant 30 : i32
    %scan3A_90 = arith.addi %scan3A_88, %scan3A_89 : i32
    %scan3A_91 = arith.constant 1 : i32
    scf.for %scan3A_159 = %scan3A_88 to %scan3A_90 step %scan3A_91  : i32 {
      %mul3A_160 = arith.constant 4 : i32
      %mul3A_161 = arith.muli %mul3A_160, %scan3A_159 : i32
      %add3A_162 = arith.constant 0 : i32
      %add3A_163 = arith.addi %mul3A_161, %add3A_162 : i32
      %add3A_164 = arith.constant 2 : i32
      %add3A_165 = arith.addi %add3A_163, %add3A_164 : i32
      %dma_wait3A_166 = arith.constant 0 : i32
      %dma_wait3A_167 = arith.constant 0 : i32
      %dma_wait3A_168 = tpu.memref_slice %arg29[%dma_wait3A_166, %dma_wait3A_167] : memref<10240x128xf32, #tpu.memory_space<vmem_shared>> -> memref<10240x128xf32, #tpu.memory_space<vmem_shared>>
      tpu.wait_indirect_dma semaphore(%arg25 : memref<!tpu.dma_semaphore, #tpu.memory_space<semaphore_mem>>) src(%arg13 : memref<80x128xf32, #tpu.memory_space<vmem>>) dst(%dma_wait3A_168 : memref<10240x128xf32, #tpu.memory_space<vmem_shared>>)
      %dma_wait3A_169 = arith.constant 0 : i32
      %dma_wait3A_170 = tpu.memref_slice %arg3[%dma_wait3A_169] : memref<640000xi32, #tpu.memory_space<hbm>> -> memref<80xi32, #tpu.memory_space<hbm>>
      %dma_wait3A_171 = arith.constant 0 : i32
      %dma_wait3A_172 = tpu.memref_slice %arg3[%dma_wait3A_171] : memref<640000xi32, #tpu.memory_space<hbm>> -> memref<80xi32, #tpu.memory_space<hbm>>
      tpu.wait_dma2 semaphore(%arg20 : memref<!tpu.dma_semaphore, #tpu.memory_space<semaphore_mem>>) src(%dma_wait3A_172 : memref<80xi32, #tpu.memory_space<hbm>>) dst(%arg8 : memref<80xi32, #tpu.memory_space<vmem>>)
      %dma_wait3A_173 = arith.constant 0 : i32
      %dma_wait3A_174 = tpu.memref_slice %arg3[%dma_wait3A_173] : memref<640000xi32, #tpu.memory_space<hbm>> -> memref<80xi32, #tpu.memory_space<hbm>>
      %dma_wait3A_175 = arith.constant 0 : i32
      %dma_wait3A_176 = tpu.memref_slice %arg3[%dma_wait3A_175] : memref<640000xi32, #tpu.memory_space<hbm>> -> memref<80xi32, #tpu.memory_space<hbm>>
      tpu.wait_dma2 semaphore(%arg20 : memref<!tpu.dma_semaphore, #tpu.memory_space<semaphore_mem>>) src(%dma_wait3A_176 : memref<80xi32, #tpu.memory_space<hbm>>) dst(%arg12 : memref<80xi32, #tpu.memory_space<vmem>>)
      %add3A_177 = arith.constant 1 : i32
      %add3A_178 = arith.addi %add3A_165, %add3A_177 : i32
      %dma_start3A_179 = arith.constant 0 : i32
      %dma_start3A_180 = arith.constant 0 : i32
      %dma_start3A_181 = tpu.memref_slice %arg2[%dma_start3A_179, %dma_start3A_180] : memref<10240x128xf32, #tpu.memory_space<hbm>> -> memref<10240x128xf32, #tpu.memory_space<hbm>>
      tpu.enqueue_indirect_dma source(%dma_start3A_181 : memref<10240x128xf32, #tpu.memory_space<hbm>>) target(%arg16 : memref<80x128xf32, #tpu.memory_space<vmem>>) offsets(%arg8 : memref<80xi32, #tpu.memory_space<vmem>>) semaphore(%arg24 : memref<!tpu.dma_semaphore, #tpu.memory_space<semaphore_mem>>)
      %dma_wait3A_182 = arith.constant 0 : i32
      %dma_wait3A_183 = arith.constant 0 : i32
      %dma_wait3A_184 = tpu.memref_slice %arg2[%dma_wait3A_182, %dma_wait3A_183] : memref<10240x128xf32, #tpu.memory_space<hbm>> -> memref<10240x128xf32, #tpu.memory_space<hbm>>
      tpu.wait_indirect_dma semaphore(%arg23 : memref<!tpu.dma_semaphore, #tpu.memory_space<semaphore_mem>>) src(%dma_wait3A_184 : memref<10240x128xf32, #tpu.memory_space<hbm>>) dst(%arg15 : memref<80x128xf32, #tpu.memory_space<vmem>>)
      %dma_start3A_185 = arith.constant 0 : i32
      %dma_start3A_186 = arith.constant 0 : i32
      %dma_start3A_187 = tpu.memref_slice %arg29[%dma_start3A_185, %dma_start3A_186] : memref<10240x128xf32, #tpu.memory_space<vmem_shared>> -> memref<10240x128xf32, #tpu.memory_space<vmem_shared>>
      tpu.enqueue_indirect_dma source(%arg15 : memref<80x128xf32, #tpu.memory_space<vmem>>) target(%dma_start3A_187 : memref<10240x128xf32, #tpu.memory_space<vmem_shared>>) offsets(%arg11 : memref<80xi32, #tpu.memory_space<vmem>>) semaphore(%arg27 : memref<!tpu.dma_semaphore, #tpu.memory_space<semaphore_mem>>) {add = true}
      %add3A_188 = arith.constant 2 : i32
      %add3A_189 = arith.addi %add3A_165, %add3A_188 : i32
      %mul3A_190 = arith.constant 80 : i32
      %mul3A_191 = arith.muli %add3A_189, %mul3A_190 : i32
      %add3A_192 = arith.addi %mul3A_4, %mul3A_191 : i32
      %dma_start3A_193 = tpu.memref_slice %arg3[%add3A_192] : memref<640000xi32, #tpu.memory_space<hbm>> -> memref<80xi32, #tpu.memory_space<hbm>>
      %dma_start3A_194 = tpu.memref_slice %arg3[%add3A_192] : memref<640000xi32, #tpu.memory_space<hbm>> -> memref<80xi32, #tpu.memory_space<hbm>>
      tpu.enqueue_dma source(%dma_start3A_194 : memref<80xi32, #tpu.memory_space<hbm>>) target(%arg5 : memref<80xi32, #tpu.memory_space<vmem>>) target_semaphore(%arg17 : memref<!tpu.dma_semaphore, #tpu.memory_space<semaphore_mem>>)
      %add3A_195 = arith.constant 320000 : i32
      %add3A_196 = arith.addi %add3A_195, %mul3A_4 : i32
      %mul3A_197 = arith.constant 80 : i32
      %mul3A_198 = arith.muli %add3A_189, %mul3A_197 : i32
      %add3A_199 = arith.addi %add3A_196, %mul3A_198 : i32
      %dma_start3A_200 = tpu.memref_slice %arg3[%add3A_199] : memref<640000xi32, #tpu.memory_space<hbm>> -> memref<80xi32, #tpu.memory_space<hbm>>
      %dma_start3A_201 = tpu.memref_slice %arg3[%add3A_199] : memref<640000xi32, #tpu.memory_space<hbm>> -> memref<80xi32, #tpu.memory_space<hbm>>
      tpu.enqueue_dma source(%dma_start3A_201 : memref<80xi32, #tpu.memory_space<hbm>>) target(%arg9 : memref<80xi32, #tpu.memory_space<vmem>>) target_semaphore(%arg17 : memref<!tpu.dma_semaphore, #tpu.memory_space<semaphore_mem>>)
      %mul3A_202 = arith.constant 4 : i32
      %mul3A_203 = arith.muli %mul3A_202, %scan3A_159 : i32
      %add3A_204 = arith.constant 1 : i32
      %add3A_205 = arith.addi %mul3A_203, %add3A_204 : i32
      %add3A_206 = arith.constant 2 : i32
      %add3A_207 = arith.addi %add3A_205, %add3A_206 : i32
      %dma_wait3A_208 = arith.constant 0 : i32
      %dma_wait3A_209 = arith.constant 0 : i32
      %dma_wait3A_210 = tpu.memref_slice %arg29[%dma_wait3A_208, %dma_wait3A_209] : memref<10240x128xf32, #tpu.memory_space<vmem_shared>> -> memref<10240x128xf32, #tpu.memory_space<vmem_shared>>
      tpu.wait_indirect_dma semaphore(%arg26 : memref<!tpu.dma_semaphore, #tpu.memory_space<semaphore_mem>>) src(%arg14 : memref<80x128xf32, #tpu.memory_space<vmem>>) dst(%dma_wait3A_210 : memref<10240x128xf32, #tpu.memory_space<vmem_shared>>)
      %dma_wait3A_211 = arith.constant 0 : i32
      %dma_wait3A_212 = tpu.memref_slice %arg3[%dma_wait3A_211] : memref<640000xi32, #tpu.memory_space<hbm>> -> memref<80xi32, #tpu.memory_space<hbm>>
      %dma_wait3A_213 = arith.constant 0 : i32
      %dma_wait3A_214 = tpu.memref_slice %arg3[%dma_wait3A_213] : memref<640000xi32, #tpu.memory_space<hbm>> -> memref<80xi32, #tpu.memory_space<hbm>>
      tpu.wait_dma2 semaphore(%arg17 : memref<!tpu.dma_semaphore, #tpu.memory_space<semaphore_mem>>) src(%dma_wait3A_214 : memref<80xi32, #tpu.memory_space<hbm>>) dst(%arg5 : memref<80xi32, #tpu.memory_space<vmem>>)
      %dma_wait3A_215 = arith.constant 0 : i32
      %dma_wait3A_216 = tpu.memref_slice %arg3[%dma_wait3A_215] : memref<640000xi32, #tpu.memory_space<hbm>> -> memref<80xi32, #tpu.memory_space<hbm>>
      %dma_wait3A_217 = arith.constant 0 : i32
      %dma_wait3A_218 = tpu.memref_slice %arg3[%dma_wait3A_217] : memref<640000xi32, #tpu.memory_space<hbm>> -> memref<80xi32, #tpu.memory_space<hbm>>
      tpu.wait_dma2 semaphore(%arg17 : memref<!tpu.dma_semaphore, #tpu.memory_space<semaphore_mem>>) src(%dma_wait3A_218 : memref<80xi32, #tpu.memory_space<hbm>>) dst(%arg9 : memref<80xi32, #tpu.memory_space<vmem>>)
      %add3A_219 = arith.constant 1 : i32
      %add3A_220 = arith.addi %add3A_207, %add3A_219 : i32
      %dma_start3A_221 = arith.constant 0 : i32
      %dma_start3A_222 = arith.constant 0 : i32
      %dma_start3A_223 = tpu.memref_slice %arg2[%dma_start3A_221, %dma_start3A_222] : memref<10240x128xf32, #tpu.memory_space<hbm>> -> memref<10240x128xf32, #tpu.memory_space<hbm>>
      tpu.enqueue_indirect_dma source(%dma_start3A_223 : memref<10240x128xf32, #tpu.memory_space<hbm>>) target(%arg13 : memref<80x128xf32, #tpu.memory_space<vmem>>) offsets(%arg5 : memref<80xi32, #tpu.memory_space<vmem>>) semaphore(%arg21 : memref<!tpu.dma_semaphore, #tpu.memory_space<semaphore_mem>>)
      %dma_wait3A_224 = arith.constant 0 : i32
      %dma_wait3A_225 = arith.constant 0 : i32
      %dma_wait3A_226 = tpu.memref_slice %arg2[%dma_wait3A_224, %dma_wait3A_225] : memref<10240x128xf32, #tpu.memory_space<hbm>> -> memref<10240x128xf32, #tpu.memory_space<hbm>>
      tpu.wait_indirect_dma semaphore(%arg24 : memref<!tpu.dma_semaphore, #tpu.memory_space<semaphore_mem>>) src(%dma_wait3A_226 : memref<10240x128xf32, #tpu.memory_space<hbm>>) dst(%arg16 : memref<80x128xf32, #tpu.memory_space<vmem>>)
      %dma_start3A_227 = arith.constant 0 : i32
      %dma_start3A_228 = arith.constant 0 : i32
      %dma_start3A_229 = tpu.memref_slice %arg29[%dma_start3A_227, %dma_start3A_228] : memref<10240x128xf32, #tpu.memory_space<vmem_shared>> -> memref<10240x128xf32, #tpu.memory_space<vmem_shared>>
      tpu.enqueue_indirect_dma source(%arg16 : memref<80x128xf32, #tpu.memory_space<vmem>>) target(%dma_start3A_229 : memref<10240x128xf32, #tpu.memory_space<vmem_shared>>) offsets(%arg12 : memref<80xi32, #tpu.memory_space<vmem>>) semaphore(%arg28 : memref<!tpu.dma_semaphore, #tpu.memory_space<semaphore_mem>>) {add = true}
      %add3A_230 = arith.constant 2 : i32
      %add3A_231 = arith.addi %add3A_207, %add3A_230 : i32
      %mul3A_232 = arith.constant 80 : i32
      %mul3A_233 = arith.muli %add3A_231, %mul3A_232 : i32
      %add3A_234 = arith.addi %mul3A_4, %mul3A_233 : i32
      %dma_start3A_235 = tpu.memref_slice %arg3[%add3A_234] : memref<640000xi32, #tpu.memory_space<hbm>> -> memref<80xi32, #tpu.memory_space<hbm>>
      %dma_start3A_236 = tpu.memref_slice %arg3[%add3A_234] : memref<640000xi32, #tpu.memory_space<hbm>> -> memref<80xi32, #tpu.memory_space<hbm>>
      tpu.enqueue_dma source(%dma_start3A_236 : memref<80xi32, #tpu.memory_space<hbm>>) target(%arg6 : memref<80xi32, #tpu.memory_space<vmem>>) target_semaphore(%arg18 : memref<!tpu.dma_semaphore, #tpu.memory_space<semaphore_mem>>)
      %add3A_237 = arith.constant 320000 : i32
      %add3A_238 = arith.addi %add3A_237, %mul3A_4 : i32
      %mul3A_239 = arith.constant 80 : i32
      %mul3A_240 = arith.muli %add3A_231, %mul3A_239 : i32
      %add3A_241 = arith.addi %add3A_238, %mul3A_240 : i32
      %dma_start3A_242 = tpu.memref_slice %arg3[%add3A_241] : memref<640000xi32, #tpu.memory_space<hbm>> -> memref<80xi32, #tpu.memory_space<hbm>>
      %dma_start3A_243 = tpu.memref_slice %arg3[%add3A_241] : memref<640000xi32, #tpu.memory_space<hbm>> -> memref<80xi32, #tpu.memory_space<hbm>>
      tpu.enqueue_dma source(%dma_start3A_243 : memref<80xi32, #tpu.memory_space<hbm>>) target(%arg10 : memref<80xi32, #tpu.memory_space<vmem>>) target_semaphore(%arg18 : memref<!tpu.dma_semaphore, #tpu.memory_space<semaphore_mem>>)
      %mul3A_244 = arith.constant 4 : i32
      %mul3A_245 = arith.muli %mul3A_244, %scan3A_159 : i32
      %add3A_246 = arith.constant 2 : i32
      %add3A_247 = arith.addi %mul3A_245, %add3A_246 : i32
      %add3A_248 = arith.constant 2 : i32
      %add3A_249 = arith.addi %add3A_247, %add3A_248 : i32
      %dma_wait3A_250 = arith.constant 0 : i32
      %dma_wait3A_251 = arith.constant 0 : i32
      %dma_wait3A_252 = tpu.memref_slice %arg29[%dma_wait3A_250, %dma_wait3A_251] : memref<10240x128xf32, #tpu.memory_space<vmem_shared>> -> memref<10240x128xf32, #tpu.memory_space<vmem_shared>>
      tpu.wait_indirect_dma semaphore(%arg27 : memref<!tpu.dma_semaphore, #tpu.memory_space<semaphore_mem>>) src(%arg15 : memref<80x128xf32, #tpu.memory_space<vmem>>) dst(%dma_wait3A_252 : memref<10240x128xf32, #tpu.memory_space<vmem_shared>>)
      %dma_wait3A_253 = arith.constant 0 : i32
      %dma_wait3A_254 = tpu.memref_slice %arg3[%dma_wait3A_253] : memref<640000xi32, #tpu.memory_space<hbm>> -> memref<80xi32, #tpu.memory_space<hbm>>
      %dma_wait3A_255 = arith.constant 0 : i32
      %dma_wait3A_256 = tpu.memref_slice %arg3[%dma_wait3A_255] : memref<640000xi32, #tpu.memory_space<hbm>> -> memref<80xi32, #tpu.memory_space<hbm>>
      tpu.wait_dma2 semaphore(%arg18 : memref<!tpu.dma_semaphore, #tpu.memory_space<semaphore_mem>>) src(%dma_wait3A_256 : memref<80xi32, #tpu.memory_space<hbm>>) dst(%arg6 : memref<80xi32, #tpu.memory_space<vmem>>)
      %dma_wait3A_257 = arith.constant 0 : i32
      %dma_wait3A_258 = tpu.memref_slice %arg3[%dma_wait3A_257] : memref<640000xi32, #tpu.memory_space<hbm>> -> memref<80xi32, #tpu.memory_space<hbm>>
      %dma_wait3A_259 = arith.constant 0 : i32
      %dma_wait3A_260 = tpu.memref_slice %arg3[%dma_wait3A_259] : memref<640000xi32, #tpu.memory_space<hbm>> -> memref<80xi32, #tpu.memory_space<hbm>>
      tpu.wait_dma2 semaphore(%arg18 : memref<!tpu.dma_semaphore, #tpu.memory_space<semaphore_mem>>) src(%dma_wait3A_260 : memref<80xi32, #tpu.memory_space<hbm>>) dst(%arg10 : memref<80xi32, #tpu.memory_space<vmem>>)
      %add3A_261 = arith.constant 1 : i32
      %add3A_262 = arith.addi %add3A_249, %add3A_261 : i32
      %dma_start3A_263 = arith.constant 0 : i32
      %dma_start3A_264 = arith.constant 0 : i32
      %dma_start3A_265 = tpu.memref_slice %arg2[%dma_start3A_263, %dma_start3A_264] : memref<10240x128xf32, #tpu.memory_space<hbm>> -> memref<10240x128xf32, #tpu.memory_space<hbm>>
      tpu.enqueue_indirect_dma source(%dma_start3A_265 : memref<10240x128xf32, #tpu.memory_space<hbm>>) target(%arg14 : memref<80x128xf32, #tpu.memory_space<vmem>>) offsets(%arg6 : memref<80xi32, #tpu.memory_space<vmem>>) semaphore(%arg22 : memref<!tpu.dma_semaphore, #tpu.memory_space<semaphore_mem>>)
      %dma_wait3A_266 = arith.constant 0 : i32
      %dma_wait3A_267 = arith.constant 0 : i32
      %dma_wait3A_268 = tpu.memref_slice %arg2[%dma_wait3A_266, %dma_wait3A_267] : memref<10240x128xf32, #tpu.memory_space<hbm>> -> memref<10240x128xf32, #tpu.memory_space<hbm>>
      tpu.wait_indirect_dma semaphore(%arg21 : memref<!tpu.dma_semaphore, #tpu.memory_space<semaphore_mem>>) src(%dma_wait3A_268 : memref<10240x128xf32, #tpu.memory_space<hbm>>) dst(%arg13 : memref<80x128xf32, #tpu.memory_space<vmem>>)
      %dma_start3A_269 = arith.constant 0 : i32
      %dma_start3A_270 = arith.constant 0 : i32
      %dma_start3A_271 = tpu.memref_slice %arg29[%dma_start3A_269, %dma_start3A_270] : memref<10240x128xf32, #tpu.memory_space<vmem_shared>> -> memref<10240x128xf32, #tpu.memory_space<vmem_shared>>
      tpu.enqueue_indirect_dma source(%arg13 : memref<80x128xf32, #tpu.memory_space<vmem>>) target(%dma_start3A_271 : memref<10240x128xf32, #tpu.memory_space<vmem_shared>>) offsets(%arg9 : memref<80xi32, #tpu.memory_space<vmem>>) semaphore(%arg25 : memref<!tpu.dma_semaphore, #tpu.memory_space<semaphore_mem>>) {add = true}
      %add3A_272 = arith.constant 2 : i32
      %add3A_273 = arith.addi %add3A_249, %add3A_272 : i32
      %mul3A_274 = arith.constant 80 : i32
      %mul3A_275 = arith.muli %add3A_273, %mul3A_274 : i32
      %add3A_276 = arith.addi %mul3A_4, %mul3A_275 : i32
      %dma_start3A_277 = tpu.memref_slice %arg3[%add3A_276] : memref<640000xi32, #tpu.memory_space<hbm>> -> memref<80xi32, #tpu.memory_space<hbm>>
      %dma_start3A_278 = tpu.memref_slice %arg3[%add3A_276] : memref<640000xi32, #tpu.memory_space<hbm>> -> memref<80xi32, #tpu.memory_space<hbm>>
      tpu.enqueue_dma source(%dma_start3A_278 : memref<80xi32, #tpu.memory_space<hbm>>) target(%arg7 : memref<80xi32, #tpu.memory_space<vmem>>) target_semaphore(%arg19 : memref<!tpu.dma_semaphore, #tpu.memory_space<semaphore_mem>>)
      %add3A_279 = arith.constant 320000 : i32
      %add3A_280 = arith.addi %add3A_279, %mul3A_4 : i32
      %mul3A_281 = arith.constant 80 : i32
      %mul3A_282 = arith.muli %add3A_273, %mul3A_281 : i32
      %add3A_283 = arith.addi %add3A_280, %mul3A_282 : i32
      %dma_start3A_284 = tpu.memref_slice %arg3[%add3A_283] : memref<640000xi32, #tpu.memory_space<hbm>> -> memref<80xi32, #tpu.memory_space<hbm>>
      %dma_start3A_285 = tpu.memref_slice %arg3[%add3A_283] : memref<640000xi32, #tpu.memory_space<hbm>> -> memref<80xi32, #tpu.memory_space<hbm>>
      tpu.enqueue_dma source(%dma_start3A_285 : memref<80xi32, #tpu.memory_space<hbm>>) target(%arg11 : memref<80xi32, #tpu.memory_space<vmem>>) target_semaphore(%arg19 : memref<!tpu.dma_semaphore, #tpu.memory_space<semaphore_mem>>)
      %mul3A_286 = arith.constant 4 : i32
      %mul3A_287 = arith.muli %mul3A_286, %scan3A_159 : i32
      %add3A_288 = arith.constant 3 : i32
      %add3A_289 = arith.addi %mul3A_287, %add3A_288 : i32
      %add3A_290 = arith.constant 2 : i32
      %add3A_291 = arith.addi %add3A_289, %add3A_290 : i32
      %dma_wait3A_292 = arith.constant 0 : i32
      %dma_wait3A_293 = arith.constant 0 : i32
      %dma_wait3A_294 = tpu.memref_slice %arg29[%dma_wait3A_292, %dma_wait3A_293] : memref<10240x128xf32, #tpu.memory_space<vmem_shared>> -> memref<10240x128xf32, #tpu.memory_space<vmem_shared>>
      tpu.wait_indirect_dma semaphore(%arg28 : memref<!tpu.dma_semaphore, #tpu.memory_space<semaphore_mem>>) src(%arg16 : memref<80x128xf32, #tpu.memory_space<vmem>>) dst(%dma_wait3A_294 : memref<10240x128xf32, #tpu.memory_space<vmem_shared>>)
      %dma_wait3A_295 = arith.constant 0 : i32
      %dma_wait3A_296 = tpu.memref_slice %arg3[%dma_wait3A_295] : memref<640000xi32, #tpu.memory_space<hbm>> -> memref<80xi32, #tpu.memory_space<hbm>>
      %dma_wait3A_297 = arith.constant 0 : i32
      %dma_wait3A_298 = tpu.memref_slice %arg3[%dma_wait3A_297] : memref<640000xi32, #tpu.memory_space<hbm>> -> memref<80xi32, #tpu.memory_space<hbm>>
      tpu.wait_dma2 semaphore(%arg19 : memref<!tpu.dma_semaphore, #tpu.memory_space<semaphore_mem>>) src(%dma_wait3A_298 : memref<80xi32, #tpu.memory_space<hbm>>) dst(%arg7 : memref<80xi32, #tpu.memory_space<vmem>>)
      %dma_wait3A_299 = arith.constant 0 : i32
      %dma_wait3A_300 = tpu.memref_slice %arg3[%dma_wait3A_299] : memref<640000xi32, #tpu.memory_space<hbm>> -> memref<80xi32, #tpu.memory_space<hbm>>
      %dma_wait3A_301 = arith.constant 0 : i32
      %dma_wait3A_302 = tpu.memref_slice %arg3[%dma_wait3A_301] : memref<640000xi32, #tpu.memory_space<hbm>> -> memref<80xi32, #tpu.memory_space<hbm>>
      tpu.wait_dma2 semaphore(%arg19 : memref<!tpu.dma_semaphore, #tpu.memory_space<semaphore_mem>>) src(%dma_wait3A_302 : memref<80xi32, #tpu.memory_space<hbm>>) dst(%arg11 : memref<80xi32, #tpu.memory_space<vmem>>)
      %add3A_303 = arith.constant 1 : i32
      %add3A_304 = arith.addi %add3A_291, %add3A_303 : i32
      %dma_start3A_305 = arith.constant 0 : i32
      %dma_start3A_306 = arith.constant 0 : i32
      %dma_start3A_307 = tpu.memref_slice %arg2[%dma_start3A_305, %dma_start3A_306] : memref<10240x128xf32, #tpu.memory_space<hbm>> -> memref<10240x128xf32, #tpu.memory_space<hbm>>
      tpu.enqueue_indirect_dma source(%dma_start3A_307 : memref<10240x128xf32, #tpu.memory_space<hbm>>) target(%arg15 : memref<80x128xf32, #tpu.memory_space<vmem>>) offsets(%arg7 : memref<80xi32, #tpu.memory_space<vmem>>) semaphore(%arg23 : memref<!tpu.dma_semaphore, #tpu.memory_space<semaphore_mem>>)
      %dma_wait3A_308 = arith.constant 0 : i32
      %dma_wait3A_309 = arith.constant 0 : i32
      %dma_wait3A_310 = tpu.memref_slice %arg2[%dma_wait3A_308, %dma_wait3A_309] : memref<10240x128xf32, #tpu.memory_space<hbm>> -> memref<10240x128xf32, #tpu.memory_space<hbm>>
      tpu.wait_indirect_dma semaphore(%arg22 : memref<!tpu.dma_semaphore, #tpu.memory_space<semaphore_mem>>) src(%dma_wait3A_310 : memref<10240x128xf32, #tpu.memory_space<hbm>>) dst(%arg14 : memref<80x128xf32, #tpu.memory_space<vmem>>)
      %dma_start3A_311 = arith.constant 0 : i32
      %dma_start3A_312 = arith.constant 0 : i32
      %dma_start3A_313 = tpu.memref_slice %arg29[%dma_start3A_311, %dma_start3A_312] : memref<10240x128xf32, #tpu.memory_space<vmem_shared>> -> memref<10240x128xf32, #tpu.memory_space<vmem_shared>>
      tpu.enqueue_indirect_dma source(%arg14 : memref<80x128xf32, #tpu.memory_space<vmem>>) target(%dma_start3A_313 : memref<10240x128xf32, #tpu.memory_space<vmem_shared>>) offsets(%arg10 : memref<80xi32, #tpu.memory_space<vmem>>) semaphore(%arg26 : memref<!tpu.dma_semaphore, #tpu.memory_space<semaphore_mem>>) {add = true}
      %add3A_314 = arith.constant 2 : i32
      %add3A_315 = arith.addi %add3A_291, %add3A_314 : i32
      %mul3A_316 = arith.constant 80 : i32
      %mul3A_317 = arith.muli %add3A_315, %mul3A_316 : i32
      %add3A_318 = arith.addi %mul3A_4, %mul3A_317 : i32
      %dma_start3A_319 = tpu.memref_slice %arg3[%add3A_318] : memref<640000xi32, #tpu.memory_space<hbm>> -> memref<80xi32, #tpu.memory_space<hbm>>
      %dma_start3A_320 = tpu.memref_slice %arg3[%add3A_318] : memref<640000xi32, #tpu.memory_space<hbm>> -> memref<80xi32, #tpu.memory_space<hbm>>
      tpu.enqueue_dma source(%dma_start3A_320 : memref<80xi32, #tpu.memory_space<hbm>>) target(%arg8 : memref<80xi32, #tpu.memory_space<vmem>>) target_semaphore(%arg20 : memref<!tpu.dma_semaphore, #tpu.memory_space<semaphore_mem>>)
      %add3A_321 = arith.constant 320000 : i32
      %add3A_322 = arith.addi %add3A_321, %mul3A_4 : i32
      %mul3A_323 = arith.constant 80 : i32
      %mul3A_324 = arith.muli %add3A_315, %mul3A_323 : i32
      %add3A_325 = arith.addi %add3A_322, %mul3A_324 : i32
      %dma_start3A_326 = tpu.memref_slice %arg3[%add3A_325] : memref<640000xi32, #tpu.memory_space<hbm>> -> memref<80xi32, #tpu.memory_space<hbm>>
      %dma_start3A_327 = tpu.memref_slice %arg3[%add3A_325] : memref<640000xi32, #tpu.memory_space<hbm>> -> memref<80xi32, #tpu.memory_space<hbm>>
      tpu.enqueue_dma source(%dma_start3A_327 : memref<80xi32, #tpu.memory_space<hbm>>) target(%arg12 : memref<80xi32, #tpu.memory_space<vmem>>) target_semaphore(%arg20 : memref<!tpu.dma_semaphore, #tpu.memory_space<semaphore_mem>>)
    }
    %scan3A_92 = arith.constant 30 : i32
    %dma_wait3A_93 = arith.constant 0 : i32
    %dma_wait3A_94 = arith.constant 0 : i32
    %dma_wait3A_95 = tpu.memref_slice %arg29[%dma_wait3A_93, %dma_wait3A_94] : memref<10240x128xf32, #tpu.memory_space<vmem_shared>> -> memref<10240x128xf32, #tpu.memory_space<vmem_shared>>
    tpu.wait_indirect_dma semaphore(%arg25 : memref<!tpu.dma_semaphore, #tpu.memory_space<semaphore_mem>>) src(%arg13 : memref<80x128xf32, #tpu.memory_space<vmem>>) dst(%dma_wait3A_95 : memref<10240x128xf32, #tpu.memory_space<vmem_shared>>)
    %dma_wait3A_96 = arith.constant 0 : i32
    %dma_wait3A_97 = tpu.memref_slice %arg3[%dma_wait3A_96] : memref<640000xi32, #tpu.memory_space<hbm>> -> memref<80xi32, #tpu.memory_space<hbm>>
    %dma_wait3A_98 = arith.constant 0 : i32
    %dma_wait3A_99 = tpu.memref_slice %arg3[%dma_wait3A_98] : memref<640000xi32, #tpu.memory_space<hbm>> -> memref<80xi32, #tpu.memory_space<hbm>>
    tpu.wait_dma2 semaphore(%arg20 : memref<!tpu.dma_semaphore, #tpu.memory_space<semaphore_mem>>) src(%dma_wait3A_99 : memref<80xi32, #tpu.memory_space<hbm>>) dst(%arg8 : memref<80xi32, #tpu.memory_space<vmem>>)
    %dma_wait3A_100 = arith.constant 0 : i32
    %dma_wait3A_101 = tpu.memref_slice %arg3[%dma_wait3A_100] : memref<640000xi32, #tpu.memory_space<hbm>> -> memref<80xi32, #tpu.memory_space<hbm>>
    %dma_wait3A_102 = arith.constant 0 : i32
    %dma_wait3A_103 = tpu.memref_slice %arg3[%dma_wait3A_102] : memref<640000xi32, #tpu.memory_space<hbm>> -> memref<80xi32, #tpu.memory_space<hbm>>
    tpu.wait_dma2 semaphore(%arg20 : memref<!tpu.dma_semaphore, #tpu.memory_space<semaphore_mem>>) src(%dma_wait3A_103 : memref<80xi32, #tpu.memory_space<hbm>>) dst(%arg12 : memref<80xi32, #tpu.memory_space<vmem>>)
    %dma_start3A_104 = arith.constant 0 : i32
    %dma_start3A_105 = arith.constant 0 : i32
    %dma_start3A_106 = tpu.memref_slice %arg2[%dma_start3A_104, %dma_start3A_105] : memref<10240x128xf32, #tpu.memory_space<hbm>> -> memref<10240x128xf32, #tpu.memory_space<hbm>>
    tpu.enqueue_indirect_dma source(%dma_start3A_106 : memref<10240x128xf32, #tpu.memory_space<hbm>>) target(%arg16 : memref<80x128xf32, #tpu.memory_space<vmem>>) offsets(%arg8 : memref<80xi32, #tpu.memory_space<vmem>>) semaphore(%arg24 : memref<!tpu.dma_semaphore, #tpu.memory_space<semaphore_mem>>)
    %dma_wait3A_107 = arith.constant 0 : i32
    %dma_wait3A_108 = arith.constant 0 : i32
    %dma_wait3A_109 = tpu.memref_slice %arg2[%dma_wait3A_107, %dma_wait3A_108] : memref<10240x128xf32, #tpu.memory_space<hbm>> -> memref<10240x128xf32, #tpu.memory_space<hbm>>
    tpu.wait_indirect_dma semaphore(%arg23 : memref<!tpu.dma_semaphore, #tpu.memory_space<semaphore_mem>>) src(%dma_wait3A_109 : memref<10240x128xf32, #tpu.memory_space<hbm>>) dst(%arg15 : memref<80x128xf32, #tpu.memory_space<vmem>>)
    %dma_start3A_110 = arith.constant 0 : i32
    %dma_start3A_111 = arith.constant 0 : i32
    %dma_start3A_112 = tpu.memref_slice %arg29[%dma_start3A_110, %dma_start3A_111] : memref<10240x128xf32, #tpu.memory_space<vmem_shared>> -> memref<10240x128xf32, #tpu.memory_space<vmem_shared>>
    tpu.enqueue_indirect_dma source(%arg15 : memref<80x128xf32, #tpu.memory_space<vmem>>) target(%dma_start3A_112 : memref<10240x128xf32, #tpu.memory_space<vmem_shared>>) offsets(%arg11 : memref<80xi32, #tpu.memory_space<vmem>>) semaphore(%arg27 : memref<!tpu.dma_semaphore, #tpu.memory_space<semaphore_mem>>) {add = true}
    %add3A_113 = arith.constant 9920 : i32
    %add3A_114 = arith.addi %mul3A_4, %add3A_113 : i32
    %dma_start3A_115 = tpu.memref_slice %arg3[%add3A_114] : memref<640000xi32, #tpu.memory_space<hbm>> -> memref<80xi32, #tpu.memory_space<hbm>>
    %dma_start3A_116 = tpu.memref_slice %arg3[%add3A_114] : memref<640000xi32, #tpu.memory_space<hbm>> -> memref<80xi32, #tpu.memory_space<hbm>>
    tpu.enqueue_dma source(%dma_start3A_116 : memref<80xi32, #tpu.memory_space<hbm>>) target(%arg5 : memref<80xi32, #tpu.memory_space<vmem>>) target_semaphore(%arg17 : memref<!tpu.dma_semaphore, #tpu.memory_space<semaphore_mem>>)
    %add3A_117 = arith.constant 320000 : i32
    %add3A_118 = arith.addi %add3A_117, %mul3A_4 : i32
    %add3A_119 = arith.constant 9920 : i32
    %add3A_120 = arith.addi %add3A_118, %add3A_119 : i32
    %dma_start3A_121 = tpu.memref_slice %arg3[%add3A_120] : memref<640000xi32, #tpu.memory_space<hbm>> -> memref<80xi32, #tpu.memory_space<hbm>>
    %dma_start3A_122 = tpu.memref_slice %arg3[%add3A_120] : memref<640000xi32, #tpu.memory_space<hbm>> -> memref<80xi32, #tpu.memory_space<hbm>>
    tpu.enqueue_dma source(%dma_start3A_122 : memref<80xi32, #tpu.memory_space<hbm>>) target(%arg9 : memref<80xi32, #tpu.memory_space<vmem>>) target_semaphore(%arg17 : memref<!tpu.dma_semaphore, #tpu.memory_space<semaphore_mem>>)
    %dma_wait3A_123 = arith.constant 0 : i32
    %dma_wait3A_124 = arith.constant 0 : i32
    %dma_wait3A_125 = tpu.memref_slice %arg29[%dma_wait3A_123, %dma_wait3A_124] : memref<10240x128xf32, #tpu.memory_space<vmem_shared>> -> memref<10240x128xf32, #tpu.memory_space<vmem_shared>>
    tpu.wait_indirect_dma semaphore(%arg26 : memref<!tpu.dma_semaphore, #tpu.memory_space<semaphore_mem>>) src(%arg14 : memref<80x128xf32, #tpu.memory_space<vmem>>) dst(%dma_wait3A_125 : memref<10240x128xf32, #tpu.memory_space<vmem_shared>>)
    %dma_wait3A_126 = arith.constant 0 : i32
    %dma_wait3A_127 = tpu.memref_slice %arg3[%dma_wait3A_126] : memref<640000xi32, #tpu.memory_space<hbm>> -> memref<80xi32, #tpu.memory_space<hbm>>
    %dma_wait3A_128 = arith.constant 0 : i32
    %dma_wait3A_129 = tpu.memref_slice %arg3[%dma_wait3A_128] : memref<640000xi32, #tpu.memory_space<hbm>> -> memref<80xi32, #tpu.memory_space<hbm>>
    tpu.wait_dma2 semaphore(%arg17 : memref<!tpu.dma_semaphore, #tpu.memory_space<semaphore_mem>>) src(%dma_wait3A_129 : memref<80xi32, #tpu.memory_space<hbm>>) dst(%arg5 : memref<80xi32, #tpu.memory_space<vmem>>)
    %dma_wait3A_130 = arith.constant 0 : i32
    %dma_wait3A_131 = tpu.memref_slice %arg3[%dma_wait3A_130] : memref<640000xi32, #tpu.memory_space<hbm>> -> memref<80xi32, #tpu.memory_space<hbm>>
    %dma_wait3A_132 = arith.constant 0 : i32
    %dma_wait3A_133 = tpu.memref_slice %arg3[%dma_wait3A_132] : memref<640000xi32, #tpu.memory_space<hbm>> -> memref<80xi32, #tpu.memory_space<hbm>>
    tpu.wait_dma2 semaphore(%arg17 : memref<!tpu.dma_semaphore, #tpu.memory_space<semaphore_mem>>) src(%dma_wait3A_133 : memref<80xi32, #tpu.memory_space<hbm>>) dst(%arg9 : memref<80xi32, #tpu.memory_space<vmem>>)
    %dma_start3A_134 = arith.constant 0 : i32
    %dma_start3A_135 = arith.constant 0 : i32
    %dma_start3A_136 = tpu.memref_slice %arg2[%dma_start3A_134, %dma_start3A_135] : memref<10240x128xf32, #tpu.memory_space<hbm>> -> memref<10240x128xf32, #tpu.memory_space<hbm>>
    tpu.enqueue_indirect_dma source(%dma_start3A_136 : memref<10240x128xf32, #tpu.memory_space<hbm>>) target(%arg13 : memref<80x128xf32, #tpu.memory_space<vmem>>) offsets(%arg5 : memref<80xi32, #tpu.memory_space<vmem>>) semaphore(%arg21 : memref<!tpu.dma_semaphore, #tpu.memory_space<semaphore_mem>>)
    %dma_wait3A_137 = arith.constant 0 : i32
    %dma_wait3A_138 = arith.constant 0 : i32
    %dma_wait3A_139 = tpu.memref_slice %arg2[%dma_wait3A_137, %dma_wait3A_138] : memref<10240x128xf32, #tpu.memory_space<hbm>> -> memref<10240x128xf32, #tpu.memory_space<hbm>>
    tpu.wait_indirect_dma semaphore(%arg24 : memref<!tpu.dma_semaphore, #tpu.memory_space<semaphore_mem>>) src(%dma_wait3A_139 : memref<10240x128xf32, #tpu.memory_space<hbm>>) dst(%arg16 : memref<80x128xf32, #tpu.memory_space<vmem>>)
    %dma_start3A_140 = arith.constant 0 : i32
    %dma_start3A_141 = arith.constant 0 : i32
    %dma_start3A_142 = tpu.memref_slice %arg29[%dma_start3A_140, %dma_start3A_141] : memref<10240x128xf32, #tpu.memory_space<vmem_shared>> -> memref<10240x128xf32, #tpu.memory_space<vmem_shared>>
    tpu.enqueue_indirect_dma source(%arg16 : memref<80x128xf32, #tpu.memory_space<vmem>>) target(%dma_start3A_142 : memref<10240x128xf32, #tpu.memory_space<vmem_shared>>) offsets(%arg12 : memref<80xi32, #tpu.memory_space<vmem>>) semaphore(%arg28 : memref<!tpu.dma_semaphore, #tpu.memory_space<semaphore_mem>>) {add = true}
    %dma_wait3A_143 = arith.constant 0 : i32
    %dma_wait3A_144 = arith.constant 0 : i32
    %dma_wait3A_145 = tpu.memref_slice %arg29[%dma_wait3A_143, %dma_wait3A_144] : memref<10240x128xf32, #tpu.memory_space<vmem_shared>> -> memref<10240x128xf32, #tpu.memory_space<vmem_shared>>
    tpu.wait_indirect_dma semaphore(%arg27 : memref<!tpu.dma_semaphore, #tpu.memory_space<semaphore_mem>>) src(%arg15 : memref<80x128xf32, #tpu.memory_space<vmem>>) dst(%dma_wait3A_145 : memref<10240x128xf32, #tpu.memory_space<vmem_shared>>)
    %dma_wait3A_146 = arith.constant 0 : i32
    %dma_wait3A_147 = arith.constant 0 : i32
    %dma_wait3A_148 = tpu.memref_slice %arg2[%dma_wait3A_146, %dma_wait3A_147] : memref<10240x128xf32, #tpu.memory_space<hbm>> -> memref<10240x128xf32, #tpu.memory_space<hbm>>
    tpu.wait_indirect_dma semaphore(%arg21 : memref<!tpu.dma_semaphore, #tpu.memory_space<semaphore_mem>>) src(%dma_wait3A_148 : memref<10240x128xf32, #tpu.memory_space<hbm>>) dst(%arg13 : memref<80x128xf32, #tpu.memory_space<vmem>>)
    %dma_start3A_149 = arith.constant 0 : i32
    %dma_start3A_150 = arith.constant 0 : i32
    %dma_start3A_151 = tpu.memref_slice %arg29[%dma_start3A_149, %dma_start3A_150] : memref<10240x128xf32, #tpu.memory_space<vmem_shared>> -> memref<10240x128xf32, #tpu.memory_space<vmem_shared>>
    tpu.enqueue_indirect_dma source(%arg13 : memref<80x128xf32, #tpu.memory_space<vmem>>) target(%dma_start3A_151 : memref<10240x128xf32, #tpu.memory_space<vmem_shared>>) offsets(%arg9 : memref<80xi32, #tpu.memory_space<vmem>>) semaphore(%arg25 : memref<!tpu.dma_semaphore, #tpu.memory_space<semaphore_mem>>) {add = true}
    %dma_wait3A_152 = arith.constant 0 : i32
    %dma_wait3A_153 = arith.constant 0 : i32
    %dma_wait3A_154 = tpu.memref_slice %arg29[%dma_wait3A_152, %dma_wait3A_153] : memref<10240x128xf32, #tpu.memory_space<vmem_shared>> -> memref<10240x128xf32, #tpu.memory_space<vmem_shared>>
    tpu.wait_indirect_dma semaphore(%arg28 : memref<!tpu.dma_semaphore, #tpu.memory_space<semaphore_mem>>) src(%arg16 : memref<80x128xf32, #tpu.memory_space<vmem>>) dst(%dma_wait3A_154 : memref<10240x128xf32, #tpu.memory_space<vmem_shared>>)
    %dma_wait3A_155 = arith.constant 0 : i32
    %dma_wait3A_156 = arith.constant 0 : i32
    %dma_wait3A_157 = tpu.memref_slice %arg29[%dma_wait3A_155, %dma_wait3A_156] : memref<10240x128xf32, #tpu.memory_space<vmem_shared>> -> memref<10240x128xf32, #tpu.memory_space<vmem_shared>>
    tpu.wait_indirect_dma semaphore(%arg25 : memref<!tpu.dma_semaphore, #tpu.memory_space<semaphore_mem>>) src(%arg13 : memref<80x128xf32, #tpu.memory_space<vmem>>) dst(%dma_wait3A_157 : memref<10240x128xf32, #tpu.memory_space<vmem_shared>>)
    %barrier3A_158 = arith.constant 0 : index
    tpu.barrier barrier_id(%barrier3A_158)
    "tpu.region"() ({
      %run_scoped3A = tpu.sem_alloc : memref<!tpu.dma_semaphore, #tpu.memory_space<semaphore_mem>>
      %dma_start3A_159 = arith.constant 0 : i32
      %dma_start3A_160 = tpu.memref_slice %arg4[%arg0, %mul3A_2, %dma_start3A_159] : memref<2x10240x128xf32, #tpu.memory_space<hbm>> -> memref<1x640x128xf32, #tpu.memory_space<hbm>>
      %dma_start3A_161 = tpu.memref_squeeze %dma_start3A_160 : memref<1x640x128xf32, #tpu.memory_space<hbm>> -> memref<640x128xf32, #tpu.memory_space<hbm>>
      %dma_start3A_162 = arith.constant 0 : i32
      %dma_start3A_163 = tpu.memref_slice %arg29[%mul3A_2, %dma_start3A_162] : memref<10240x128xf32, #tpu.memory_space<vmem_shared>> -> memref<640x128xf32, #tpu.memory_space<vmem_shared>>
      tpu.enqueue_dma source(%dma_start3A_163 : memref<640x128xf32, #tpu.memory_space<vmem_shared>>) target(%dma_start3A_161 : memref<640x128xf32, #tpu.memory_space<hbm>>) target_semaphore(%run_scoped3A : memref<!tpu.dma_semaphore, #tpu.memory_space<semaphore_mem>>)
      %dma_wait3A_164 = arith.constant 0 : i32
      %dma_wait3A_165 = tpu.memref_slice %arg4[%arg0, %mul3A_2, %dma_wait3A_164] : memref<2x10240x128xf32, #tpu.memory_space<hbm>> -> memref<1x640x128xf32, #tpu.memory_space<hbm>>
      %dma_wait3A_166 = tpu.memref_squeeze %dma_wait3A_165 : memref<1x640x128xf32, #tpu.memory_space<hbm>> -> memref<640x128xf32, #tpu.memory_space<hbm>>
      %dma_wait3A_167 = arith.constant 0 : i32
      %dma_wait3A_168 = tpu.memref_slice %arg29[%mul3A_2, %dma_wait3A_167] : memref<10240x128xf32, #tpu.memory_space<vmem_shared>> -> memref<640x128xf32, #tpu.memory_space<vmem_shared>>
      tpu.wait_dma2 semaphore(%run_scoped3A : memref<!tpu.dma_semaphore, #tpu.memory_space<semaphore_mem>>) src(%dma_wait3A_168 : memref<640x128xf32, #tpu.memory_space<vmem_shared>>) dst(%dma_wait3A_166 : memref<640x128xf32, #tpu.memory_space<hbm>>)
      tpu.yield
    }) : () -> ()
    return
  }
}

#map = affine_map<(d0, d1) -> (0, 0)>
#map1 = affine_map<(d0, d1) -> (0)>
#map2 = affine_map<(d0, d1) -> (0, 0, 0)>
module attributes {stable_mosaic.version = 14 : i64} {
  func.func @_scatter_body(%arg0: i32, %arg1: i32, %arg2: memref<10240x128xf32, #tpu.memory_space<hbm>>, %arg3: memref<640000xi32, #tpu.memory_space<hbm>>, %arg4: memref<2x10240x128xf32, #tpu.memory_space<hbm>>, %arg5: memref<80xi32, #tpu.memory_space<vmem>>, %arg6: memref<80xi32, #tpu.memory_space<vmem>>, %arg7: memref<80xi32, #tpu.memory_space<vmem>>, %arg8: memref<80xi32, #tpu.memory_space<vmem>>, %arg9: memref<80xi32, #tpu.memory_space<vmem>>, %arg10: memref<80xi32, #tpu.memory_space<vmem>>, %arg11: memref<80xi32, #tpu.memory_space<vmem>>, %arg12: memref<80xi32, #tpu.memory_space<vmem>>, %arg13: memref<80x128xf32, #tpu.memory_space<vmem>>, %arg14: memref<80x128xf32, #tpu.memory_space<vmem>>, %arg15: memref<80x128xf32, #tpu.memory_space<vmem>>, %arg16: memref<80x128xf32, #tpu.memory_space<vmem>>, %arg17: memref<!tpu.dma_semaphore, #tpu.memory_space<semaphore_mem>>, %arg18: memref<!tpu.dma_semaphore, #tpu.memory_space<semaphore_mem>>, %arg19: memref<!tpu.dma_semaphore, #tpu.memory_space<semaphore_mem>>, %arg20: memref<!tpu.dma_semaphore, #tpu.memory_space<semaphore_mem>>, %arg21: memref<!tpu.dma_semaphore, #tpu.memory_space<semaphore_mem>>, %arg22: memref<!tpu.dma_semaphore, #tpu.memory_space<semaphore_mem>>, %arg23: memref<!tpu.dma_semaphore, #tpu.memory_space<semaphore_mem>>, %arg24: memref<!tpu.dma_semaphore, #tpu.memory_space<semaphore_mem>>, %arg25: memref<!tpu.dma_semaphore, #tpu.memory_space<semaphore_mem>>, %arg26: memref<!tpu.dma_semaphore, #tpu.memory_space<semaphore_mem>>, %arg27: memref<!tpu.dma_semaphore, #tpu.memory_space<semaphore_mem>>, %arg28: memref<!tpu.dma_semaphore, #tpu.memory_space<semaphore_mem>>, %arg29: memref<10240x128xf32, #tpu.memory_space<vmem_shared>>) attributes {dimension_semantics = [#tpu.dimension_semantics<core_parallel>, #tpu.dimension_semantics<subcore_parallel>], iteration_bounds = array<i64: 2, 16>, scalar_prefetch = 0 : i64, scratch_operands = 25 : i64, tpu.core_type = #tpu.core_type<sc_vector_subcore>, window_params = [{transform_indices = #map}, {transform_indices = #map1}, {transform_indices = #map2}]} {
    %mul3A = arith.constant 16 : i32
    %mul3A_0 = arith.muli %arg0, %mul3A : i32
    %add3A = arith.addi %mul3A_0, %arg1 : i32
    %mul3A_1 = arith.constant 640 : i32
    %mul3A_2 = arith.muli %arg1, %mul3A_1 : i32
    "tpu.region"() ({
      %run_scoped3A = tpu.sem_alloc : memref<!tpu.dma_semaphore, #tpu.memory_space<semaphore_mem>>
      %dma_start3A_159 = arith.constant 0 : i32
      %dma_start3A_160 = tpu.memref_slice %arg29[%mul3A_2, %dma_start3A_159] : memref<10240x128xf32, #tpu.memory_space<vmem_shared>> -> memref<640x128xf32, #tpu.memory_space<vmem_shared>>
      %dma_start3A_161 = arith.constant 0 : i32
      %dma_start3A_162 = tpu.memref_slice %arg2[%mul3A_2, %dma_start3A_161] : memref<10240x128xf32, #tpu.memory_space<hbm>> -> memref<640x128xf32, #tpu.memory_space<hbm>>
      tpu.enqueue_dma source(%dma_start3A_162 : memref<640x128xf32, #tpu.memory_space<hbm>>) target(%dma_start3A_160 : memref<640x128xf32, #tpu.memory_space<vmem_shared>>) target_semaphore(%run_scoped3A : memref<!tpu.dma_semaphore, #tpu.memory_space<semaphore_mem>>)
      %dma_wait3A_163 = arith.constant 0 : i32
      %dma_wait3A_164 = tpu.memref_slice %arg29[%mul3A_2, %dma_wait3A_163] : memref<10240x128xf32, #tpu.memory_space<vmem_shared>> -> memref<640x128xf32, #tpu.memory_space<vmem_shared>>
      %dma_wait3A_165 = arith.constant 0 : i32
      %dma_wait3A_166 = tpu.memref_slice %arg2[%mul3A_2, %dma_wait3A_165] : memref<10240x128xf32, #tpu.memory_space<hbm>> -> memref<640x128xf32, #tpu.memory_space<hbm>>
      tpu.wait_dma2 semaphore(%run_scoped3A : memref<!tpu.dma_semaphore, #tpu.memory_space<semaphore_mem>>) src(%dma_wait3A_166 : memref<640x128xf32, #tpu.memory_space<hbm>>) dst(%dma_wait3A_164 : memref<640x128xf32, #tpu.memory_space<vmem_shared>>)
      tpu.yield
    }) : () -> ()
    %barrier3A = arith.constant 0 : index
    tpu.barrier barrier_id(%barrier3A)
    %mul3A_3 = arith.constant 10000 : i32
    %mul3A_4 = arith.muli %add3A, %mul3A_3 : i32
    %add3A_5 = arith.constant 0 : i32
    %add3A_6 = arith.addi %mul3A_4, %add3A_5 : i32
    %dma_start3A = tpu.memref_slice %arg3[%add3A_6] : memref<640000xi32, #tpu.memory_space<hbm>> -> memref<80xi32, #tpu.memory_space<hbm>>
    %dma_start3A_7 = tpu.memref_slice %arg3[%add3A_6] : memref<640000xi32, #tpu.memory_space<hbm>> -> memref<80xi32, #tpu.memory_space<hbm>>
    tpu.enqueue_dma source(%dma_start3A_7 : memref<80xi32, #tpu.memory_space<hbm>>) target(%arg5 : memref<80xi32, #tpu.memory_space<vmem>>) target_semaphore(%arg17 : memref<!tpu.dma_semaphore, #tpu.memory_space<semaphore_mem>>)
    %add3A_8 = arith.constant 320000 : i32
    %add3A_9 = arith.addi %add3A_8, %mul3A_4 : i32
    %add3A_10 = arith.constant 0 : i32
    %add3A_11 = arith.addi %add3A_9, %add3A_10 : i32
    %dma_start3A_12 = tpu.memref_slice %arg3[%add3A_11] : memref<640000xi32, #tpu.memory_space<hbm>> -> memref<80xi32, #tpu.memory_space<hbm>>
    %dma_start3A_13 = tpu.memref_slice %arg3[%add3A_11] : memref<640000xi32, #tpu.memory_space<hbm>> -> memref<80xi32, #tpu.memory_space<hbm>>
    tpu.enqueue_dma source(%dma_start3A_13 : memref<80xi32, #tpu.memory_space<hbm>>) target(%arg9 : memref<80xi32, #tpu.memory_space<vmem>>) target_semaphore(%arg17 : memref<!tpu.dma_semaphore, #tpu.memory_space<semaphore_mem>>)
    %add3A_14 = arith.constant 80 : i32
    %add3A_15 = arith.addi %mul3A_4, %add3A_14 : i32
    %dma_start3A_16 = tpu.memref_slice %arg3[%add3A_15] : memref<640000xi32, #tpu.memory_space<hbm>> -> memref<80xi32, #tpu.memory_space<hbm>>
    %dma_start3A_17 = tpu.memref_slice %arg3[%add3A_15] : memref<640000xi32, #tpu.memory_space<hbm>> -> memref<80xi32, #tpu.memory_space<hbm>>
    tpu.enqueue_dma source(%dma_start3A_17 : memref<80xi32, #tpu.memory_space<hbm>>) target(%arg6 : memref<80xi32, #tpu.memory_space<vmem>>) target_semaphore(%arg18 : memref<!tpu.dma_semaphore, #tpu.memory_space<semaphore_mem>>)
    %add3A_18 = arith.constant 320000 : i32
    %add3A_19 = arith.addi %add3A_18, %mul3A_4 : i32
    %add3A_20 = arith.constant 80 : i32
    %add3A_21 = arith.addi %add3A_19, %add3A_20 : i32
    %dma_start3A_22 = tpu.memref_slice %arg3[%add3A_21] : memref<640000xi32, #tpu.memory_space<hbm>> -> memref<80xi32, #tpu.memory_space<hbm>>
    %dma_start3A_23 = tpu.memref_slice %arg3[%add3A_21] : memref<640000xi32, #tpu.memory_space<hbm>> -> memref<80xi32, #tpu.memory_space<hbm>>
    tpu.enqueue_dma source(%dma_start3A_23 : memref<80xi32, #tpu.memory_space<hbm>>) target(%arg10 : memref<80xi32, #tpu.memory_space<vmem>>) target_semaphore(%arg18 : memref<!tpu.dma_semaphore, #tpu.memory_space<semaphore_mem>>)
    %dma_wait3A = arith.constant 0 : i32
    %dma_wait3A_24 = tpu.memref_slice %arg3[%dma_wait3A] : memref<640000xi32, #tpu.memory_space<hbm>> -> memref<80xi32, #tpu.memory_space<hbm>>
    %dma_wait3A_25 = arith.constant 0 : i32
    %dma_wait3A_26 = tpu.memref_slice %arg3[%dma_wait3A_25] : memref<640000xi32, #tpu.memory_space<hbm>> -> memref<80xi32, #tpu.memory_space<hbm>>
    tpu.wait_dma2 semaphore(%arg17 : memref<!tpu.dma_semaphore, #tpu.memory_space<semaphore_mem>>) src(%dma_wait3A_26 : memref<80xi32, #tpu.memory_space<hbm>>) dst(%arg5 : memref<80xi32, #tpu.memory_space<vmem>>)
    %dma_wait3A_27 = arith.constant 0 : i32
    %dma_wait3A_28 = tpu.memref_slice %arg3[%dma_wait3A_27] : memref<640000xi32, #tpu.memory_space<hbm>> -> memref<80xi32, #tpu.memory_space<hbm>>
    %dma_wait3A_29 = arith.constant 0 : i32
    %dma_wait3A_30 = tpu.memref_slice %arg3[%dma_wait3A_29] : memref<640000xi32, #tpu.memory_space<hbm>> -> memref<80xi32, #tpu.memory_space<hbm>>
    tpu.wait_dma2 semaphore(%arg17 : memref<!tpu.dma_semaphore, #tpu.memory_space<semaphore_mem>>) src(%dma_wait3A_30 : memref<80xi32, #tpu.memory_space<hbm>>) dst(%arg9 : memref<80xi32, #tpu.memory_space<vmem>>)
    %dma_start3A_31 = arith.constant 0 : i32
    %dma_start3A_32 = arith.constant 0 : i32
    %dma_start3A_33 = tpu.memref_slice %arg2[%dma_start3A_31, %dma_start3A_32] : memref<10240x128xf32, #tpu.memory_space<hbm>> -> memref<10240x128xf32, #tpu.memory_space<hbm>>
    tpu.enqueue_indirect_dma source(%dma_start3A_33 : memref<10240x128xf32, #tpu.memory_space<hbm>>) target(%arg13 : memref<80x128xf32, #tpu.memory_space<vmem>>) offsets(%arg5 : memref<80xi32, #tpu.memory_space<vmem>>) semaphore(%arg21 : memref<!tpu.dma_semaphore, #tpu.memory_space<semaphore_mem>>)
    %dma_wait3A_34 = arith.constant 0 : i32
    %dma_wait3A_35 = tpu.memref_slice %arg3[%dma_wait3A_34] : memref<640000xi32, #tpu.memory_space<hbm>> -> memref<80xi32, #tpu.memory_space<hbm>>
    %dma_wait3A_36 = arith.constant 0 : i32
    %dma_wait3A_37 = tpu.memref_slice %arg3[%dma_wait3A_36] : memref<640000xi32, #tpu.memory_space<hbm>> -> memref<80xi32, #tpu.memory_space<hbm>>
    tpu.wait_dma2 semaphore(%arg18 : memref<!tpu.dma_semaphore, #tpu.memory_space<semaphore_mem>>) src(%dma_wait3A_37 : memref<80xi32, #tpu.memory_space<hbm>>) dst(%arg6 : memref<80xi32, #tpu.memory_space<vmem>>)
    %dma_wait3A_38 = arith.constant 0 : i32
    %dma_wait3A_39 = tpu.memref_slice %arg3[%dma_wait3A_38] : memref<640000xi32, #tpu.memory_space<hbm>> -> memref<80xi32, #tpu.memory_space<hbm>>
    %dma_wait3A_40 = arith.constant 0 : i32
    %dma_wait3A_41 = tpu.memref_slice %arg3[%dma_wait3A_40] : memref<640000xi32, #tpu.memory_space<hbm>> -> memref<80xi32, #tpu.memory_space<hbm>>
    tpu.wait_dma2 semaphore(%arg18 : memref<!tpu.dma_semaphore, #tpu.memory_space<semaphore_mem>>) src(%dma_wait3A_41 : memref<80xi32, #tpu.memory_space<hbm>>) dst(%arg10 : memref<80xi32, #tpu.memory_space<vmem>>)
    %dma_start3A_42 = arith.constant 0 : i32
    %dma_start3A_43 = arith.constant 0 : i32
    %dma_start3A_44 = tpu.memref_slice %arg2[%dma_start3A_42, %dma_start3A_43] : memref<10240x128xf32, #tpu.memory_space<hbm>> -> memref<10240x128xf32, #tpu.memory_space<hbm>>
    tpu.enqueue_indirect_dma source(%dma_start3A_44 : memref<10240x128xf32, #tpu.memory_space<hbm>>) target(%arg14 : memref<80x128xf32, #tpu.memory_space<vmem>>) offsets(%arg6 : memref<80xi32, #tpu.memory_space<vmem>>) semaphore(%arg22 : memref<!tpu.dma_semaphore, #tpu.memory_space<semaphore_mem>>)
    %dma_wait3A_45 = arith.constant 0 : i32
    %dma_wait3A_46 = arith.constant 0 : i32
    %dma_wait3A_47 = tpu.memref_slice %arg2[%dma_wait3A_45, %dma_wait3A_46] : memref<10240x128xf32, #tpu.memory_space<hbm>> -> memref<10240x128xf32, #tpu.memory_space<hbm>>
    tpu.wait_indirect_dma semaphore(%arg21 : memref<!tpu.dma_semaphore, #tpu.memory_space<semaphore_mem>>) src(%dma_wait3A_47 : memref<10240x128xf32, #tpu.memory_space<hbm>>) dst(%arg13 : memref<80x128xf32, #tpu.memory_space<vmem>>)
    %dma_start3A_48 = arith.constant 0 : i32
    %dma_start3A_49 = arith.constant 0 : i32
    %dma_start3A_50 = tpu.memref_slice %arg29[%dma_start3A_48, %dma_start3A_49] : memref<10240x128xf32, #tpu.memory_space<vmem_shared>> -> memref<10240x128xf32, #tpu.memory_space<vmem_shared>>
    tpu.enqueue_indirect_dma source(%arg13 : memref<80x128xf32, #tpu.memory_space<vmem>>) target(%dma_start3A_50 : memref<10240x128xf32, #tpu.memory_space<vmem_shared>>) offsets(%arg9 : memref<80xi32, #tpu.memory_space<vmem>>) semaphore(%arg25 : memref<!tpu.dma_semaphore, #tpu.memory_space<semaphore_mem>>) {add = true}
    %add3A_51 = arith.constant 160 : i32
    %add3A_52 = arith.addi %mul3A_4, %add3A_51 : i32
    %dma_start3A_53 = tpu.memref_slice %arg3[%add3A_52] : memref<640000xi32, #tpu.memory_space<hbm>> -> memref<80xi32, #tpu.memory_space<hbm>>
    %dma_start3A_54 = tpu.memref_slice %arg3[%add3A_52] : memref<640000xi32, #tpu.memory_space<hbm>> -> memref<80xi32, #tpu.memory_space<hbm>>
    tpu.enqueue_dma source(%dma_start3A_54 : memref<80xi32, #tpu.memory_space<hbm>>) target(%arg7 : memref<80xi32, #tpu.memory_space<vmem>>) target_semaphore(%arg19 : memref<!tpu.dma_semaphore, #tpu.memory_space<semaphore_mem>>)
    %add3A_55 = arith.constant 320000 : i32
    %add3A_56 = arith.addi %add3A_55, %mul3A_4 : i32
    %add3A_57 = arith.constant 160 : i32
    %add3A_58 = arith.addi %add3A_56, %add3A_57 : i32
    %dma_start3A_59 = tpu.memref_slice %arg3[%add3A_58] : memref<640000xi32, #tpu.memory_space<hbm>> -> memref<80xi32, #tpu.memory_space<hbm>>
    %dma_start3A_60 = tpu.memref_slice %arg3[%add3A_58] : memref<640000xi32, #tpu.memory_space<hbm>> -> memref<80xi32, #tpu.memory_space<hbm>>
    tpu.enqueue_dma source(%dma_start3A_60 : memref<80xi32, #tpu.memory_space<hbm>>) target(%arg11 : memref<80xi32, #tpu.memory_space<vmem>>) target_semaphore(%arg19 : memref<!tpu.dma_semaphore, #tpu.memory_space<semaphore_mem>>)
    %dma_wait3A_61 = arith.constant 0 : i32
    %dma_wait3A_62 = tpu.memref_slice %arg3[%dma_wait3A_61] : memref<640000xi32, #tpu.memory_space<hbm>> -> memref<80xi32, #tpu.memory_space<hbm>>
    %dma_wait3A_63 = arith.constant 0 : i32
    %dma_wait3A_64 = tpu.memref_slice %arg3[%dma_wait3A_63] : memref<640000xi32, #tpu.memory_space<hbm>> -> memref<80xi32, #tpu.memory_space<hbm>>
    tpu.wait_dma2 semaphore(%arg19 : memref<!tpu.dma_semaphore, #tpu.memory_space<semaphore_mem>>) src(%dma_wait3A_64 : memref<80xi32, #tpu.memory_space<hbm>>) dst(%arg7 : memref<80xi32, #tpu.memory_space<vmem>>)
    %dma_wait3A_65 = arith.constant 0 : i32
    %dma_wait3A_66 = tpu.memref_slice %arg3[%dma_wait3A_65] : memref<640000xi32, #tpu.memory_space<hbm>> -> memref<80xi32, #tpu.memory_space<hbm>>
    %dma_wait3A_67 = arith.constant 0 : i32
    %dma_wait3A_68 = tpu.memref_slice %arg3[%dma_wait3A_67] : memref<640000xi32, #tpu.memory_space<hbm>> -> memref<80xi32, #tpu.memory_space<hbm>>
    tpu.wait_dma2 semaphore(%arg19 : memref<!tpu.dma_semaphore, #tpu.memory_space<semaphore_mem>>) src(%dma_wait3A_68 : memref<80xi32, #tpu.memory_space<hbm>>) dst(%arg11 : memref<80xi32, #tpu.memory_space<vmem>>)
    %dma_start3A_69 = arith.constant 0 : i32
    %dma_start3A_70 = arith.constant 0 : i32
    %dma_start3A_71 = tpu.memref_slice %arg2[%dma_start3A_69, %dma_start3A_70] : memref<10240x128xf32, #tpu.memory_space<hbm>> -> memref<10240x128xf32, #tpu.memory_space<hbm>>
    tpu.enqueue_indirect_dma source(%dma_start3A_71 : memref<10240x128xf32, #tpu.memory_space<hbm>>) target(%arg15 : memref<80x128xf32, #tpu.memory_space<vmem>>) offsets(%arg7 : memref<80xi32, #tpu.memory_space<vmem>>) semaphore(%arg23 : memref<!tpu.dma_semaphore, #tpu.memory_space<semaphore_mem>>)
    %dma_wait3A_72 = arith.constant 0 : i32
    %dma_wait3A_73 = arith.constant 0 : i32
    %dma_wait3A_74 = tpu.memref_slice %arg2[%dma_wait3A_72, %dma_wait3A_73] : memref<10240x128xf32, #tpu.memory_space<hbm>> -> memref<10240x128xf32, #tpu.memory_space<hbm>>
    tpu.wait_indirect_dma semaphore(%arg22 : memref<!tpu.dma_semaphore, #tpu.memory_space<semaphore_mem>>) src(%dma_wait3A_74 : memref<10240x128xf32, #tpu.memory_space<hbm>>) dst(%arg14 : memref<80x128xf32, #tpu.memory_space<vmem>>)
    %dma_start3A_75 = arith.constant 0 : i32
    %dma_start3A_76 = arith.constant 0 : i32
    %dma_start3A_77 = tpu.memref_slice %arg29[%dma_start3A_75, %dma_start3A_76] : memref<10240x128xf32, #tpu.memory_space<vmem_shared>> -> memref<10240x128xf32, #tpu.memory_space<vmem_shared>>
    tpu.enqueue_indirect_dma source(%arg14 : memref<80x128xf32, #tpu.memory_space<vmem>>) target(%dma_start3A_77 : memref<10240x128xf32, #tpu.memory_space<vmem_shared>>) offsets(%arg10 : memref<80xi32, #tpu.memory_space<vmem>>) semaphore(%arg26 : memref<!tpu.dma_semaphore, #tpu.memory_space<semaphore_mem>>) {add = true}
    %add3A_78 = arith.constant 240 : i32
    %add3A_79 = arith.addi %mul3A_4, %add3A_78 : i32
    %dma_start3A_80 = tpu.memref_slice %arg3[%add3A_79] : memref<640000xi32, #tpu.memory_space<hbm>> -> memref<80xi32, #tpu.memory_space<hbm>>
    %dma_start3A_81 = tpu.memref_slice %arg3[%add3A_79] : memref<640000xi32, #tpu.memory_space<hbm>> -> memref<80xi32, #tpu.memory_space<hbm>>
    tpu.enqueue_dma source(%dma_start3A_81 : memref<80xi32, #tpu.memory_space<hbm>>) target(%arg8 : memref<80xi32, #tpu.memory_space<vmem>>) target_semaphore(%arg20 : memref<!tpu.dma_semaphore, #tpu.memory_space<semaphore_mem>>)
    %add3A_82 = arith.constant 320000 : i32
    %add3A_83 = arith.addi %add3A_82, %mul3A_4 : i32
    %add3A_84 = arith.constant 240 : i32
    %add3A_85 = arith.addi %add3A_83, %add3A_84 : i32
    %dma_start3A_86 = tpu.memref_slice %arg3[%add3A_85] : memref<640000xi32, #tpu.memory_space<hbm>> -> memref<80xi32, #tpu.memory_space<hbm>>
    %dma_start3A_87 = tpu.memref_slice %arg3[%add3A_85] : memref<640000xi32, #tpu.memory_space<hbm>> -> memref<80xi32, #tpu.memory_space<hbm>>
    tpu.enqueue_dma source(%dma_start3A_87 : memref<80xi32, #tpu.memory_space<hbm>>) target(%arg12 : memref<80xi32, #tpu.memory_space<vmem>>) target_semaphore(%arg20 : memref<!tpu.dma_semaphore, #tpu.memory_space<semaphore_mem>>)
    %scan3A = arith.constant 0 : i32
    %scan3A_88 = arith.constant 0 : i32
    %scan3A_89 = arith.constant 30 : i32
    %scan3A_90 = arith.addi %scan3A_88, %scan3A_89 : i32
    %scan3A_91 = arith.constant 1 : i32
    scf.for %scan3A_159 = %scan3A_88 to %scan3A_90 step %scan3A_91  : i32 {
      %mul3A_160 = arith.constant 4 : i32
      %mul3A_161 = arith.muli %mul3A_160, %scan3A_159 : i32
      %add3A_162 = arith.constant 0 : i32
      %add3A_163 = arith.addi %mul3A_161, %add3A_162 : i32
      %add3A_164 = arith.constant 2 : i32
      %add3A_165 = arith.addi %add3A_163, %add3A_164 : i32
      %dma_wait3A_166 = arith.constant 0 : i32
      %dma_wait3A_167 = arith.constant 0 : i32
      %dma_wait3A_168 = tpu.memref_slice %arg29[%dma_wait3A_166, %dma_wait3A_167] : memref<10240x128xf32, #tpu.memory_space<vmem_shared>> -> memref<10240x128xf32, #tpu.memory_space<vmem_shared>>
      tpu.wait_indirect_dma semaphore(%arg25 : memref<!tpu.dma_semaphore, #tpu.memory_space<semaphore_mem>>) src(%arg13 : memref<80x128xf32, #tpu.memory_space<vmem>>) dst(%dma_wait3A_168 : memref<10240x128xf32, #tpu.memory_space<vmem_shared>>)
      %dma_wait3A_169 = arith.constant 0 : i32
      %dma_wait3A_170 = tpu.memref_slice %arg3[%dma_wait3A_169] : memref<640000xi32, #tpu.memory_space<hbm>> -> memref<80xi32, #tpu.memory_space<hbm>>
      %dma_wait3A_171 = arith.constant 0 : i32
      %dma_wait3A_172 = tpu.memref_slice %arg3[%dma_wait3A_171] : memref<640000xi32, #tpu.memory_space<hbm>> -> memref<80xi32, #tpu.memory_space<hbm>>
      tpu.wait_dma2 semaphore(%arg20 : memref<!tpu.dma_semaphore, #tpu.memory_space<semaphore_mem>>) src(%dma_wait3A_172 : memref<80xi32, #tpu.memory_space<hbm>>) dst(%arg8 : memref<80xi32, #tpu.memory_space<vmem>>)
      %dma_wait3A_173 = arith.constant 0 : i32
      %dma_wait3A_174 = tpu.memref_slice %arg3[%dma_wait3A_173] : memref<640000xi32, #tpu.memory_space<hbm>> -> memref<80xi32, #tpu.memory_space<hbm>>
      %dma_wait3A_175 = arith.constant 0 : i32
      %dma_wait3A_176 = tpu.memref_slice %arg3[%dma_wait3A_175] : memref<640000xi32, #tpu.memory_space<hbm>> -> memref<80xi32, #tpu.memory_space<hbm>>
      tpu.wait_dma2 semaphore(%arg20 : memref<!tpu.dma_semaphore, #tpu.memory_space<semaphore_mem>>) src(%dma_wait3A_176 : memref<80xi32, #tpu.memory_space<hbm>>) dst(%arg12 : memref<80xi32, #tpu.memory_space<vmem>>)
      %add3A_177 = arith.constant 1 : i32
      %add3A_178 = arith.addi %add3A_165, %add3A_177 : i32
      %dma_start3A_179 = arith.constant 0 : i32
      %dma_start3A_180 = arith.constant 0 : i32
      %dma_start3A_181 = tpu.memref_slice %arg2[%dma_start3A_179, %dma_start3A_180] : memref<10240x128xf32, #tpu.memory_space<hbm>> -> memref<10240x128xf32, #tpu.memory_space<hbm>>
      tpu.enqueue_indirect_dma source(%dma_start3A_181 : memref<10240x128xf32, #tpu.memory_space<hbm>>) target(%arg16 : memref<80x128xf32, #tpu.memory_space<vmem>>) offsets(%arg8 : memref<80xi32, #tpu.memory_space<vmem>>) semaphore(%arg24 : memref<!tpu.dma_semaphore, #tpu.memory_space<semaphore_mem>>)
      %dma_wait3A_182 = arith.constant 0 : i32
      %dma_wait3A_183 = arith.constant 0 : i32
      %dma_wait3A_184 = tpu.memref_slice %arg2[%dma_wait3A_182, %dma_wait3A_183] : memref<10240x128xf32, #tpu.memory_space<hbm>> -> memref<10240x128xf32, #tpu.memory_space<hbm>>
      tpu.wait_indirect_dma semaphore(%arg23 : memref<!tpu.dma_semaphore, #tpu.memory_space<semaphore_mem>>) src(%dma_wait3A_184 : memref<10240x128xf32, #tpu.memory_space<hbm>>) dst(%arg15 : memref<80x128xf32, #tpu.memory_space<vmem>>)
      %dma_start3A_185 = arith.constant 0 : i32
      %dma_start3A_186 = arith.constant 0 : i32
      %dma_start3A_187 = tpu.memref_slice %arg29[%dma_start3A_185, %dma_start3A_186] : memref<10240x128xf32, #tpu.memory_space<vmem_shared>> -> memref<10240x128xf32, #tpu.memory_space<vmem_shared>>
      tpu.enqueue_indirect_dma source(%arg15 : memref<80x128xf32, #tpu.memory_space<vmem>>) target(%dma_start3A_187 : memref<10240x128xf32, #tpu.memory_space<vmem_shared>>) offsets(%arg11 : memref<80xi32, #tpu.memory_space<vmem>>) semaphore(%arg27 : memref<!tpu.dma_semaphore, #tpu.memory_space<semaphore_mem>>) {add = true}
      %add3A_188 = arith.constant 2 : i32
      %add3A_189 = arith.addi %add3A_165, %add3A_188 : i32
      %mul3A_190 = arith.constant 80 : i32
      %mul3A_191 = arith.muli %add3A_189, %mul3A_190 : i32
      %add3A_192 = arith.addi %mul3A_4, %mul3A_191 : i32
      %dma_start3A_193 = tpu.memref_slice %arg3[%add3A_192] : memref<640000xi32, #tpu.memory_space<hbm>> -> memref<80xi32, #tpu.memory_space<hbm>>
      %dma_start3A_194 = tpu.memref_slice %arg3[%add3A_192] : memref<640000xi32, #tpu.memory_space<hbm>> -> memref<80xi32, #tpu.memory_space<hbm>>
      tpu.enqueue_dma source(%dma_start3A_194 : memref<80xi32, #tpu.memory_space<hbm>>) target(%arg5 : memref<80xi32, #tpu.memory_space<vmem>>) target_semaphore(%arg17 : memref<!tpu.dma_semaphore, #tpu.memory_space<semaphore_mem>>)
      %add3A_195 = arith.constant 320000 : i32
      %add3A_196 = arith.addi %add3A_195, %mul3A_4 : i32
      %mul3A_197 = arith.constant 80 : i32
      %mul3A_198 = arith.muli %add3A_189, %mul3A_197 : i32
      %add3A_199 = arith.addi %add3A_196, %mul3A_198 : i32
      %dma_start3A_200 = tpu.memref_slice %arg3[%add3A_199] : memref<640000xi32, #tpu.memory_space<hbm>> -> memref<80xi32, #tpu.memory_space<hbm>>
      %dma_start3A_201 = tpu.memref_slice %arg3[%add3A_199] : memref<640000xi32, #tpu.memory_space<hbm>> -> memref<80xi32, #tpu.memory_space<hbm>>
      tpu.enqueue_dma source(%dma_start3A_201 : memref<80xi32, #tpu.memory_space<hbm>>) target(%arg9 : memref<80xi32, #tpu.memory_space<vmem>>) target_semaphore(%arg17 : memref<!tpu.dma_semaphore, #tpu.memory_space<semaphore_mem>>)
      %mul3A_202 = arith.constant 4 : i32
      %mul3A_203 = arith.muli %mul3A_202, %scan3A_159 : i32
      %add3A_204 = arith.constant 1 : i32
      %add3A_205 = arith.addi %mul3A_203, %add3A_204 : i32
      %add3A_206 = arith.constant 2 : i32
      %add3A_207 = arith.addi %add3A_205, %add3A_206 : i32
      %dma_wait3A_208 = arith.constant 0 : i32
      %dma_wait3A_209 = arith.constant 0 : i32
      %dma_wait3A_210 = tpu.memref_slice %arg29[%dma_wait3A_208, %dma_wait3A_209] : memref<10240x128xf32, #tpu.memory_space<vmem_shared>> -> memref<10240x128xf32, #tpu.memory_space<vmem_shared>>
      tpu.wait_indirect_dma semaphore(%arg26 : memref<!tpu.dma_semaphore, #tpu.memory_space<semaphore_mem>>) src(%arg14 : memref<80x128xf32, #tpu.memory_space<vmem>>) dst(%dma_wait3A_210 : memref<10240x128xf32, #tpu.memory_space<vmem_shared>>)
      %dma_wait3A_211 = arith.constant 0 : i32
      %dma_wait3A_212 = tpu.memref_slice %arg3[%dma_wait3A_211] : memref<640000xi32, #tpu.memory_space<hbm>> -> memref<80xi32, #tpu.memory_space<hbm>>
      %dma_wait3A_213 = arith.constant 0 : i32
      %dma_wait3A_214 = tpu.memref_slice %arg3[%dma_wait3A_213] : memref<640000xi32, #tpu.memory_space<hbm>> -> memref<80xi32, #tpu.memory_space<hbm>>
      tpu.wait_dma2 semaphore(%arg17 : memref<!tpu.dma_semaphore, #tpu.memory_space<semaphore_mem>>) src(%dma_wait3A_214 : memref<80xi32, #tpu.memory_space<hbm>>) dst(%arg5 : memref<80xi32, #tpu.memory_space<vmem>>)
      %dma_wait3A_215 = arith.constant 0 : i32
      %dma_wait3A_216 = tpu.memref_slice %arg3[%dma_wait3A_215] : memref<640000xi32, #tpu.memory_space<hbm>> -> memref<80xi32, #tpu.memory_space<hbm>>
      %dma_wait3A_217 = arith.constant 0 : i32
      %dma_wait3A_218 = tpu.memref_slice %arg3[%dma_wait3A_217] : memref<640000xi32, #tpu.memory_space<hbm>> -> memref<80xi32, #tpu.memory_space<hbm>>
      tpu.wait_dma2 semaphore(%arg17 : memref<!tpu.dma_semaphore, #tpu.memory_space<semaphore_mem>>) src(%dma_wait3A_218 : memref<80xi32, #tpu.memory_space<hbm>>) dst(%arg9 : memref<80xi32, #tpu.memory_space<vmem>>)
      %add3A_219 = arith.constant 1 : i32
      %add3A_220 = arith.addi %add3A_207, %add3A_219 : i32
      %dma_start3A_221 = arith.constant 0 : i32
      %dma_start3A_222 = arith.constant 0 : i32
      %dma_start3A_223 = tpu.memref_slice %arg2[%dma_start3A_221, %dma_start3A_222] : memref<10240x128xf32, #tpu.memory_space<hbm>> -> memref<10240x128xf32, #tpu.memory_space<hbm>>
      tpu.enqueue_indirect_dma source(%dma_start3A_223 : memref<10240x128xf32, #tpu.memory_space<hbm>>) target(%arg13 : memref<80x128xf32, #tpu.memory_space<vmem>>) offsets(%arg5 : memref<80xi32, #tpu.memory_space<vmem>>) semaphore(%arg21 : memref<!tpu.dma_semaphore, #tpu.memory_space<semaphore_mem>>)
      %dma_wait3A_224 = arith.constant 0 : i32
      %dma_wait3A_225 = arith.constant 0 : i32
      %dma_wait3A_226 = tpu.memref_slice %arg2[%dma_wait3A_224, %dma_wait3A_225] : memref<10240x128xf32, #tpu.memory_space<hbm>> -> memref<10240x128xf32, #tpu.memory_space<hbm>>
      tpu.wait_indirect_dma semaphore(%arg24 : memref<!tpu.dma_semaphore, #tpu.memory_space<semaphore_mem>>) src(%dma_wait3A_226 : memref<10240x128xf32, #tpu.memory_space<hbm>>) dst(%arg16 : memref<80x128xf32, #tpu.memory_space<vmem>>)
      %dma_start3A_227 = arith.constant 0 : i32
      %dma_start3A_228 = arith.constant 0 : i32
      %dma_start3A_229 = tpu.memref_slice %arg29[%dma_start3A_227, %dma_start3A_228] : memref<10240x128xf32, #tpu.memory_space<vmem_shared>> -> memref<10240x128xf32, #tpu.memory_space<vmem_shared>>
      tpu.enqueue_indirect_dma source(%arg16 : memref<80x128xf32, #tpu.memory_space<vmem>>) target(%dma_start3A_229 : memref<10240x128xf32, #tpu.memory_space<vmem_shared>>) offsets(%arg12 : memref<80xi32, #tpu.memory_space<vmem>>) semaphore(%arg28 : memref<!tpu.dma_semaphore, #tpu.memory_space<semaphore_mem>>) {add = true}
      %add3A_230 = arith.constant 2 : i32
      %add3A_231 = arith.addi %add3A_207, %add3A_230 : i32
      %mul3A_232 = arith.constant 80 : i32
      %mul3A_233 = arith.muli %add3A_231, %mul3A_232 : i32
      %add3A_234 = arith.addi %mul3A_4, %mul3A_233 : i32
      %dma_start3A_235 = tpu.memref_slice %arg3[%add3A_234] : memref<640000xi32, #tpu.memory_space<hbm>> -> memref<80xi32, #tpu.memory_space<hbm>>
      %dma_start3A_236 = tpu.memref_slice %arg3[%add3A_234] : memref<640000xi32, #tpu.memory_space<hbm>> -> memref<80xi32, #tpu.memory_space<hbm>>
      tpu.enqueue_dma source(%dma_start3A_236 : memref<80xi32, #tpu.memory_space<hbm>>) target(%arg6 : memref<80xi32, #tpu.memory_space<vmem>>) target_semaphore(%arg18 : memref<!tpu.dma_semaphore, #tpu.memory_space<semaphore_mem>>)
      %add3A_237 = arith.constant 320000 : i32
      %add3A_238 = arith.addi %add3A_237, %mul3A_4 : i32
      %mul3A_239 = arith.constant 80 : i32
      %mul3A_240 = arith.muli %add3A_231, %mul3A_239 : i32
      %add3A_241 = arith.addi %add3A_238, %mul3A_240 : i32
      %dma_start3A_242 = tpu.memref_slice %arg3[%add3A_241] : memref<640000xi32, #tpu.memory_space<hbm>> -> memref<80xi32, #tpu.memory_space<hbm>>
      %dma_start3A_243 = tpu.memref_slice %arg3[%add3A_241] : memref<640000xi32, #tpu.memory_space<hbm>> -> memref<80xi32, #tpu.memory_space<hbm>>
      tpu.enqueue_dma source(%dma_start3A_243 : memref<80xi32, #tpu.memory_space<hbm>>) target(%arg10 : memref<80xi32, #tpu.memory_space<vmem>>) target_semaphore(%arg18 : memref<!tpu.dma_semaphore, #tpu.memory_space<semaphore_mem>>)
      %mul3A_244 = arith.constant 4 : i32
      %mul3A_245 = arith.muli %mul3A_244, %scan3A_159 : i32
      %add3A_246 = arith.constant 2 : i32
      %add3A_247 = arith.addi %mul3A_245, %add3A_246 : i32
      %add3A_248 = arith.constant 2 : i32
      %add3A_249 = arith.addi %add3A_247, %add3A_248 : i32
      %dma_wait3A_250 = arith.constant 0 : i32
      %dma_wait3A_251 = arith.constant 0 : i32
      %dma_wait3A_252 = tpu.memref_slice %arg29[%dma_wait3A_250, %dma_wait3A_251] : memref<10240x128xf32, #tpu.memory_space<vmem_shared>> -> memref<10240x128xf32, #tpu.memory_space<vmem_shared>>
      tpu.wait_indirect_dma semaphore(%arg27 : memref<!tpu.dma_semaphore, #tpu.memory_space<semaphore_mem>>) src(%arg15 : memref<80x128xf32, #tpu.memory_space<vmem>>) dst(%dma_wait3A_252 : memref<10240x128xf32, #tpu.memory_space<vmem_shared>>)
      %dma_wait3A_253 = arith.constant 0 : i32
      %dma_wait3A_254 = tpu.memref_slice %arg3[%dma_wait3A_253] : memref<640000xi32, #tpu.memory_space<hbm>> -> memref<80xi32, #tpu.memory_space<hbm>>
      %dma_wait3A_255 = arith.constant 0 : i32
      %dma_wait3A_256 = tpu.memref_slice %arg3[%dma_wait3A_255] : memref<640000xi32, #tpu.memory_space<hbm>> -> memref<80xi32, #tpu.memory_space<hbm>>
      tpu.wait_dma2 semaphore(%arg18 : memref<!tpu.dma_semaphore, #tpu.memory_space<semaphore_mem>>) src(%dma_wait3A_256 : memref<80xi32, #tpu.memory_space<hbm>>) dst(%arg6 : memref<80xi32, #tpu.memory_space<vmem>>)
      %dma_wait3A_257 = arith.constant 0 : i32
      %dma_wait3A_258 = tpu.memref_slice %arg3[%dma_wait3A_257] : memref<640000xi32, #tpu.memory_space<hbm>> -> memref<80xi32, #tpu.memory_space<hbm>>
      %dma_wait3A_259 = arith.constant 0 : i32
      %dma_wait3A_260 = tpu.memref_slice %arg3[%dma_wait3A_259] : memref<640000xi32, #tpu.memory_space<hbm>> -> memref<80xi32, #tpu.memory_space<hbm>>
      tpu.wait_dma2 semaphore(%arg18 : memref<!tpu.dma_semaphore, #tpu.memory_space<semaphore_mem>>) src(%dma_wait3A_260 : memref<80xi32, #tpu.memory_space<hbm>>) dst(%arg10 : memref<80xi32, #tpu.memory_space<vmem>>)
      %add3A_261 = arith.constant 1 : i32
      %add3A_262 = arith.addi %add3A_249, %add3A_261 : i32
      %dma_start3A_263 = arith.constant 0 : i32
      %dma_start3A_264 = arith.constant 0 : i32
      %dma_start3A_265 = tpu.memref_slice %arg2[%dma_start3A_263, %dma_start3A_264] : memref<10240x128xf32, #tpu.memory_space<hbm>> -> memref<10240x128xf32, #tpu.memory_space<hbm>>
      tpu.enqueue_indirect_dma source(%dma_start3A_265 : memref<10240x128xf32, #tpu.memory_space<hbm>>) target(%arg14 : memref<80x128xf32, #tpu.memory_space<vmem>>) offsets(%arg6 : memref<80xi32, #tpu.memory_space<vmem>>) semaphore(%arg22 : memref<!tpu.dma_semaphore, #tpu.memory_space<semaphore_mem>>)
      %dma_wait3A_266 = arith.constant 0 : i32
      %dma_wait3A_267 = arith.constant 0 : i32
      %dma_wait3A_268 = tpu.memref_slice %arg2[%dma_wait3A_266, %dma_wait3A_267] : memref<10240x128xf32, #tpu.memory_space<hbm>> -> memref<10240x128xf32, #tpu.memory_space<hbm>>
      tpu.wait_indirect_dma semaphore(%arg21 : memref<!tpu.dma_semaphore, #tpu.memory_space<semaphore_mem>>) src(%dma_wait3A_268 : memref<10240x128xf32, #tpu.memory_space<hbm>>) dst(%arg13 : memref<80x128xf32, #tpu.memory_space<vmem>>)
      %dma_start3A_269 = arith.constant 0 : i32
      %dma_start3A_270 = arith.constant 0 : i32
      %dma_start3A_271 = tpu.memref_slice %arg29[%dma_start3A_269, %dma_start3A_270] : memref<10240x128xf32, #tpu.memory_space<vmem_shared>> -> memref<10240x128xf32, #tpu.memory_space<vmem_shared>>
      tpu.enqueue_indirect_dma source(%arg13 : memref<80x128xf32, #tpu.memory_space<vmem>>) target(%dma_start3A_271 : memref<10240x128xf32, #tpu.memory_space<vmem_shared>>) offsets(%arg9 : memref<80xi32, #tpu.memory_space<vmem>>) semaphore(%arg25 : memref<!tpu.dma_semaphore, #tpu.memory_space<semaphore_mem>>) {add = true}
      %add3A_272 = arith.constant 2 : i32
      %add3A_273 = arith.addi %add3A_249, %add3A_272 : i32
      %mul3A_274 = arith.constant 80 : i32
      %mul3A_275 = arith.muli %add3A_273, %mul3A_274 : i32
      %add3A_276 = arith.addi %mul3A_4, %mul3A_275 : i32
      %dma_start3A_277 = tpu.memref_slice %arg3[%add3A_276] : memref<640000xi32, #tpu.memory_space<hbm>> -> memref<80xi32, #tpu.memory_space<hbm>>
      %dma_start3A_278 = tpu.memref_slice %arg3[%add3A_276] : memref<640000xi32, #tpu.memory_space<hbm>> -> memref<80xi32, #tpu.memory_space<hbm>>
      tpu.enqueue_dma source(%dma_start3A_278 : memref<80xi32, #tpu.memory_space<hbm>>) target(%arg7 : memref<80xi32, #tpu.memory_space<vmem>>) target_semaphore(%arg19 : memref<!tpu.dma_semaphore, #tpu.memory_space<semaphore_mem>>)
      %add3A_279 = arith.constant 320000 : i32
      %add3A_280 = arith.addi %add3A_279, %mul3A_4 : i32
      %mul3A_281 = arith.constant 80 : i32
      %mul3A_282 = arith.muli %add3A_273, %mul3A_281 : i32
      %add3A_283 = arith.addi %add3A_280, %mul3A_282 : i32
      %dma_start3A_284 = tpu.memref_slice %arg3[%add3A_283] : memref<640000xi32, #tpu.memory_space<hbm>> -> memref<80xi32, #tpu.memory_space<hbm>>
      %dma_start3A_285 = tpu.memref_slice %arg3[%add3A_283] : memref<640000xi32, #tpu.memory_space<hbm>> -> memref<80xi32, #tpu.memory_space<hbm>>
      tpu.enqueue_dma source(%dma_start3A_285 : memref<80xi32, #tpu.memory_space<hbm>>) target(%arg11 : memref<80xi32, #tpu.memory_space<vmem>>) target_semaphore(%arg19 : memref<!tpu.dma_semaphore, #tpu.memory_space<semaphore_mem>>)
      %mul3A_286 = arith.constant 4 : i32
      %mul3A_287 = arith.muli %mul3A_286, %scan3A_159 : i32
      %add3A_288 = arith.constant 3 : i32
      %add3A_289 = arith.addi %mul3A_287, %add3A_288 : i32
      %add3A_290 = arith.constant 2 : i32
      %add3A_291 = arith.addi %add3A_289, %add3A_290 : i32
      %dma_wait3A_292 = arith.constant 0 : i32
      %dma_wait3A_293 = arith.constant 0 : i32
      %dma_wait3A_294 = tpu.memref_slice %arg29[%dma_wait3A_292, %dma_wait3A_293] : memref<10240x128xf32, #tpu.memory_space<vmem_shared>> -> memref<10240x128xf32, #tpu.memory_space<vmem_shared>>
      tpu.wait_indirect_dma semaphore(%arg28 : memref<!tpu.dma_semaphore, #tpu.memory_space<semaphore_mem>>) src(%arg16 : memref<80x128xf32, #tpu.memory_space<vmem>>) dst(%dma_wait3A_294 : memref<10240x128xf32, #tpu.memory_space<vmem_shared>>)
      %dma_wait3A_295 = arith.constant 0 : i32
      %dma_wait3A_296 = tpu.memref_slice %arg3[%dma_wait3A_295] : memref<640000xi32, #tpu.memory_space<hbm>> -> memref<80xi32, #tpu.memory_space<hbm>>
      %dma_wait3A_297 = arith.constant 0 : i32
      %dma_wait3A_298 = tpu.memref_slice %arg3[%dma_wait3A_297] : memref<640000xi32, #tpu.memory_space<hbm>> -> memref<80xi32, #tpu.memory_space<hbm>>
      tpu.wait_dma2 semaphore(%arg19 : memref<!tpu.dma_semaphore, #tpu.memory_space<semaphore_mem>>) src(%dma_wait3A_298 : memref<80xi32, #tpu.memory_space<hbm>>) dst(%arg7 : memref<80xi32, #tpu.memory_space<vmem>>)
      %dma_wait3A_299 = arith.constant 0 : i32
      %dma_wait3A_300 = tpu.memref_slice %arg3[%dma_wait3A_299] : memref<640000xi32, #tpu.memory_space<hbm>> -> memref<80xi32, #tpu.memory_space<hbm>>
      %dma_wait3A_301 = arith.constant 0 : i32
      %dma_wait3A_302 = tpu.memref_slice %arg3[%dma_wait3A_301] : memref<640000xi32, #tpu.memory_space<hbm>> -> memref<80xi32, #tpu.memory_space<hbm>>
      tpu.wait_dma2 semaphore(%arg19 : memref<!tpu.dma_semaphore, #tpu.memory_space<semaphore_mem>>) src(%dma_wait3A_302 : memref<80xi32, #tpu.memory_space<hbm>>) dst(%arg11 : memref<80xi32, #tpu.memory_space<vmem>>)
      %add3A_303 = arith.constant 1 : i32
      %add3A_304 = arith.addi %add3A_291, %add3A_303 : i32
      %dma_start3A_305 = arith.constant 0 : i32
      %dma_start3A_306 = arith.constant 0 : i32
      %dma_start3A_307 = tpu.memref_slice %arg2[%dma_start3A_305, %dma_start3A_306] : memref<10240x128xf32, #tpu.memory_space<hbm>> -> memref<10240x128xf32, #tpu.memory_space<hbm>>
      tpu.enqueue_indirect_dma source(%dma_start3A_307 : memref<10240x128xf32, #tpu.memory_space<hbm>>) target(%arg15 : memref<80x128xf32, #tpu.memory_space<vmem>>) offsets(%arg7 : memref<80xi32, #tpu.memory_space<vmem>>) semaphore(%arg23 : memref<!tpu.dma_semaphore, #tpu.memory_space<semaphore_mem>>)
      %dma_wait3A_308 = arith.constant 0 : i32
      %dma_wait3A_309 = arith.constant 0 : i32
      %dma_wait3A_310 = tpu.memref_slice %arg2[%dma_wait3A_308, %dma_wait3A_309] : memref<10240x128xf32, #tpu.memory_space<hbm>> -> memref<10240x128xf32, #tpu.memory_space<hbm>>
      tpu.wait_indirect_dma semaphore(%arg22 : memref<!tpu.dma_semaphore, #tpu.memory_space<semaphore_mem>>) src(%dma_wait3A_310 : memref<10240x128xf32, #tpu.memory_space<hbm>>) dst(%arg14 : memref<80x128xf32, #tpu.memory_space<vmem>>)
      %dma_start3A_311 = arith.constant 0 : i32
      %dma_start3A_312 = arith.constant 0 : i32
      %dma_start3A_313 = tpu.memref_slice %arg29[%dma_start3A_311, %dma_start3A_312] : memref<10240x128xf32, #tpu.memory_space<vmem_shared>> -> memref<10240x128xf32, #tpu.memory_space<vmem_shared>>
      tpu.enqueue_indirect_dma source(%arg14 : memref<80x128xf32, #tpu.memory_space<vmem>>) target(%dma_start3A_313 : memref<10240x128xf32, #tpu.memory_space<vmem_shared>>) offsets(%arg10 : memref<80xi32, #tpu.memory_space<vmem>>) semaphore(%arg26 : memref<!tpu.dma_semaphore, #tpu.memory_space<semaphore_mem>>) {add = true}
      %add3A_314 = arith.constant 2 : i32
      %add3A_315 = arith.addi %add3A_291, %add3A_314 : i32
      %mul3A_316 = arith.constant 80 : i32
      %mul3A_317 = arith.muli %add3A_315, %mul3A_316 : i32
      %add3A_318 = arith.addi %mul3A_4, %mul3A_317 : i32
      %dma_start3A_319 = tpu.memref_slice %arg3[%add3A_318] : memref<640000xi32, #tpu.memory_space<hbm>> -> memref<80xi32, #tpu.memory_space<hbm>>
      %dma_start3A_320 = tpu.memref_slice %arg3[%add3A_318] : memref<640000xi32, #tpu.memory_space<hbm>> -> memref<80xi32, #tpu.memory_space<hbm>>
      tpu.enqueue_dma source(%dma_start3A_320 : memref<80xi32, #tpu.memory_space<hbm>>) target(%arg8 : memref<80xi32, #tpu.memory_space<vmem>>) target_semaphore(%arg20 : memref<!tpu.dma_semaphore, #tpu.memory_space<semaphore_mem>>)
      %add3A_321 = arith.constant 320000 : i32
      %add3A_322 = arith.addi %add3A_321, %mul3A_4 : i32
      %mul3A_323 = arith.constant 80 : i32
      %mul3A_324 = arith.muli %add3A_315, %mul3A_323 : i32
      %add3A_325 = arith.addi %add3A_322, %mul3A_324 : i32
      %dma_start3A_326 = tpu.memref_slice %arg3[%add3A_325] : memref<640000xi32, #tpu.memory_space<hbm>> -> memref<80xi32, #tpu.memory_space<hbm>>
      %dma_start3A_327 = tpu.memref_slice %arg3[%add3A_325] : memref<640000xi32, #tpu.memory_space<hbm>> -> memref<80xi32, #tpu.memory_space<hbm>>
      tpu.enqueue_dma source(%dma_start3A_327 : memref<80xi32, #tpu.memory_space<hbm>>) target(%arg12 : memref<80xi32, #tpu.memory_space<vmem>>) target_semaphore(%arg20 : memref<!tpu.dma_semaphore, #tpu.memory_space<semaphore_mem>>)
    }
    %scan3A_92 = arith.constant 30 : i32
    %dma_wait3A_93 = arith.constant 0 : i32
    %dma_wait3A_94 = arith.constant 0 : i32
    %dma_wait3A_95 = tpu.memref_slice %arg29[%dma_wait3A_93, %dma_wait3A_94] : memref<10240x128xf32, #tpu.memory_space<vmem_shared>> -> memref<10240x128xf32, #tpu.memory_space<vmem_shared>>
    tpu.wait_indirect_dma semaphore(%arg25 : memref<!tpu.dma_semaphore, #tpu.memory_space<semaphore_mem>>) src(%arg13 : memref<80x128xf32, #tpu.memory_space<vmem>>) dst(%dma_wait3A_95 : memref<10240x128xf32, #tpu.memory_space<vmem_shared>>)
    %dma_wait3A_96 = arith.constant 0 : i32
    %dma_wait3A_97 = tpu.memref_slice %arg3[%dma_wait3A_96] : memref<640000xi32, #tpu.memory_space<hbm>> -> memref<80xi32, #tpu.memory_space<hbm>>
    %dma_wait3A_98 = arith.constant 0 : i32
    %dma_wait3A_99 = tpu.memref_slice %arg3[%dma_wait3A_98] : memref<640000xi32, #tpu.memory_space<hbm>> -> memref<80xi32, #tpu.memory_space<hbm>>
    tpu.wait_dma2 semaphore(%arg20 : memref<!tpu.dma_semaphore, #tpu.memory_space<semaphore_mem>>) src(%dma_wait3A_99 : memref<80xi32, #tpu.memory_space<hbm>>) dst(%arg8 : memref<80xi32, #tpu.memory_space<vmem>>)
    %dma_wait3A_100 = arith.constant 0 : i32
    %dma_wait3A_101 = tpu.memref_slice %arg3[%dma_wait3A_100] : memref<640000xi32, #tpu.memory_space<hbm>> -> memref<80xi32, #tpu.memory_space<hbm>>
    %dma_wait3A_102 = arith.constant 0 : i32
    %dma_wait3A_103 = tpu.memref_slice %arg3[%dma_wait3A_102] : memref<640000xi32, #tpu.memory_space<hbm>> -> memref<80xi32, #tpu.memory_space<hbm>>
    tpu.wait_dma2 semaphore(%arg20 : memref<!tpu.dma_semaphore, #tpu.memory_space<semaphore_mem>>) src(%dma_wait3A_103 : memref<80xi32, #tpu.memory_space<hbm>>) dst(%arg12 : memref<80xi32, #tpu.memory_space<vmem>>)
    %dma_start3A_104 = arith.constant 0 : i32
    %dma_start3A_105 = arith.constant 0 : i32
    %dma_start3A_106 = tpu.memref_slice %arg2[%dma_start3A_104, %dma_start3A_105] : memref<10240x128xf32, #tpu.memory_space<hbm>> -> memref<10240x128xf32, #tpu.memory_space<hbm>>
    tpu.enqueue_indirect_dma source(%dma_start3A_106 : memref<10240x128xf32, #tpu.memory_space<hbm>>) target(%arg16 : memref<80x128xf32, #tpu.memory_space<vmem>>) offsets(%arg8 : memref<80xi32, #tpu.memory_space<vmem>>) semaphore(%arg24 : memref<!tpu.dma_semaphore, #tpu.memory_space<semaphore_mem>>)
    %dma_wait3A_107 = arith.constant 0 : i32
    %dma_wait3A_108 = arith.constant 0 : i32
    %dma_wait3A_109 = tpu.memref_slice %arg2[%dma_wait3A_107, %dma_wait3A_108] : memref<10240x128xf32, #tpu.memory_space<hbm>> -> memref<10240x128xf32, #tpu.memory_space<hbm>>
    tpu.wait_indirect_dma semaphore(%arg23 : memref<!tpu.dma_semaphore, #tpu.memory_space<semaphore_mem>>) src(%dma_wait3A_109 : memref<10240x128xf32, #tpu.memory_space<hbm>>) dst(%arg15 : memref<80x128xf32, #tpu.memory_space<vmem>>)
    %dma_start3A_110 = arith.constant 0 : i32
    %dma_start3A_111 = arith.constant 0 : i32
    %dma_start3A_112 = tpu.memref_slice %arg29[%dma_start3A_110, %dma_start3A_111] : memref<10240x128xf32, #tpu.memory_space<vmem_shared>> -> memref<10240x128xf32, #tpu.memory_space<vmem_shared>>
    tpu.enqueue_indirect_dma source(%arg15 : memref<80x128xf32, #tpu.memory_space<vmem>>) target(%dma_start3A_112 : memref<10240x128xf32, #tpu.memory_space<vmem_shared>>) offsets(%arg11 : memref<80xi32, #tpu.memory_space<vmem>>) semaphore(%arg27 : memref<!tpu.dma_semaphore, #tpu.memory_space<semaphore_mem>>) {add = true}
    %add3A_113 = arith.constant 9920 : i32
    %add3A_114 = arith.addi %mul3A_4, %add3A_113 : i32
    %dma_start3A_115 = tpu.memref_slice %arg3[%add3A_114] : memref<640000xi32, #tpu.memory_space<hbm>> -> memref<80xi32, #tpu.memory_space<hbm>>
    %dma_start3A_116 = tpu.memref_slice %arg3[%add3A_114] : memref<640000xi32, #tpu.memory_space<hbm>> -> memref<80xi32, #tpu.memory_space<hbm>>
    tpu.enqueue_dma source(%dma_start3A_116 : memref<80xi32, #tpu.memory_space<hbm>>) target(%arg5 : memref<80xi32, #tpu.memory_space<vmem>>) target_semaphore(%arg17 : memref<!tpu.dma_semaphore, #tpu.memory_space<semaphore_mem>>)
    %add3A_117 = arith.constant 320000 : i32
    %add3A_118 = arith.addi %add3A_117, %mul3A_4 : i32
    %add3A_119 = arith.constant 9920 : i32
    %add3A_120 = arith.addi %add3A_118, %add3A_119 : i32
    %dma_start3A_121 = tpu.memref_slice %arg3[%add3A_120] : memref<640000xi32, #tpu.memory_space<hbm>> -> memref<80xi32, #tpu.memory_space<hbm>>
    %dma_start3A_122 = tpu.memref_slice %arg3[%add3A_120] : memref<640000xi32, #tpu.memory_space<hbm>> -> memref<80xi32, #tpu.memory_space<hbm>>
    tpu.enqueue_dma source(%dma_start3A_122 : memref<80xi32, #tpu.memory_space<hbm>>) target(%arg9 : memref<80xi32, #tpu.memory_space<vmem>>) target_semaphore(%arg17 : memref<!tpu.dma_semaphore, #tpu.memory_space<semaphore_mem>>)
    %dma_wait3A_123 = arith.constant 0 : i32
    %dma_wait3A_124 = arith.constant 0 : i32
    %dma_wait3A_125 = tpu.memref_slice %arg29[%dma_wait3A_123, %dma_wait3A_124] : memref<10240x128xf32, #tpu.memory_space<vmem_shared>> -> memref<10240x128xf32, #tpu.memory_space<vmem_shared>>
    tpu.wait_indirect_dma semaphore(%arg26 : memref<!tpu.dma_semaphore, #tpu.memory_space<semaphore_mem>>) src(%arg14 : memref<80x128xf32, #tpu.memory_space<vmem>>) dst(%dma_wait3A_125 : memref<10240x128xf32, #tpu.memory_space<vmem_shared>>)
    %dma_wait3A_126 = arith.constant 0 : i32
    %dma_wait3A_127 = tpu.memref_slice %arg3[%dma_wait3A_126] : memref<640000xi32, #tpu.memory_space<hbm>> -> memref<80xi32, #tpu.memory_space<hbm>>
    %dma_wait3A_128 = arith.constant 0 : i32
    %dma_wait3A_129 = tpu.memref_slice %arg3[%dma_wait3A_128] : memref<640000xi32, #tpu.memory_space<hbm>> -> memref<80xi32, #tpu.memory_space<hbm>>
    tpu.wait_dma2 semaphore(%arg17 : memref<!tpu.dma_semaphore, #tpu.memory_space<semaphore_mem>>) src(%dma_wait3A_129 : memref<80xi32, #tpu.memory_space<hbm>>) dst(%arg5 : memref<80xi32, #tpu.memory_space<vmem>>)
    %dma_wait3A_130 = arith.constant 0 : i32
    %dma_wait3A_131 = tpu.memref_slice %arg3[%dma_wait3A_130] : memref<640000xi32, #tpu.memory_space<hbm>> -> memref<80xi32, #tpu.memory_space<hbm>>
    %dma_wait3A_132 = arith.constant 0 : i32
    %dma_wait3A_133 = tpu.memref_slice %arg3[%dma_wait3A_132] : memref<640000xi32, #tpu.memory_space<hbm>> -> memref<80xi32, #tpu.memory_space<hbm>>
    tpu.wait_dma2 semaphore(%arg17 : memref<!tpu.dma_semaphore, #tpu.memory_space<semaphore_mem>>) src(%dma_wait3A_133 : memref<80xi32, #tpu.memory_space<hbm>>) dst(%arg9 : memref<80xi32, #tpu.memory_space<vmem>>)
    %dma_start3A_134 = arith.constant 0 : i32
    %dma_start3A_135 = arith.constant 0 : i32
    %dma_start3A_136 = tpu.memref_slice %arg2[%dma_start3A_134, %dma_start3A_135] : memref<10240x128xf32, #tpu.memory_space<hbm>> -> memref<10240x128xf32, #tpu.memory_space<hbm>>
    tpu.enqueue_indirect_dma source(%dma_start3A_136 : memref<10240x128xf32, #tpu.memory_space<hbm>>) target(%arg13 : memref<80x128xf32, #tpu.memory_space<vmem>>) offsets(%arg5 : memref<80xi32, #tpu.memory_space<vmem>>) semaphore(%arg21 : memref<!tpu.dma_semaphore, #tpu.memory_space<semaphore_mem>>)
    %dma_wait3A_137 = arith.constant 0 : i32
    %dma_wait3A_138 = arith.constant 0 : i32
    %dma_wait3A_139 = tpu.memref_slice %arg2[%dma_wait3A_137, %dma_wait3A_138] : memref<10240x128xf32, #tpu.memory_space<hbm>> -> memref<10240x128xf32, #tpu.memory_space<hbm>>
    tpu.wait_indirect_dma semaphore(%arg24 : memref<!tpu.dma_semaphore, #tpu.memory_space<semaphore_mem>>) src(%dma_wait3A_139 : memref<10240x128xf32, #tpu.memory_space<hbm>>) dst(%arg16 : memref<80x128xf32, #tpu.memory_space<vmem>>)
    %dma_start3A_140 = arith.constant 0 : i32
    %dma_start3A_141 = arith.constant 0 : i32
    %dma_start3A_142 = tpu.memref_slice %arg29[%dma_start3A_140, %dma_start3A_141] : memref<10240x128xf32, #tpu.memory_space<vmem_shared>> -> memref<10240x128xf32, #tpu.memory_space<vmem_shared>>
    tpu.enqueue_indirect_dma source(%arg16 : memref<80x128xf32, #tpu.memory_space<vmem>>) target(%dma_start3A_142 : memref<10240x128xf32, #tpu.memory_space<vmem_shared>>) offsets(%arg12 : memref<80xi32, #tpu.memory_space<vmem>>) semaphore(%arg28 : memref<!tpu.dma_semaphore, #tpu.memory_space<semaphore_mem>>) {add = true}
    %dma_wait3A_143 = arith.constant 0 : i32
    %dma_wait3A_144 = arith.constant 0 : i32
    %dma_wait3A_145 = tpu.memref_slice %arg29[%dma_wait3A_143, %dma_wait3A_144] : memref<10240x128xf32, #tpu.memory_space<vmem_shared>> -> memref<10240x128xf32, #tpu.memory_space<vmem_shared>>
    tpu.wait_indirect_dma semaphore(%arg27 : memref<!tpu.dma_semaphore, #tpu.memory_space<semaphore_mem>>) src(%arg15 : memref<80x128xf32, #tpu.memory_space<vmem>>) dst(%dma_wait3A_145 : memref<10240x128xf32, #tpu.memory_space<vmem_shared>>)
    %dma_wait3A_146 = arith.constant 0 : i32
    %dma_wait3A_147 = arith.constant 0 : i32
    %dma_wait3A_148 = tpu.memref_slice %arg2[%dma_wait3A_146, %dma_wait3A_147] : memref<10240x128xf32, #tpu.memory_space<hbm>> -> memref<10240x128xf32, #tpu.memory_space<hbm>>
    tpu.wait_indirect_dma semaphore(%arg21 : memref<!tpu.dma_semaphore, #tpu.memory_space<semaphore_mem>>) src(%dma_wait3A_148 : memref<10240x128xf32, #tpu.memory_space<hbm>>) dst(%arg13 : memref<80x128xf32, #tpu.memory_space<vmem>>)
    %dma_start3A_149 = arith.constant 0 : i32
    %dma_start3A_150 = arith.constant 0 : i32
    %dma_start3A_151 = tpu.memref_slice %arg29[%dma_start3A_149, %dma_start3A_150] : memref<10240x128xf32, #tpu.memory_space<vmem_shared>> -> memref<10240x128xf32, #tpu.memory_space<vmem_shared>>
    tpu.enqueue_indirect_dma source(%arg13 : memref<80x128xf32, #tpu.memory_space<vmem>>) target(%dma_start3A_151 : memref<10240x128xf32, #tpu.memory_space<vmem_shared>>) offsets(%arg9 : memref<80xi32, #tpu.memory_space<vmem>>) semaphore(%arg25 : memref<!tpu.dma_semaphore, #tpu.memory_space<semaphore_mem>>) {add = true}
    %dma_wait3A_152 = arith.constant 0 : i32
    %dma_wait3A_153 = arith.constant 0 : i32
    %dma_wait3A_154 = tpu.memref_slice %arg29[%dma_wait3A_152, %dma_wait3A_153] : memref<10240x128xf32, #tpu.memory_space<vmem_shared>> -> memref<10240x128xf32, #tpu.memory_space<vmem_shared>>
    tpu.wait_indirect_dma semaphore(%arg28 : memref<!tpu.dma_semaphore, #tpu.memory_space<semaphore_mem>>) src(%arg16 : memref<80x128xf32, #tpu.memory_space<vmem>>) dst(%dma_wait3A_154 : memref<10240x128xf32, #tpu.memory_space<vmem_shared>>)
    %dma_wait3A_155 = arith.constant 0 : i32
    %dma_wait3A_156 = arith.constant 0 : i32
    %dma_wait3A_157 = tpu.memref_slice %arg29[%dma_wait3A_155, %dma_wait3A_156] : memref<10240x128xf32, #tpu.memory_space<vmem_shared>> -> memref<10240x128xf32, #tpu.memory_space<vmem_shared>>
    tpu.wait_indirect_dma semaphore(%arg25 : memref<!tpu.dma_semaphore, #tpu.memory_space<semaphore_mem>>) src(%arg13 : memref<80x128xf32, #tpu.memory_space<vmem>>) dst(%dma_wait3A_157 : memref<10240x128xf32, #tpu.memory_space<vmem_shared>>)
    %barrier3A_158 = arith.constant 0 : index
    tpu.barrier barrier_id(%barrier3A_158)
    "tpu.region"() ({
      %run_scoped3A = tpu.sem_alloc : memref<!tpu.dma_semaphore, #tpu.memory_space<semaphore_mem>>
      %dma_start3A_159 = arith.constant 0 : i32
      %dma_start3A_160 = tpu.memref_slice %arg4[%arg0, %mul3A_2, %dma_start3A_159] : memref<2x10240x128xf32, #tpu.memory_space<hbm>> -> memref<1x640x128xf32, #tpu.memory_space<hbm>>
      %dma_start3A_161 = tpu.memref_squeeze %dma_start3A_160 : memref<1x640x128xf32, #tpu.memory_space<hbm>> -> memref<640x128xf32, #tpu.memory_space<hbm>>
      %dma_start3A_162 = arith.constant 0 : i32
      %dma_start3A_163 = tpu.memref_slice %arg29[%mul3A_2, %dma_start3A_162] : memref<10240x128xf32, #tpu.memory_space<vmem_shared>> -> memref<640x128xf32, #tpu.memory_space<vmem_shared>>
      tpu.enqueue_dma source(%dma_start3A_163 : memref<640x128xf32, #tpu.memory_space<vmem_shared>>) target(%dma_start3A_161 : memref<640x128xf32, #tpu.memory_space<hbm>>) target_semaphore(%run_scoped3A : memref<!tpu.dma_semaphore, #tpu.memory_space<semaphore_mem>>)
      %dma_wait3A_164 = arith.constant 0 : i32
      %dma_wait3A_165 = tpu.memref_slice %arg4[%arg0, %mul3A_2, %dma_wait3A_164] : memref<2x10240x128xf32, #tpu.memory_space<hbm>> -> memref<1x640x128xf32, #tpu.memory_space<hbm>>
      %dma_wait3A_166 = tpu.memref_squeeze %dma_wait3A_165 : memref<1x640x128xf32, #tpu.memory_space<hbm>> -> memref<640x128xf32, #tpu.memory_space<hbm>>
      %dma_wait3A_167 = arith.constant 0 : i32
      %dma_wait3A_168 = tpu.memref_slice %arg29[%mul3A_2, %dma_wait3A_167] : memref<10240x128xf32, #tpu.memory_space<vmem_shared>> -> memref<640x128xf32, #tpu.memory_space<vmem_shared>>
      tpu.wait_dma2 semaphore(%run_scoped3A : memref<!tpu.dma_semaphore, #tpu.memory_space<semaphore_mem>>) src(%dma_wait3A_168 : memref<640x128xf32, #tpu.memory_space<vmem_shared>>) dst(%dma_wait3A_166 : memref<640x128xf32, #tpu.memory_space<hbm>>)
      tpu.yield
    }) : () -> ()
    return
  }
}

module attributes {stable_mosaic.version = 14 : i64} {
  func.func @_tc1_body(%arg0: i32, %arg1: memref<1024x128xf32, #tpu.memory_space<vmem>>, %arg2: memref<128x128xf32, #tpu.memory_space<vmem>>, %arg3: memref<1024x8xf32, #tpu.memory_space<vmem>>, %arg4: memref<1024x128xf32, #tpu.memory_space<vmem>>) attributes {dimension_semantics = [#tpu.dimension_semantics<arbitrary>], iteration_bounds = array<i64: 10>, scalar_prefetch = 0 : i64, scratch_operands = 0 : i64, tpu.core_type = #tpu.core_type<tc>, window_params = [{transform_indices = @transform_0, window_bounds = array<i64: 1024, 128>}, {pipeline_mode = #tpu.pipeline_mode<synchronous>, transform_indices = @transform_1, window_bounds = array<i64: 128, 128>}, {transform_indices = @transform_2, window_bounds = array<i64: 1024, 8>}, {transform_indices = @transform_3, window_bounds = array<i64: 1024, 128>}]} {
    %get3A = arith.constant 0 : index
    %get3A_0 = arith.constant 0 : index
    %get3A_1 = vector.load %arg3[%get3A, %get3A_0] : memref<1024x8xf32, #tpu.memory_space<vmem>>, vector<1024x1xf32>
    %get3A_2 = arith.constant 0 : index
    %get3A_3 = arith.constant 0 : index
    %get3A_4 = vector.load %arg1[%get3A_2, %get3A_3] : memref<1024x128xf32, #tpu.memory_space<vmem>>, vector<1024x128xf32>
    %get3A_5 = arith.constant 0 : index
    %get3A_6 = arith.constant 0 : index
    %get3A_7 = vector.load %arg2[%get3A_5, %get3A_6] : memref<128x128xf32, #tpu.memory_space<vmem>>, vector<128x128xf32>
    %dot_general3A = arith.constant dense<0.000000e+00> : vector<1024x128xf32>
    %dot_general3A_8 = tpu.matmul %get3A_4, %get3A_7, %dot_general3A {dimension_numbers = #tpu.dot_dimension_numbers<[1], [0], [0], [1], [0, 0, 1, 1], [], []>, transpose_lhs_hint = false} : vector<1024x128xf32>, vector<128x128xf32>, vector<1024x128xf32> -> vector<1024x128xf32>
    %mul3A = vector.broadcast %get3A_1 : vector<1024x1xf32> to vector<1024x128xf32>
    %mul3A_9 = arith.mulf %dot_general3A_8, %mul3A : vector<1024x128xf32>
    %swap3A = arith.constant 0 : index
    %swap3A_10 = arith.constant 0 : index
    %swap3A_11 = vector.load %arg4[%swap3A, %swap3A_10] : memref<1024x128xf32, #tpu.memory_space<vmem>>, vector<1024x128xf32>
    tpu.vector_store %arg4[%swap3A, %swap3A_10], %mul3A_9 {strides = array<i32>} : memref<1024x128xf32, #tpu.memory_space<vmem>>, vector<1024x128xf32>,
    return
  }
  func.func @transform_0(%arg0: i32) -> (i32, i32) {
    %c0_i32 = arith.constant 0 : i32
    %c0_i32_0 = arith.constant 0 : i32
    return %arg0, %c0_i32 : i32, i32
  }
  func.func @transform_1(%arg0: i32) -> (i32, i32) {
    %c0_i32 = arith.constant 0 : i32
    %c0_i32_0 = arith.constant 0 : i32
    %c0_i32_1 = arith.constant 0 : i32
    return %c0_i32, %c0_i32_0 : i32, i32
  }
  func.func @transform_2(%arg0: i32) -> (i32, i32) {
    %c0_i32 = arith.constant 0 : i32
    %c0_i32_0 = arith.constant 0 : i32
    return %arg0, %c0_i32 : i32, i32
  }
  func.func @transform_3(%arg0: i32) -> (i32, i32) {
    %c0_i32 = arith.constant 0 : i32
    %c0_i32_0 = arith.constant 0 : i32
    return %arg0, %c0_i32 : i32, i32
  }
}

module attributes {stable_mosaic.version = 14 : i64} {
  func.func @_tc0_body(%arg0: i32, %arg1: memref<32x1024xf32, #tpu.memory_space<vmem>>, %arg2: memref<1024x8xf32, #tpu.memory_space<vmem>>) attributes {dimension_semantics = [#tpu.dimension_semantics<arbitrary>], iteration_bounds = array<i64: 10>, scalar_prefetch = 0 : i64, scratch_operands = 0 : i64, tpu.core_type = #tpu.core_type<tc>, window_params = [{transform_indices = @transform_0, window_bounds = array<i64: 32, 1024>}, {transform_indices = @transform_1, window_bounds = array<i64: 1024, 8>}]} {
    %broadcast_in_dim3A = arith.constant 1.000000e+00 : f32
    %broadcast_in_dim3A_0 = vector.broadcast %broadcast_in_dim3A : f32 to vector<32x1xf32>
    %get3A = arith.constant 0 : index
    %get3A_1 = arith.constant 0 : index
    %get3A_2 = vector.load %arg1[%get3A, %get3A_1] : memref<32x1024xf32, #tpu.memory_space<vmem>>, vector<32x1024xf32>
    %dot_general3A = arith.constant dense<0.000000e+00> : vector<1024x1xf32>
    %dot_general3A_3 = tpu.matmul %get3A_2, %broadcast_in_dim3A_0, %dot_general3A {dimension_numbers = #tpu.dot_dimension_numbers<[0], [0], [1], [1], [0, 1, 1, 1], [], []>, transpose_lhs_hint = false} : vector<32x1024xf32>, vector<32x1xf32>, vector<1024x1xf32> -> vector<1024x1xf32>
    %add3A = arith.constant 1.000000e+00 : f32
    %add3A_4 = vector.broadcast %add3A : f32 to vector<1024x1xf32>
    %add3A_5 = arith.addf %dot_general3A_3, %add3A_4 : vector<1024x1xf32>
    %rsqrt3A = math.rsqrt %add3A_5 : vector<1024x1xf32>
    %broadcast_in_dim3A_6 = vector.shape_cast %rsqrt3A : vector<1024x1xf32> to vector<1024x1xf32>
    %broadcast_in_dim3A_7 = vector.broadcast %broadcast_in_dim3A_6 : vector<1024x1xf32> to vector<1024x8xf32>
    %swap3A = arith.constant 0 : index
    %swap3A_8 = arith.constant 0 : index
    %swap3A_9 = vector.load %arg2[%swap3A, %swap3A_8] : memref<1024x8xf32, #tpu.memory_space<vmem>>, vector<1024x8xf32>
    tpu.vector_store %arg2[%swap3A, %swap3A_8], %broadcast_in_dim3A_7 {strides = array<i32>} : memref<1024x8xf32, #tpu.memory_space<vmem>>, vector<1024x8xf32>,
    return
  }
  func.func @transform_0(%arg0: i32) -> (i32, i32) {
    %c0_i32 = arith.constant 0 : i32
    %c0_i32_0 = arith.constant 0 : i32
    return %c0_i32, %arg0 : i32, i32
  }
  func.func @transform_1(%arg0: i32) -> (i32, i32) {
    %c0_i32 = arith.constant 0 : i32
    %c0_i32_0 = arith.constant 0 : i32
    return %arg0, %c0_i32 : i32, i32
  }
}

module attributes {stable_mosaic.version = 14 : i64} {
  func.func @_tc2_body(%arg0: i32, %arg1: memref<2x1024x128xf32, #tpu.memory_space<vmem>>, %arg2: memref<1024x128xf32, #tpu.memory_space<vmem>>, %arg3: memref<1024x8xf32, #tpu.memory_space<vmem>>, %arg4: memref<128x128xf32, #tpu.memory_space<vmem>>, %arg5: memref<1x128xf32, #tpu.memory_space<vmem>>, %arg6: memref<1x1x1024xi32, #tpu.memory_space<vmem>>, %arg7: memref<1024x128xf32, #tpu.memory_space<vmem>>, %arg8: memref<64x128xf32, #tpu.memory_space<vmem>>, %arg9: memref<64x128xf32, #tpu.memory_space<vmem>>) attributes {dimension_semantics = [#tpu.dimension_semantics<arbitrary>], iteration_bounds = array<i64: 10>, scalar_prefetch = 0 : i64, scratch_operands = 1 : i64, tpu.core_type = #tpu.core_type<tc>, window_params = [{transform_indices = @transform_0, window_bounds = array<i64: 2, 1024, 128>}, {transform_indices = @transform_1, window_bounds = array<i64: 1024, 128>}, {transform_indices = @transform_2, window_bounds = array<i64: 1024, 8>}, {pipeline_mode = #tpu.pipeline_mode<synchronous>, transform_indices = @transform_3, window_bounds = array<i64: 128, 128>}, {pipeline_mode = #tpu.pipeline_mode<synchronous>, transform_indices = @transform_4, window_bounds = array<i64: 1, 128>}, {transform_indices = @transform_5, window_bounds = array<i64: 1, 1, 1024>}, {transform_indices = @transform_6, window_bounds = array<i64: 1024, 128>}, {pipeline_mode = #tpu.pipeline_mode<synchronous>, transform_indices = @transform_7, window_bounds = array<i64: 64, 128>}]} {
    %get3A = arith.constant 0 : index
    %get3A_0 = arith.constant 0 : index
    %get3A_1 = vector.load %arg3[%get3A, %get3A_0] : memref<1024x8xf32, #tpu.memory_space<vmem>>, vector<1024x1xf32>
    %get3A_2 = arith.constant 0 : index
    %get3A_3 = arith.constant 0 : index
    %get3A_4 = arith.constant 0 : index
    %get3A_5 = vector.load %arg1[%get3A_2, %get3A_3, %get3A_4] : memref<2x1024x128xf32, #tpu.memory_space<vmem>>, vector<1x1024x128xf32>
    %get3A_6 = vector.shape_cast %get3A_5 : vector<1x1024x128xf32> to vector<1024x128xf32>
    %get3A_7 = arith.constant 1 : index
    %get3A_8 = arith.constant 0 : index
    %get3A_9 = arith.constant 0 : index
    %get3A_10 = vector.load %arg1[%get3A_7, %get3A_8, %get3A_9] : memref<2x1024x128xf32, #tpu.memory_space<vmem>>, vector<1x1024x128xf32>
    %get3A_11 = vector.shape_cast %get3A_10 : vector<1x1024x128xf32> to vector<1024x128xf32>
    %add3A = arith.addf %get3A_6, %get3A_11 : vector<1024x128xf32>
    %get3A_12 = arith.constant 0 : index
    %get3A_13 = arith.constant 0 : index
    %get3A_14 = vector.load %arg2[%get3A_12, %get3A_13] : memref<1024x128xf32, #tpu.memory_space<vmem>>, vector<1024x128xf32>
    %sub3A = arith.subf %add3A, %get3A_14 : vector<1024x128xf32>
    %mul3A = vector.broadcast %get3A_1 : vector<1024x1xf32> to vector<1024x128xf32>
    %mul3A_15 = arith.mulf %sub3A, %mul3A : vector<1024x128xf32>
    %get3A_16 = arith.constant 0 : index
    %get3A_17 = arith.constant 0 : index
    %get3A_18 = vector.load %arg5[%get3A_16, %get3A_17] : memref<1x128xf32, #tpu.memory_space<vmem>>, vector<1x128xf32>
    %add3A_19 = vector.broadcast %get3A_18 : vector<1x128xf32> to vector<1024x128xf32>
    %add3A_20 = arith.addf %mul3A_15, %add3A_19 : vector<1024x128xf32>
    %max3A = arith.constant 0.000000e+00 : f32
    %max3A_21 = vector.broadcast %max3A : f32 to vector<1024x128xf32>
    %max3A_22 = arith.maximumf %add3A_20, %max3A_21 : vector<1024x128xf32>
    %get3A_23 = arith.constant 0 : index
    %get3A_24 = arith.constant 0 : index
    %get3A_25 = vector.load %arg4[%get3A_23, %get3A_24] : memref<128x128xf32, #tpu.memory_space<vmem>>, vector<128x128xf32>
    %dot_general3A = arith.constant dense<0.000000e+00> : vector<1024x128xf32>
    %dot_general3A_26 = tpu.matmul %max3A_22, %get3A_25, %dot_general3A {dimension_numbers = #tpu.dot_dimension_numbers<[1], [0], [0], [1], [0, 0, 1, 1], [], []>, transpose_lhs_hint = false} : vector<1024x128xf32>, vector<128x128xf32>, vector<1024x128xf32> -> vector<1024x128xf32>
    %mul3A_27 = vector.broadcast %get3A_1 : vector<1024x1xf32> to vector<1024x128xf32>
    %mul3A_28 = arith.mulf %dot_general3A_26, %mul3A_27 : vector<1024x128xf32>
    %swap3A = arith.constant 0 : index
    %swap3A_29 = arith.constant 0 : index
    %swap3A_30 = vector.load %arg7[%swap3A, %swap3A_29] : memref<1024x128xf32, #tpu.memory_space<vmem>>, vector<1024x128xf32>
    tpu.vector_store %arg7[%swap3A, %swap3A_29], %mul3A_28 {strides = array<i32>} : memref<1024x128xf32, #tpu.memory_space<vmem>>, vector<1024x128xf32>,
    %get3A_31 = arith.constant 0 : index
    %get3A_32 = arith.constant 0 : index
    %get3A_33 = arith.constant 0 : index
    %get3A_34 = vector.load %arg6[%get3A_31, %get3A_32, %get3A_33] : memref<1x1x1024xi32, #tpu.memory_space<vmem>>, vector<1x1x1024xi32>
    %get3A_35 = vector.shape_cast %get3A_34 : vector<1x1x1024xi32> to vector<1x1024xi32>
    %iota3A = tpu.iota {dimensions = array<i32: 0>} : vector<64x1024xi32>
    %eq3A = vector.broadcast %get3A_35 : vector<1x1024xi32> to vector<64x1024xi32>
    %eq3A_36 = arith.cmpi eq, %eq3A, %iota3A : vector<64x1024xi32>
    %convert_element_type3A = arith.extui %eq3A_36 : vector<64x1024xi1> to vector<64x1024xi32>
    %convert_element_type3A_37 = arith.sitofp %convert_element_type3A : vector<64x1024xi32> to vector<64x1024xf32>
    %dot_general3A_38 = arith.constant dense<0.000000e+00> : vector<64x128xf32>
    %dot_general3A_39 = tpu.matmul %convert_element_type3A_37, %max3A_22, %dot_general3A_38 {dimension_numbers = #tpu.dot_dimension_numbers<[1], [0], [0], [1], [0, 0, 1, 1], [], []>, transpose_lhs_hint = false} : vector<64x1024xf32>, vector<1024x128xf32>, vector<64x128xf32> -> vector<64x128xf32>
    %eq3A_40 = arith.constant 0 : i32
    %eq3A_41 = arith.cmpi eq, %arg0, %eq3A_40 : i32
    %convert_element_type3A_42 = arith.extui %eq3A_41 : i1 to i32
    %cond3A = arith.constant 0 : i32
    %cond3A_43 = arith.cmpi ne, %convert_element_type3A_42, %cond3A : i32
    scf.if %cond3A_43 {
      %broadcast_in_dim3A = arith.constant 0.000000e+00 : f32
      %broadcast_in_dim3A_56 = vector.broadcast %broadcast_in_dim3A : f32 to vector<64x128xf32>
      %swap3A_57 = arith.constant 0 : index
      %swap3A_58 = arith.constant 0 : index
      %swap3A_59 = vector.load %arg9[%swap3A_57, %swap3A_58] : memref<64x128xf32, #tpu.memory_space<vmem>>, vector<64x128xf32>
      tpu.vector_store %arg9[%swap3A_57, %swap3A_58], %broadcast_in_dim3A_56 {strides = array<i32>} : memref<64x128xf32, #tpu.memory_space<vmem>>, vector<64x128xf32>,
    } else {
    }
    %get3A_44 = arith.constant 0 : index
    %get3A_45 = arith.constant 0 : index
    %get3A_46 = vector.load %arg9[%get3A_44, %get3A_45] : memref<64x128xf32, #tpu.memory_space<vmem>>, vector<64x128xf32>
    %add3A_47 = arith.addf %get3A_46, %dot_general3A_39 : vector<64x128xf32>
    %swap3A_48 = arith.constant 0 : index
    %swap3A_49 = arith.constant 0 : index
    %swap3A_50 = vector.load %arg9[%swap3A_48, %swap3A_49] : memref<64x128xf32, #tpu.memory_space<vmem>>, vector<64x128xf32>
    tpu.vector_store %arg9[%swap3A_48, %swap3A_49], %add3A_47 {strides = array<i32>} : memref<64x128xf32, #tpu.memory_space<vmem>>, vector<64x128xf32>,
    %eq3A_51 = arith.constant 9 : i32
    %eq3A_52 = arith.cmpi eq, %arg0, %eq3A_51 : i32
    %convert_element_type3A_53 = arith.extui %eq3A_52 : i1 to i32
    %cond3A_54 = arith.constant 0 : i32
    %cond3A_55 = arith.cmpi ne, %convert_element_type3A_53, %cond3A_54 : i32
    scf.if %cond3A_55 {
      %get3A_56 = arith.constant 0 : index
      %get3A_57 = arith.constant 0 : index
      %get3A_58 = vector.load %arg9[%get3A_56, %get3A_57] : memref<64x128xf32, #tpu.memory_space<vmem>>, vector<64x128xf32>
      %swap3A_59 = arith.constant 0 : index
      %swap3A_60 = arith.constant 0 : index
      %swap3A_61 = vector.load %arg8[%swap3A_59, %swap3A_60] : memref<64x128xf32, #tpu.memory_space<vmem>>, vector<64x128xf32>
      tpu.vector_store %arg8[%swap3A_59, %swap3A_60], %get3A_58 {strides = array<i32>} : memref<64x128xf32, #tpu.memory_space<vmem>>, vector<64x128xf32>,
    } else {
    }
    return
  }
  func.func @transform_0(%arg0: i32) -> (i32, i32, i32) {
    %c0_i32 = arith.constant 0 : i32
    %c0_i32_0 = arith.constant 0 : i32
    %c0_i32_1 = arith.constant 0 : i32
    return %c0_i32, %arg0, %c0_i32_0 : i32, i32, i32
  }
  func.func @transform_1(%arg0: i32) -> (i32, i32) {
    %c0_i32 = arith.constant 0 : i32
    %c0_i32_0 = arith.constant 0 : i32
    return %arg0, %c0_i32 : i32, i32
  }
  func.func @transform_2(%arg0: i32) -> (i32, i32) {
    %c0_i32 = arith.constant 0 : i32
    %c0_i32_0 = arith.constant 0 : i32
    return %arg0, %c0_i32 : i32, i32
  }
  func.func @transform_3(%arg0: i32) -> (i32, i32) {
    %c0_i32 = arith.constant 0 : i32
    %c0_i32_0 = arith.constant 0 : i32
    %c0_i32_1 = arith.constant 0 : i32
    return %c0_i32, %c0_i32_0 : i32, i32
  }
  func.func @transform_4(%arg0: i32) -> (i32, i32) {
    %c0_i32 = arith.constant 0 : i32
    %c0_i32_0 = arith.constant 0 : i32
    %c0_i32_1 = arith.constant 0 : i32
    return %c0_i32, %c0_i32_0 : i32, i32
  }
  func.func @transform_5(%arg0: i32) -> (i32, i32, i32) {
    %c0_i32 = arith.constant 0 : i32
    %c0_i32_0 = arith.constant 0 : i32
    %c0_i32_1 = arith.constant 0 : i32
    return %arg0, %c0_i32, %c0_i32_0 : i32, i32, i32
  }
  func.func @transform_6(%arg0: i32) -> (i32, i32) {
    %c0_i32 = arith.constant 0 : i32
    %c0_i32_0 = arith.constant 0 : i32
    return %arg0, %c0_i32 : i32, i32
  }
  func.func @transform_7(%arg0: i32) -> (i32, i32) {
    %c0_i32 = arith.constant 0 : i32
    %c0_i32_0 = arith.constant 0 : i32
    %c0_i32_1 = arith.constant 0 : i32
    return %c0_i32, %c0_i32_0 : i32, i32
  }
}

module attributes {stable_mosaic.version = 14 : i64} {
  func.func @_tc3_body(%arg0: i32, %arg1: memref<2x1024x128xf32, #tpu.memory_space<vmem>>, %arg2: memref<1024x128xf32, #tpu.memory_space<vmem>>, %arg3: memref<1024x8xf32, #tpu.memory_space<vmem>>, %arg4: memref<1x128xf32, #tpu.memory_space<vmem>>, %arg5: memref<1x1x1024xi32, #tpu.memory_space<vmem>>, %arg6: memref<64x128xf32, #tpu.memory_space<vmem>>, %arg7: memref<256x256xf32, #tpu.memory_space<vmem>>, %arg8: memref<1x256xf32, #tpu.memory_space<vmem>>, %arg9: memref<256x10xf32, #tpu.memory_space<vmem>>, %arg10: memref<1x10xf32, #tpu.memory_space<vmem>>, %arg11: memref<64x10xf32, #tpu.memory_space<vmem>>, %arg12: memref<64x10xf32, #tpu.memory_space<vmem>>, %arg13: memref<64x128xf32, #tpu.memory_space<vmem>>) attributes {dimension_semantics = [#tpu.dimension_semantics<arbitrary>], iteration_bounds = array<i64: 10>, scalar_prefetch = 0 : i64, scratch_operands = 1 : i64, tpu.core_type = #tpu.core_type<tc>, window_params = [{transform_indices = @transform_0, window_bounds = array<i64: 2, 1024, 128>}, {transform_indices = @transform_1, window_bounds = array<i64: 1024, 128>}, {transform_indices = @transform_2, window_bounds = array<i64: 1024, 8>}, {pipeline_mode = #tpu.pipeline_mode<synchronous>, transform_indices = @transform_3, window_bounds = array<i64: 1, 128>}, {transform_indices = @transform_4, window_bounds = array<i64: 1, 1, 1024>}, {pipeline_mode = #tpu.pipeline_mode<synchronous>, transform_indices = @transform_5, window_bounds = array<i64: 64, 128>}, {pipeline_mode = #tpu.pipeline_mode<synchronous>, transform_indices = @transform_6, window_bounds = array<i64: 256, 256>}, {pipeline_mode = #tpu.pipeline_mode<synchronous>, transform_indices = @transform_7, window_bounds = array<i64: 1, 256>}, {pipeline_mode = #tpu.pipeline_mode<synchronous>, transform_indices = @transform_8, window_bounds = array<i64: 256, 10>}, {pipeline_mode = #tpu.pipeline_mode<synchronous>, transform_indices = @transform_9, window_bounds = array<i64: 1, 10>}, {pipeline_mode = #tpu.pipeline_mode<synchronous>, transform_indices = @transform_10, window_bounds = array<i64: 64, 10>}, {pipeline_mode = #tpu.pipeline_mode<synchronous>, transform_indices = @transform_11, window_bounds = array<i64: 64, 10>}]} {
    %get3A = arith.constant 0 : index
    %get3A_0 = arith.constant 0 : index
    %get3A_1 = vector.load %arg3[%get3A, %get3A_0] : memref<1024x8xf32, #tpu.memory_space<vmem>>, vector<1024x1xf32>
    %get3A_2 = arith.constant 0 : index
    %get3A_3 = arith.constant 0 : index
    %get3A_4 = arith.constant 0 : index
    %get3A_5 = vector.load %arg1[%get3A_2, %get3A_3, %get3A_4] : memref<2x1024x128xf32, #tpu.memory_space<vmem>>, vector<1x1024x128xf32>
    %get3A_6 = vector.shape_cast %get3A_5 : vector<1x1024x128xf32> to vector<1024x128xf32>
    %get3A_7 = arith.constant 1 : index
    %get3A_8 = arith.constant 0 : index
    %get3A_9 = arith.constant 0 : index
    %get3A_10 = vector.load %arg1[%get3A_7, %get3A_8, %get3A_9] : memref<2x1024x128xf32, #tpu.memory_space<vmem>>, vector<1x1024x128xf32>
    %get3A_11 = vector.shape_cast %get3A_10 : vector<1x1024x128xf32> to vector<1024x128xf32>
    %add3A = arith.addf %get3A_6, %get3A_11 : vector<1024x128xf32>
    %get3A_12 = arith.constant 0 : index
    %get3A_13 = arith.constant 0 : index
    %get3A_14 = vector.load %arg2[%get3A_12, %get3A_13] : memref<1024x128xf32, #tpu.memory_space<vmem>>, vector<1024x128xf32>
    %sub3A = arith.subf %add3A, %get3A_14 : vector<1024x128xf32>
    %mul3A = vector.broadcast %get3A_1 : vector<1024x1xf32> to vector<1024x128xf32>
    %mul3A_15 = arith.mulf %sub3A, %mul3A : vector<1024x128xf32>
    %get3A_16 = arith.constant 0 : index
    %get3A_17 = arith.constant 0 : index
    %get3A_18 = vector.load %arg4[%get3A_16, %get3A_17] : memref<1x128xf32, #tpu.memory_space<vmem>>, vector<1x128xf32>
    %add3A_19 = vector.broadcast %get3A_18 : vector<1x128xf32> to vector<1024x128xf32>
    %add3A_20 = arith.addf %mul3A_15, %add3A_19 : vector<1024x128xf32>
    %max3A = arith.constant 0.000000e+00 : f32
    %max3A_21 = vector.broadcast %max3A : f32 to vector<1024x128xf32>
    %max3A_22 = arith.maximumf %add3A_20, %max3A_21 : vector<1024x128xf32>
    %get3A_23 = arith.constant 0 : index
    %get3A_24 = arith.constant 0 : index
    %get3A_25 = arith.constant 0 : index
    %get3A_26 = vector.load %arg5[%get3A_23, %get3A_24, %get3A_25] : memref<1x1x1024xi32, #tpu.memory_space<vmem>>, vector<1x1x1024xi32>
    %get3A_27 = vector.shape_cast %get3A_26 : vector<1x1x1024xi32> to vector<1x1024xi32>
    %iota3A = tpu.iota {dimensions = array<i32: 0>} : vector<64x1024xi32>
    %eq3A = vector.broadcast %get3A_27 : vector<1x1024xi32> to vector<64x1024xi32>
    %eq3A_28 = arith.cmpi eq, %eq3A, %iota3A : vector<64x1024xi32>
    %convert_element_type3A = arith.extui %eq3A_28 : vector<64x1024xi1> to vector<64x1024xi32>
    %convert_element_type3A_29 = arith.sitofp %convert_element_type3A : vector<64x1024xi32> to vector<64x1024xf32>
    %dot_general3A = arith.constant dense<0.000000e+00> : vector<64x128xf32>
    %dot_general3A_30 = tpu.matmul %convert_element_type3A_29, %max3A_22, %dot_general3A {dimension_numbers = #tpu.dot_dimension_numbers<[1], [0], [0], [1], [0, 0, 1, 1], [], []>, transpose_lhs_hint = false} : vector<64x1024xf32>, vector<1024x128xf32>, vector<64x128xf32> -> vector<64x128xf32>
    %eq3A_31 = arith.constant 0 : i32
    %eq3A_32 = arith.cmpi eq, %arg0, %eq3A_31 : i32
    %convert_element_type3A_33 = arith.extui %eq3A_32 : i1 to i32
    %cond3A = arith.constant 0 : i32
    %cond3A_34 = arith.cmpi ne, %convert_element_type3A_33, %cond3A : i32
    scf.if %cond3A_34 {
      %broadcast_in_dim3A = arith.constant 0.000000e+00 : f32
      %broadcast_in_dim3A_46 = vector.broadcast %broadcast_in_dim3A : f32 to vector<64x128xf32>
      %swap3A_47 = arith.constant 0 : index
      %swap3A_48 = arith.constant 0 : index
      %swap3A_49 = vector.load %arg13[%swap3A_47, %swap3A_48] : memref<64x128xf32, #tpu.memory_space<vmem>>, vector<64x128xf32>
      tpu.vector_store %arg13[%swap3A_47, %swap3A_48], %broadcast_in_dim3A_46 {strides = array<i32>} : memref<64x128xf32, #tpu.memory_space<vmem>>, vector<64x128xf32>,
    } else {
    }
    %get3A_35 = arith.constant 0 : index
    %get3A_36 = arith.constant 0 : index
    %get3A_37 = vector.load %arg13[%get3A_35, %get3A_36] : memref<64x128xf32, #tpu.memory_space<vmem>>, vector<64x128xf32>
    %add3A_38 = arith.addf %get3A_37, %dot_general3A_30 : vector<64x128xf32>
    %swap3A = arith.constant 0 : index
    %swap3A_39 = arith.constant 0 : index
    %swap3A_40 = vector.load %arg13[%swap3A, %swap3A_39] : memref<64x128xf32, #tpu.memory_space<vmem>>, vector<64x128xf32>
    tpu.vector_store %arg13[%swap3A, %swap3A_39], %add3A_38 {strides = array<i32>} : memref<64x128xf32, #tpu.memory_space<vmem>>, vector<64x128xf32>,
    %eq3A_41 = arith.constant 9 : i32
    %eq3A_42 = arith.cmpi eq, %arg0, %eq3A_41 : i32
    %convert_element_type3A_43 = arith.extui %eq3A_42 : i1 to i32
    %cond3A_44 = arith.constant 0 : i32
    %cond3A_45 = arith.cmpi ne, %convert_element_type3A_43, %cond3A_44 : i32
    scf.if %cond3A_45 {
      %get3A_46 = arith.constant 0 : index
      %get3A_47 = arith.constant 0 : index
      %get3A_48 = vector.load %arg6[%get3A_46, %get3A_47] : memref<64x128xf32, #tpu.memory_space<vmem>>, vector<64x128xf32>
      %get3A_49 = arith.constant 0 : index
      %get3A_50 = arith.constant 0 : index
      %get3A_51 = vector.load %arg13[%get3A_49, %get3A_50] : memref<64x128xf32, #tpu.memory_space<vmem>>, vector<64x128xf32>
      %concatenate3A = tpu.concatenate %get3A_48, %get3A_51 in 1 : vector<64x128xf32>, vector<64x128xf32> -> vector<64x256xf32>
      %get3A_52 = arith.constant 0 : index
      %get3A_53 = arith.constant 0 : index
      %get3A_54 = vector.load %arg7[%get3A_52, %get3A_53] : memref<256x256xf32, #tpu.memory_space<vmem>>, vector<256x256xf32>
      %dot_general3A_55 = arith.constant dense<0.000000e+00> : vector<64x256xf32>
      %dot_general3A_56 = tpu.matmul %concatenate3A, %get3A_54, %dot_general3A_55 {dimension_numbers = #tpu.dot_dimension_numbers<[1], [0], [0], [1], [0, 0, 1, 1], [], []>, transpose_lhs_hint = false} : vector<64x256xf32>, vector<256x256xf32>, vector<64x256xf32> -> vector<64x256xf32>
      %get3A_57 = arith.constant 0 : index
      %get3A_58 = arith.constant 0 : index
      %get3A_59 = vector.load %arg8[%get3A_57, %get3A_58] : memref<1x256xf32, #tpu.memory_space<vmem>>, vector<1x256xf32>
      %add3A_60 = vector.broadcast %get3A_59 : vector<1x256xf32> to vector<64x256xf32>
      %add3A_61 = arith.addf %dot_general3A_56, %add3A_60 : vector<64x256xf32>
      %max3A_62 = arith.constant 0.000000e+00 : f32
      %max3A_63 = vector.broadcast %max3A_62 : f32 to vector<64x256xf32>
      %max3A_64 = arith.maximumf %add3A_61, %max3A_63 : vector<64x256xf32>
      %get3A_65 = arith.constant 0 : index
      %get3A_66 = arith.constant 0 : index
      %get3A_67 = vector.load %arg9[%get3A_65, %get3A_66] : memref<256x10xf32, #tpu.memory_space<vmem>>, vector<256x10xf32>
      %dot_general3A_68 = arith.constant dense<0.000000e+00> : vector<64x10xf32>
      %dot_general3A_69 = tpu.matmul %max3A_64, %get3A_67, %dot_general3A_68 {dimension_numbers = #tpu.dot_dimension_numbers<[1], [0], [0], [1], [0, 0, 1, 1], [], []>, transpose_lhs_hint = false} : vector<64x256xf32>, vector<256x10xf32>, vector<64x10xf32> -> vector<64x10xf32>
      %get3A_70 = arith.constant 0 : index
      %get3A_71 = arith.constant 0 : index
      %get3A_72 = vector.load %arg10[%get3A_70, %get3A_71] : memref<1x10xf32, #tpu.memory_space<vmem>>, vector<1x10xf32>
      %add3A_73 = vector.broadcast %get3A_72 : vector<1x10xf32> to vector<64x10xf32>
      %add3A_74 = arith.addf %dot_general3A_69, %add3A_73 : vector<64x10xf32>
      %reduce_max3A = arith.constant dense<0xFF800000> : vector<64xf32>
      %reduce_max3A_75 = vector.multi_reduction <maximumf>, %add3A_74, %reduce_max3A [1] : vector<64x10xf32> to vector<64xf32>
      %broadcast_in_dim3A = vector.shape_cast %reduce_max3A_75 : vector<64xf32> to vector<64x1xf32>
      %sub3A_76 = vector.broadcast %broadcast_in_dim3A : vector<64x1xf32> to vector<64x10xf32>
      %sub3A_77 = arith.subf %add3A_74, %sub3A_76 : vector<64x10xf32>
      %exp3A = math.exp %sub3A_77 : vector<64x10xf32>
      %reduce_sum3A = arith.constant dense<0.000000e+00> : vector<64xf32>
      %reduce_sum3A_78 = vector.multi_reduction <add>, %exp3A, %reduce_sum3A [1] : vector<64x10xf32> to vector<64xf32>
      %broadcast_in_dim3A_79 = vector.shape_cast %reduce_sum3A_78 : vector<64xf32> to vector<64x1xf32>
      %log3A = math.log %broadcast_in_dim3A_79 : vector<64x1xf32>
      %swap3A_80 = arith.constant 0 : index
      %swap3A_81 = arith.constant 0 : index
      %swap3A_82 = vector.load %arg11[%swap3A_80, %swap3A_81] : memref<64x10xf32, #tpu.memory_space<vmem>>, vector<64x10xf32>
      tpu.vector_store %arg11[%swap3A_80, %swap3A_81], %add3A_74 {strides = array<i32>} : memref<64x10xf32, #tpu.memory_space<vmem>>, vector<64x10xf32>,
      %sub3A_83 = vector.broadcast %broadcast_in_dim3A : vector<64x1xf32> to vector<64x10xf32>
      %sub3A_84 = arith.subf %add3A_74, %sub3A_83 : vector<64x10xf32>
      %sub3A_85 = vector.broadcast %log3A : vector<64x1xf32> to vector<64x10xf32>
      %sub3A_86 = arith.subf %sub3A_84, %sub3A_85 : vector<64x10xf32>
      %swap3A_87 = arith.constant 0 : index
      %swap3A_88 = arith.constant 0 : index
      %swap3A_89 = vector.load %arg12[%swap3A_87, %swap3A_88] : memref<64x10xf32, #tpu.memory_space<vmem>>, vector<64x10xf32>
      tpu.vector_store %arg12[%swap3A_87, %swap3A_88], %sub3A_86 {strides = array<i32>} : memref<64x10xf32, #tpu.memory_space<vmem>>, vector<64x10xf32>,
    } else {
    }
    return
  }
  func.func @transform_0(%arg0: i32) -> (i32, i32, i32) {
    %c0_i32 = arith.constant 0 : i32
    %c0_i32_0 = arith.constant 0 : i32
    %c0_i32_1 = arith.constant 0 : i32
    return %c0_i32, %arg0, %c0_i32_0 : i32, i32, i32
  }
  func.func @transform_1(%arg0: i32) -> (i32, i32) {
    %c0_i32 = arith.constant 0 : i32
    %c0_i32_0 = arith.constant 0 : i32
    return %arg0, %c0_i32 : i32, i32
  }
  func.func @transform_2(%arg0: i32) -> (i32, i32) {
    %c0_i32 = arith.constant 0 : i32
    %c0_i32_0 = arith.constant 0 : i32
    return %arg0, %c0_i32 : i32, i32
  }
  func.func @transform_3(%arg0: i32) -> (i32, i32) {
    %c0_i32 = arith.constant 0 : i32
    %c0_i32_0 = arith.constant 0 : i32
    %c0_i32_1 = arith.constant 0 : i32
    return %c0_i32, %c0_i32_0 : i32, i32
  }
  func.func @transform_4(%arg0: i32) -> (i32, i32, i32) {
    %c0_i32 = arith.constant 0 : i32
    %c0_i32_0 = arith.constant 0 : i32
    %c0_i32_1 = arith.constant 0 : i32
    return %arg0, %c0_i32, %c0_i32_0 : i32, i32, i32
  }
  func.func @transform_5(%arg0: i32) -> (i32, i32) {
    %c0_i32 = arith.constant 0 : i32
    %c0_i32_0 = arith.constant 0 : i32
    %c0_i32_1 = arith.constant 0 : i32
    return %c0_i32, %c0_i32_0 : i32, i32
  }
  func.func @transform_6(%arg0: i32) -> (i32, i32) {
    %c0_i32 = arith.constant 0 : i32
    %c0_i32_0 = arith.constant 0 : i32
    %c0_i32_1 = arith.constant 0 : i32
    return %c0_i32, %c0_i32_0 : i32, i32
  }
  func.func @transform_7(%arg0: i32) -> (i32, i32) {
    %c0_i32 = arith.constant 0 : i32
    %c0_i32_0 = arith.constant 0 : i32
    %c0_i32_1 = arith.constant 0 : i32
    return %c0_i32, %c0_i32_0 : i32, i32
  }
  func.func @transform_8(%arg0: i32) -> (i32, i32) {
    %c0_i32 = arith.constant 0 : i32
    %c0_i32_0 = arith.constant 0 : i32
    %c0_i32_1 = arith.constant 0 : i32
    return %c0_i32, %c0_i32_0 : i32, i32
  }
  func.func @transform_9(%arg0: i32) -> (i32, i32) {
    %c0_i32 = arith.constant 0 : i32
    %c0_i32_0 = arith.constant 0 : i32
    %c0_i32_1 = arith.constant 0 : i32
    return %c0_i32, %c0_i32_0 : i32, i32
  }
  func.func @transform_10(%arg0: i32) -> (i32, i32) {
    %c0_i32 = arith.constant 0 : i32
    %c0_i32_0 = arith.constant 0 : i32
    %c0_i32_1 = arith.constant 0 : i32
    return %c0_i32, %c0_i32_0 : i32, i32
  }
  func.func @transform_11(%arg0: i32) -> (i32, i32) {
    %c0_i32 = arith.constant 0 : i32
    %c0_i32_0 = arith.constant 0 : i32
    %c0_i32_1 = arith.constant 0 : i32
    return %c0_i32, %c0_i32_0 : i32, i32
  }
}

</mosaic_0001>

<sc_bundles>
// kernel: kernel.12.cloned.1.call-start
scs
__scs_entry_jumppad:
0x0: {  	(pc) =	sbr.rel $0x88, $3  }
0x1: {  	(tag) =	ssettag $0x0;
	lr =	simm.s32 $0x1  }
0x2: {  	[smem:$0x3F96] =	sst lr;
	_ =	strace $0xD0000000  }
0x3: {  	_ = 	snop  }
0x4: {  	_ = 	snop  }
0x5: {  	_ = 	snop  }
0x6: {  	_ = 	snop  }
0x7: {  	_ = 	snop  }
__scs_overlays_trampoline_lowered:
0x8: {  	[smem:$0x3FA5] =	sst s0  }
0x9: {  	[smem:$0x3FA6] =	sst s1  }
0xa: {  	[smem:$0x3FA7] =	sst s2  }
0xb: {  	[smem:$0x3FA8] =	sst s3  }
0xc: {  	[smem:$0x3FA9] =	sst s4  }
0xd: {  	[smem:$0x3FAA] =	sst s5  }
0xe: {  	[smem:$0x3FAB] =	sst s6  }
0xf: {  	[smem:$0x3FAC] =	sst s7  }
0x10: {  	[smem:$0x3FAD] =	sst s8  }
0x11: {  	[smem:$0x3FAE] =	sst s9;
	s0 =	simm.s32 @!p0 $0x0  }
0x12: {  	s1 =	sld [smem:$0x3F94];
	s0 =	simm.s32 @p0 $0x1  }
0x13: {  	[smem:$0x3FAF] =	sst s0;
	s0 =	simm.s32 @!p1 $0x0  }
0x14: {  	s2 =	sld [smem:$0x3F93];
	s0 =	simm.s32 @p1 $0x1  }
0x15: {  	[smem:$0x3FB0] =	sst s0;
	s0 =	simm.s32 @!p2 $0x0  }
0x16: {  	s3 =	sld [smem:$0x3FDB];
	s0 =	simm.s32 @p2 $0x1  }
0x17: {  	s4 =	simm.s32 $0x1BF5;
	[smem:$0x3FB2] =	sst s0  }
0x18: {  	s0 =	sld [smem:$0x3F95];
	_ =	swait.ge [sflag:s4], $0x0  }
0x19: {  	s7 =	sld [smem:$0x3F96]  }
0x1a: {  	s8 =	sadd.s32 $0xFFFFE003, lr  }
0x1b: {  	s9 =	sadd.s32 $0xFFFFFEF7, lr;
	s5 =	simm.s32 $0xFFFFFFFF;
	p2 =	slt.u32 s8, $0xFFFFF086  }
0x1c: {  	p1 =	slt.u32 s9, $0xF7A;
	s5 =	simm.s32 @!p2 $0x0  }
0x1d: {  	s5 =	simm.s32 @p1 $0x1;
	p0 =	seq.s32 s7, s2  }
0x1e: {  	s7 =	smul.u32 @!p0 $0xF7A, s2;
	p2 =	seq.s32 @!p0 s5, $0x0  }
0x1f: {  	s9 =	smul.u32 $0xF7A, s1;
	s8 =	simm.s32 @!p0 $0x1BF5;
	p2 =	por !p2, p0  }
0x20: {  	[sflag:s8] =	ssyncset.s32 @!p0 $0xFFFFF086;
	s6 =	sadd.s32 @!p0 s3, s7;
	s7 =	simm.s32 @!p0 $0x108  }
0x21: {  	s3 =	sadd.s32 s3, s9;
	s6 =	sadd.s32 @!p0 $0x88, s6;
	s7 =	simm.s32 @p2 $0x1082  }
0x22: {  	[simem:s7], [sflag:s8] =	dma.local @!p0 [hbm:s6], $0xF7A  }
0x23: {  	s9 =	sor.u32 $0xD0000000, s2;
	s6 =	simm.s32 $0x108;
	_ =	swait.ge @!p0 [sflag:s8], $0x0  }
0x24: {  	s3 =	sadd.s32 $0x88, s3;
	s6 =	simm.s32 @!p1 $0x1082;
	[sflag:s4] =	ssyncset.s32 $0xFFFFF086  }
0x25: {  	[simem:s6], [sflag:s4] =	dma.local [hbm:s3], $0xF7A  }
0x26: {  	[smem:$0x3F96] =	sst s1;
	(tag) =	ssettag s2;
	_ =	strace s9  }
0x27: {  	s1 =	sld [smem:$0x3FA6]  }
0x28: {  	s2 =	sld [smem:$0x3FA7]  }
0x29: {  	s4 =	sld [smem:$0x3FA9]  }
0x2a: {  	p0 =	seq.s32 s5, $0x0;
	s5 =	sld [smem:$0x3FAA]  }
0x2b: {  	s6 =	sld [smem:$0x3FAB]  }
0x2c: {  	s7 =	sld [smem:$0x3FAC]  }
0x2d: {  	s3 =	simm.s32 $0x108;
	s8 =	sld [smem:$0x3FAD]  }
0x2e: {  	s3 =	simm.s32 @!p0 $0x1082;
	s9 =	sld [smem:$0x3FAE]  }
0x2f: {  	lr =	sadd.s32 s0, s3;
	s0 =	sld [smem:$0x3FA5]  }
0x30: {  	s3 =	sld [smem:$0x3FA8]  }
0x31: {  	[smem:$0x3FB1] =	sst s10  }
0x32: {  	s10 =	sld [smem:$0x3FAF];
	_ =	sdelay $0x3  }
0x33: {  	p0 =	seq.s32 s10, $0x1;
	s10 =	sld [smem:$0x3FB1];
	_ =	sdelay $0x3  }
0x34: {  	[smem:$0x3FB1] =	sst s10  }
0x35: {  	s10 =	sld [smem:$0x3FB0];
	_ =	sdelay $0x3  }
0x36: {  	p1 =	seq.s32 s10, $0x1;
	s10 =	sld [smem:$0x3FB1];
	_ =	sdelay $0x3  }
0x37: {  	[smem:$0x3FB1] =	sst s10  }
0x38: {  	s10 =	sld [smem:$0x3FB2]  }
0x39: {  	_ = 	snop;
	(pc) =	sbr.ind lr, $3  }
0x3a: {  	_ = 	snop  }
0x3b: {  	_ = 	snop  }
0x3c: {  	p2 =	seq.s32 s10, $0x1;
	s10 =	sld [smem:$0x3FB1]  }
0x3d: {  	_ =	shalt  }
0x3e: {  	_ =	shalt  }
0x3f: {  	_ =	shalt  }
0x40: {  	_ =	shalt  }
0x41: {  	_ =	shalt  }
0x42: {  	_ =	shalt  }
0x43: {  	_ =	shalt  }
0x44: {  	_ =	shalt  }
0x45: {  	_ =	shalt  }
0x46: {  	_ =	shalt  }
0x47: {  	_ =	shalt  }
0x48: {  	_ =	shalt  }
0x49: {  	_ =	shalt  }
0x4a: {  	_ =	shalt  }
0x4b: {  	_ =	shalt  }
0x4c: {  	_ =	shalt  }
0x4d: {  	_ =	shalt  }
0x4e: {  	_ =	shalt  }
0x4f: {  	_ =	shalt  }
0x50: {  	_ =	shalt  }
0x51: {  	_ =	shalt  }
0x52: {  	_ =	shalt  }
0x53: {  	_ =	shalt  }
0x54: {  	_ =	shalt  }
0x55: {  	_ =	shalt  }
0x56: {  	_ =	shalt  }
0x57: {  	_ =	shalt  }
0x58: {  	_ =	shalt  }
0x59: {  	_ =	shalt  }
0x5a: {  	_ =	shalt  }
0x5b: {  	_ =	shalt  }
0x5c: {  	_ =	shalt  }
0x5d: {  	_ =	shalt  }
0x5e: {  	_ =	shalt  }
0x5f: {  	_ =	shalt  }
0x60: {  	_ =	shalt  }
0x61: {  	_ =	shalt  }
0x62: {  	_ =	shalt  }
0x63: {  	_ =	shalt  }
0x64: {  	_ =	shalt  }
0x65: {  	_ =	shalt  }
0x66: {  	_ =	shalt  }
0x67: {  	_ =	shalt  }
0x68: {  	_ =	shalt  }
0x69: {  	_ =	shalt  }
0x6a: {  	_ =	shalt  }
0x6b: {  	_ =	shalt  }
0x6c: {  	_ =	shalt  }
0x6d: {  	_ =	shalt  }
0x6e: {  	_ =	shalt  }
0x6f: {  	_ =	shalt  }
0x70: {  	_ =	shalt  }
0x71: {  	_ =	shalt  }
0x72: {  	_ =	shalt  }
0x73: {  	_ =	shalt  }
0x74: {  	_ =	shalt  }
0x75: {  	_ =	shalt  }
0x76: {  	_ =	shalt  }
0x77: {  	_ =	shalt  }
0x78: {  	_ =	shalt  }
0x79: {  	_ =	shalt  }
0x7a: {  	_ =	shalt  }
0x7b: {  	_ =	shalt  }
0x7c: {  	_ =	shalt  }
0x7d: {  	_ =	shalt  }
0x7e: {  	_ =	shalt  }
0x7f: {  	_ =	shalt  }
0x80: {  	_ =	shalt  }
0x81: {  	_ =	shalt  }
0x82: {  	_ =	shalt  }
0x83: {  	_ =	shalt  }
0x84: {  	_ =	shalt  }
0x85: {  	_ =	shalt  }
0x86: {  	_ =	shalt  }
0x87: {  	_ =	shalt  }
.Lfunc_end0:
.L_simem_size_0:
called_computation.1_lowered:
.L_overlay_start_0:
0x88: {  	s2 =	sld [smem:$0x3FD9]  }
0x89: {  	s3 =	sld [smem:$0x3FFE];
	_ =	sdelay $0x1  }
0x8a: {  	s1 =	srdreg.scid  }
0x8b: {  	s0 =	sand.u32 $0x1, s1  }
0x8c: {  	s16 =	sshll.u32 s0, $0xA;
	s2 =	sadd.s32 s3, s2  }
0x8d: {  	s2 =	sadd.s32 s2, s16  }
0x8e: {  	[smem:$0x3FBD] =	sst s2  }
0x8f: {  	_ = 	snop  }
0x90: {  	(tm) =	ssettm $0x1  }
0x91: {  	s17 =	sld [smem:$0x3FFB];
	_ =	sdelay $0x3  }
0x92: {  	_ =	strace s17  }
0x93: {  	s2 =	sld [smem:$0x3FFC];
	_ =	sdelay $0x3  }
0x94: {  	_ =	strace s2  }
0x95: {  	s2 =	sld [smem:$0x3FFD];
	_ =	sdelay $0x3  }
0x96: {  	_ =	strace s2  }
0x97: {  	_ =	strace $0x8FFFFFFF  }
0x98: {  	s18 =	sld [smem:$0x3FDB];
	_ =	sdelay $0x1  }
0x99: {  	s19 =	simm.s32 $_scs_section_size  }
0x9a: {  	s4 =	simm.s32 $_size__tile_overlayer_lowered;
	s5 =	simm.s32 $_tile_overlayer_lowered  }
0x9b: {  	s22 =	simm.s32 $0x1BFF;
	s21 =	sshll.u32 s5, $0x1;
	s2 =	sadd.s32 s19, s18  }
0x9c: {  	s6 =	simm.s32 $0x0;
	s20 =	sshll.u32 s4, $0x1;
	s4 =	sadd.s32 s21, s2  }
0x9d: {  	[timem:s6], [sflag:s22] =	dma.local [hbm:s4], s20  }
0x9e: {  	_ =	swait.ge [sflag:s22], s20  }
0x9f: {  	s3 =	ssub.s32 $0x0, s20;
	[sflag:s22] =	ssyncset.done $0x0  }
0xa0: {  	[sflag:s22] =	ssyncadd.s32 s3;
	_ =	sdelay $0x1  }
0xa1: {  	s23 =	simm.s32 $0x1B8B  }
0xa2: {  	_ =	swait.ge [sflag:s23], $0x1  }
0xa3: {  	[sflag:s23] =	ssyncset.done $0x0  }
0xa4: {  	s25 =	simm.s32 $0x1B8E;
	s24 =	sld [smem:$0x3FFE];
	[sflag:s23] =	ssyncadd.s32 $0xFFFFFFFF  }
0xa5: {  	s26 =	simm.s32 $execute0_lowered;
	[smem:$0x3FD2] =	sst s25  }
0xa6: {  	s4 =	sshll.u32 s26, $0x1;
	_ =	strace $0x80000049;
	[dreg:$0x1] =	wrdreg $0xFFFFFFFF  }
0xa7: {  	s28 =	simm.s32 $_size_execute0_lowered;
	s2 =	sadd.s32 s2, s4;
	[dreg:$0x0] =	wrdreg $0x0  }
0xa8: {  	s4 =	sshll.u32 s28, $0x1;
	[dreg:$0x2] =	wrdreg s2  }
0xa9: {  	[dreg:$0x3] =	wrdreg s4  }
0xaa: {  	[dreg:$0x4] =	wrdreg $0xC0  }
0xab: {  	_ =	task [dreg:s6], $0x5FFFF  }
0xac: {  	[dreg:$0x1] =	wrdreg $0xFFFFFFFF  }
0xad: {  	[dreg:$0x0] =	wrdreg $0x60  }
0xae: {  	[dreg:$0x2] =	wrdreg s24  }
0xaf: {  	[dreg:$0x3] =	wrdreg $0xA4000  }
0xb0: {  	[dreg:$0x4] =	wrdreg $0x9  }
0xb1: {  	_ =	task.clear_ibuf [dreg:s6], $0x5FFFF;
	_ =	strace $0x90000049  }
0xb2: {  	s29 =	simm.s32 $0x9;
	_ =	strace $0x8000004B  }
0xb3: {  	_ =	swait.ge [sflag:s29], $0x1  }
0xb4: {  	[sflag:s29] =	ssyncadd.s32 $0xFFFFFFFF  }
0xb5: {  	_ =	strace $0x9000004B  }
0xb6: {  	_ =	sfence  }
0xb7: {  	s30 =	sld [smem:$0x0];
	_ =	sdelay $0x2  }
0xb8: {  	s31 =	sshll.u32 s1, $0xD;
	s1 =	sshrl.u32 s1, $0x2  }
0xb9: {  	s3 =	sand.u32 $0x4000, s31;
	s1 =	sadd.s32 s1, s30  }
0xba: {  	s0 =	sor.u32 s3, s0;
	s1 =	sshll.u32 s1, $0x11  }
0xbb: {  	s0 =	sor.u32 s1, s0  }
0xbc: {  	s0 =	sadd.s32 $0x8F2B, s0  }
0xbd: {  	[sflag:s0] =	ssyncadd.remote.s32 $0x1  }
0xbe: {  	_ =	sfence.sel $0xFFFF  }
0xbf: {  	[dreg:$0x0] =	wrdreg $0xFFFFFFFF;
	(pc) =	sbr.abs _section_cstart, $3  }
0xc0: {  	[dreg:$0x1] =	wrdreg $0xFFFFFFFF  }
0xc1: {  	_ =	task.clear_ibuf [dreg:s6], $0x2FFFF;
	_ =	strace $0x9FFFFFFF  }
0xc2: {  	(tm) =	ssettm $0x7FFFFFFF  }
0xc3: {  	_ =	shalt  }
tec
execute0_lowered:
.L_overlay_start_1:
0x0: {  	(tag) =	ssettag $0x1  }
0x1: {  	s0 =	rddreg [dreg:$0x0];
	s1 =	srdreg.scid  }
0x2: {  	s11 =	stileid.u32;
	s2 =	rddreg [dreg:$0x1];
	s3 =	simm.s32 $0x0  }
0x3: {  	s28 =	simm.s32 $0x50;
	s1 =	sand.u32 $0x1, s1;
	s6 =	smul.u32 $0x14000, s11  }
0x4: {  	[smem:$0x7FF] =	sst s3;
	s4 =	sadd.s32 $0x17000, s0;
	s10 =	smul.u32 $0x50000, s11  }
0x5: {  	s17 =	sshll.u32 s11, $0x6;
	s5 =	smul.u32 $0x140000, s1;
	_ =	strace $0x8000004A  }
0x6: {  	s8 =	sshll.u32 s1, $0x4;
	s9 =	ssub.s32 $0x2, s1;
	s21 =	sor.u32 $0x1C0D, s17  }
0x7: {  	s8 =	sor.u32 s11, s8;
	s14 =	sshrl.u32 s9, $0x1;
	s15 =	sshrl.u32 s10, $0x2  }
0x8: {  	[dreg:$0xd] =	wrdreg s21;
	s7 =	sadd.s32 s6, s5;
	s5 =	sadd.s32 $0x3600, s0  }
0x9: {  	s8 =	smul.u32 $0x2710, s8;
	s6 =	sshrl.u32 s6, $0x3;
	s7 =	sshrl.u32 s7, $0x3  }
0xa: {  	s6 =	sadd.s32 s4, s6;
	s0 =	sadd.s32 s7, s0;
	s7 =	ssub.s32 s9, s14  }
0xb: {  	s9 =	sadd.s32 s15, s2;
	[dreg:$0xb] =	wrdreg s6;
	s16 =	sshrl.u32 s8, $0x3  }
0xc: {  	s19 =	smul.u32 $0x2710, s11;
	[dreg:$0xa] =	wrdreg s9;
	s18 =	sadd.s32 s5, s16  }
0xd: {  	s1 =	smul.u32 $0x27100, s1;
	s0 =	sadd.s32 $0x3F000, s0;
	[dreg:$0xc] =	wrdreg s18  }
0xe: {  	s30 =	simm.s32 $0x2;
	s12 =	smax.u32 s7, $0x1;
	[dreg:$0x17] =	wrdreg s0  }
0xf: {  	s1 =	sadd.s32 s19, s1;
	s6 =	sadd.s32 $0x9C40, s18;
	[dreg:$0x18] =	wrdreg s12  }
0x10: {  	s31 =	sadd.s32 $0x230, s1;
	s20 =	sadd.s32 $0xA, s18;
	[dreg:$0xe] =	wrdreg s6  }
0x11: {  	s13 =	sadd.s32 $0x4E430, s1;
	s22 =	sadd.s32 $0x9C4A, s18;
	[dreg:$0xf] =	wrdreg s20  }
0x12: {  	s11 =	sshrl.u32 s31, $0x3;
	s23 =	sadd.s32 $0x14, s18;
	[dreg:$0x10] =	wrdreg s22  }
0x13: {  	s14 =	sshrl.u32 s13, $0x3;
	s24 =	sadd.s32 $0x9C54, s18;
	[dreg:$0x11] =	wrdreg s23  }
0x14: {  	s15 =	sadd.s32 $0x1E0, s1;
	s25 =	sadd.s32 $0x1E, s18;
	[dreg:$0x12] =	wrdreg s24  }
0x15: {  	s8 =	simm.s32 $0xC;
	s26 =	sadd.s32 $0x9C5E, s18;
	[dreg:$0x13] =	wrdreg s25  }
0x16: {  	s16 =	sadd.s32 $0x4E3E0, s1;
	s29 =	sadd.s32 $0x4D8, s18;
	[dreg:$0x14] =	wrdreg s26  }
0x17: {  	s7 =	simm.s32 $0x3;
	s10 =	sadd.s32 $0xA118, s18;
	[dreg:$0x15] =	wrdreg s29  }
0x18: {  	s0 =	sadd.s32 s11, s5;
	s18 =	sshrl.u32 s16, $0x3;
	[dreg:$0x16] =	wrdreg s10  }
0x19: {  	s11 =	simm.s32 $0x6;
	[dreg:$0x3] =	wrdreg s0;
	s0 =	sadd.s32 s14, s5  }
0x1a: {  	s6 =	sshrl.u32 s15, $0x3;
	s19 =	sadd.s32 s18, s5;
	s20 =	sadd.s32 $0x190, s1  }
0x1b: {  	s23 =	sadd.s32 $0x4E390, s1;
	s24 =	sadd.s32 $0x4E340, s1;
	s29 =	sadd.s32 $0x140, s1  }
0x1c: {  	s14 =	simm.s32 $0x9;
	s15 =	simm.s32 $0x4;
	s18 =	simm.s32 $0xA  }
0x1d: {  	s1 =	simm.s32 $0x0;
	[dreg:$0x4] =	wrdreg s0;
	s17 =	sadd.s32 s6, s5  }
0x1e: {  	[dreg:$0x6] =	wrdreg s19;
	s22 =	sshrl.u32 s20, $0x3;
	s6 =	sshrl.u32 s23, $0x3  }
0x1f: {  	s26 =	sshrl.u32 s24, $0x3;
	[dreg:$0x19] =	wrdreg s29;
	s24 =	simm.s32 $0x80  }
0x20: {  	s19 =	simm.s32 $0x8;
	s20 =	simm.s32 $0xB;
	[dreg:$0x5] =	wrdreg s17  }
0x21: {  	s0 =	sadd.s32 s22, s5;
	s25 =	sadd.s32 s6, s5;
	s31 =	sadd.s32 s26, s5  }
0x22: {  	s22 =	simm.s32 $0xD;
	s26 =	simm.s32 $0x1;
	[dreg:$0x7] =	wrdreg s0  }
0x23: {  	s6 =	simm.s32 $0x100;
	s17 =	simm.s32 $0x7;
	[dreg:$0x8] =	wrdreg s25  }
0x24: {  	[dreg:$0x9] =	wrdreg s31;
	s25 =	simm.s32 $0x280;
	s0 =	simm.s32 $0x2C00  }
.LBB2_1:
0x25: {  	[dreg:$0x1a] =	wrdreg s1  }
0x26: {  	s9 =	rddreg [dreg:$0xa]  }
0x27: {  	s16 =	rddreg [dreg:$0xb];
	s13 =	sshrl.u32 s9, $0x3  }
0x28: {  	[dreg:$0x1b] =	wrdreg s13  }
0x29: {  	[spmem:s13], [sflag:s21] =	dma.local [hbm:s16], $0x2800  }
0x2a: {  	_ =	swait.ge [sflag:s22], $0x2800  }
0x2b: {  	[sflag:s22] =	ssyncset.done $0x0  }
0x2c: {  	[sflag:s22] =	ssyncadd.s32 $0xFFFFD800  }
0x2d: {  	[bflag:$0x0] =	sbarrier.arrive $0xFFFF  }
0x2e: {  	s22 =	rddreg [dreg:$0xc]  }
0x2f: {  	[tilespmem:s3], [sflag:$0x1] =	stream.linear.gather [hbm4b:s22+s3], $0x50, $0x38;
	[tilespmem:$0x1E400] =	vst v63  }
0x30: {  	s23 =	rddreg [dreg:$0xe];
	s22 =	simm.s32 $0x200  }
0x31: {  	[tilespmem:s22], [sflag:$0x1] =	stream.linear.gather [hbm4b:s23+s3], $0x50, $0x38;
	[tilespmem:$0x1E400] =	vst v63  }
0x32: {  	s1 =	rddreg [dreg:$0xf]  }
0x33: {  	[tilespmem:s24], [sflag:$0x2] =	stream.linear.gather [hbm4b:s1+s3], $0x50, $0x38;
	[tilespmem:$0x1E400] =	vst v63  }
0x34: {  	s10 =	rddreg [dreg:$0x10]  }
0x35: {  	[tilespmem:s25], [sflag:$0x2] =	stream.linear.gather [hbm4b:s10+s3], $0x50, $0x38;
	[tilespmem:$0x1E400] =	vst v63  }
0x36: {  	_ =	swait.ge [sflag:s26], $0x50  }
0x37: {  	[sflag:s26] =	ssyncset.done $0x0  }
0x38: {  	[sflag:s26] =	ssyncadd.s32 $0xFFFFFFB0  }
0x39: {  	_ =	swait.ge [sflag:s26], $0x50  }
0x3a: {  	[sflag:s26] =	ssyncset.done $0x0  }
0x3b: {  	s29 =	simm.s32 $0x400;
	[sflag:s26] =	ssyncadd.s32 $0xFFFFFFB0  }
0x3c: {  	[tilespmem:s29], [sflag:$0x5] =	stream.indirect.gather [hbm4b:s4+s28], $0x80, s3, s28, $0xb8;
	[tilespmem:$0x1E400] =	vst v63  }
0x3d: {  	_ =	swait.ge [sflag:s30], $0x50  }
0x3e: {  	[sflag:s30] =	ssyncset.done $0x0  }
0x3f: {  	[sflag:s30] =	ssyncadd.s32 $0xFFFFFFB0  }
0x40: {  	_ =	swait.ge [sflag:s30], $0x50  }
0x41: {  	[sflag:s30] =	ssyncset.done $0x0  }
0x42: {  	s16 =	simm.s32 $0x5;
	[sflag:s30] =	ssyncadd.s32 $0xFFFFFFB0  }
0x43: {  	[tilespmem:s0], [sflag:$0x6] =	stream.indirect.gather [hbm4b:s4+s28], $0x80, s24, s28, $0xb8;
	[tilespmem:$0x1E400] =	vst v63  }
0x44: {  	_ =	swait.ge [sflag:s16], $0x2800  }
0x45: {  	[sflag:s16] =	ssyncset.done $0x0  }
0x46: {  	[sflag:s16] =	ssyncadd.s32 $0xFFFFD800  }
0x47: {  	[spmem:s2] =	stream.indirect.scatter.add.f32 [tilespmem:s29], [sflag:$0x9], $0x80, s22, s28, $0xb8;
	[tilespmem:$0x1E400] =	vst v63  }
0x48: {  	s12 =	rddreg [dreg:$0x11]  }
0x49: {  	[tilespmem:s6], [sflag:$0x3] =	stream.linear.gather [hbm4b:s12+s3], $0x50, $0x38;
	[tilespmem:$0x1E400] =	vst v63  }
0x4a: {  	s10 =	simm.s32 $0x300;
	s13 =	rddreg [dreg:$0x12]  }
0x4b: {  	[tilespmem:s10], [sflag:$0x3] =	stream.linear.gather [hbm4b:s13+s3], $0x50, $0x38;
	[tilespmem:$0x1E400] =	vst v63  }
0x4c: {  	_ =	swait.ge [sflag:s7], $0x50  }
0x4d: {  	[sflag:s7] =	ssyncset.done $0x0  }
0x4e: {  	[sflag:s7] =	ssyncadd.s32 $0xFFFFFFB0  }
0x4f: {  	_ =	swait.ge [sflag:s7], $0x50  }
0x50: {  	[sflag:s7] =	ssyncset.done $0x0  }
0x51: {  	s12 =	simm.s32 $0x5400;
	[sflag:s7] =	ssyncadd.s32 $0xFFFFFFB0  }
0x52: {  	[tilespmem:s12], [sflag:$0x7] =	stream.indirect.gather [hbm4b:s4+s28], $0x80, s6, s28, $0xb8;
	[tilespmem:$0x1E400] =	vst v63  }
0x53: {  	_ =	swait.ge [sflag:s11], $0x2800  }
0x54: {  	[sflag:s11] =	ssyncset.done $0x0  }
0x55: {  	[sflag:s11] =	ssyncadd.s32 $0xFFFFD800  }
0x56: {  	[spmem:s2] =	stream.indirect.scatter.add.f32 [tilespmem:s0], [sflag:$0xA], $0x80, s25, s28, $0xb8;
	[tilespmem:$0x1E400] =	vst v63  }
0x57: {  	s13 =	simm.s32 $0x180;
	s21 =	rddreg [dreg:$0x13]  }
0x58: {  	[tilespmem:s13], [sflag:$0x4] =	stream.linear.gather [hbm4b:s21+s3], $0x50, $0x38;
	[tilespmem:$0x1E400] =	vst v63  }
0x59: {  	s1 =	simm.s32 $0x380;
	s23 =	rddreg [dreg:$0x14]  }
0x5a: {  	[tilespmem:s1], [sflag:$0x4] =	stream.linear.gather [hbm4b:s23+s3], $0x50, $0x38;
	[tilespmem:$0x1E400] =	vst v63  }
0x5b: {  	_ =	swait.ge [sflag:s14], $0x2800  }
0x5c: {  	[sflag:s14] =	ssyncset.done $0x0  }
0x5d: {  	[sflag:s14] =	ssyncadd.s32 $0xFFFFD800  }
0x5e: {  	_ =	swait.ge [sflag:s15], $0x50  }
0x5f: {  	[sflag:s15] =	ssyncset.done $0x0  }
0x60: {  	[sflag:s15] =	ssyncadd.s32 $0xFFFFFFB0  }
0x61: {  	_ =	swait.ge [sflag:s15], $0x50  }
0x62: {  	[sflag:s15] =	ssyncset.done $0x0  }
0x63: {  	s31 =	simm.s32 $0x7C00;
	[sflag:s15] =	ssyncadd.s32 $0xFFFFFFB0  }
0x64: {  	[tilespmem:s31], [sflag:$0x8] =	stream.indirect.gather [hbm4b:s4+s28], $0x80, s13, s28, $0xb8;
	[tilespmem:$0x1E400] =	vst v63  }
0x65: {  	_ =	swait.ge [sflag:s17], $0x2800  }
0x66: {  	[sflag:s17] =	ssyncset.done $0x0;
	s23 =	rddreg [dreg:$0x19]  }
0x67: {  	[sflag:s17] =	ssyncadd.s32 $0xFFFFD800;
	s9 =	sshrl.u32 s23, $0x3  }
0x68: {  	[spmem:s2] =	stream.indirect.scatter.add.f32 [tilespmem:s12], [sflag:$0xB], $0x80, s10, s28, $0xb8;
	[tilespmem:$0x1E400] =	vst v63  }
0x69: {  	s21 =	rddreg [dreg:$0x9];
	s9 =	sadd.s32 s5, s9  }
0x6a: {  	[tilespmem:s3], [sflag:$0x1] =	stream.linear.gather [hbm4b:s9+s3], $0x50, $0x38;
	[tilespmem:$0x1E400] =	vst v63  }
0x6b: {  	s21 =	sadd.s32 $0x0, s21  }
0x6c: {  	[tilespmem:s22], [sflag:$0x1] =	stream.linear.gather [hbm4b:s21+s3], $0x50, $0x38;
	[tilespmem:$0x1E400] =	vst v63  }
0x6d: {  	_ =	swait.ge [sflag:s18], $0x2800  }
0x6e: {  	[sflag:s18] =	ssyncset.done $0x0  }
0x6f: {  	[sflag:s18] =	ssyncadd.s32 $0xFFFFD800  }
0x70: {  	_ =	swait.ge [sflag:s26], $0x50  }
0x71: {  	[sflag:s26] =	ssyncset.done $0x0  }
0x72: {  	[sflag:s26] =	ssyncadd.s32 $0xFFFFFFB0  }
0x73: {  	_ =	swait.ge [sflag:s26], $0x50  }
0x74: {  	[sflag:s26] =	ssyncset.done $0x0  }
0x75: {  	[sflag:s26] =	ssyncadd.s32 $0xFFFFFFB0  }
0x76: {  	[tilespmem:s29], [sflag:$0x5] =	stream.indirect.gather [hbm4b:s4+s28], $0x80, s3, s28, $0xb8;
	[tilespmem:$0x1E400] =	vst v63  }
0x77: {  	_ =	swait.ge [sflag:s19], $0x2800  }
0x78: {  	[sflag:s19] =	ssyncset.done $0x0  }
0x79: {  	s9 =	rddreg [dreg:$0x7];
	[sflag:s19] =	ssyncadd.s32 $0xFFFFD800  }
0x7a: {  	[spmem:s2] =	stream.indirect.scatter.add.f32 [tilespmem:s31], [sflag:$0xC], $0x80, s1, s28, $0xb8;
	[tilespmem:$0x1E400] =	vst v63  }
0x7b: {  	s21 =	rddreg [dreg:$0x8];
	s9 =	sadd.s32 $0x0, s9  }
0x7c: {  	[tilespmem:s24], [sflag:$0x2] =	stream.linear.gather [hbm4b:s9+s3], $0x50, $0x38;
	[tilespmem:$0x1E400] =	vst v63  }
0x7d: {  	s21 =	sadd.s32 $0x0, s21  }
0x7e: {  	[tilespmem:s25], [sflag:$0x2] =	stream.linear.gather [hbm4b:s21+s3], $0x50, $0x38;
	[tilespmem:$0x1E400] =	vst v63  }
0x7f: {  	_ =	swait.ge [sflag:s20], $0x2800  }
0x80: {  	[sflag:s20] =	ssyncset.done $0x0  }
0x81: {  	[sflag:s20] =	ssyncadd.s32 $0xFFFFD800  }
0x82: {  	_ =	swait.ge [sflag:s30], $0x50  }
0x83: {  	[sflag:s30] =	ssyncset.done $0x0  }
0x84: {  	[sflag:s30] =	ssyncadd.s32 $0xFFFFFFB0  }
0x85: {  	_ =	swait.ge [sflag:s30], $0x50  }
0x86: {  	[sflag:s30] =	ssyncset.done $0x0  }
0x87: {  	[sflag:s30] =	ssyncadd.s32 $0xFFFFFFB0  }
0x88: {  	[tilespmem:s0], [sflag:$0x6] =	stream.indirect.gather [hbm4b:s4+s28], $0x80, s24, s28, $0xb8;
	[tilespmem:$0x1E400] =	vst v63  }
0x89: {  	_ =	swait.ge [sflag:s16], $0x2800  }
0x8a: {  	[sflag:s16] =	ssyncset.done $0x0  }
0x8b: {  	s1 =	rddreg [dreg:$0x5];
	[sflag:s16] =	ssyncadd.s32 $0xFFFFD800  }
0x8c: {  	[spmem:s2] =	stream.indirect.scatter.add.f32 [tilespmem:s29], [sflag:$0x9], $0x80, s22, s28, $0xb8;
	[tilespmem:$0x1E400] =	vst v63  }
0x8d: {  	s16 =	rddreg [dreg:$0x6];
	s9 =	sadd.s32 $0x0, s1  }
0x8e: {  	[tilespmem:s6], [sflag:$0x3] =	stream.linear.gather [hbm4b:s9+s3], $0x50, $0x38;
	[tilespmem:$0x1E400] =	vst v63  }
0x8f: {  	s22 =	sadd.s32 $0x0, s16  }
0x90: {  	[tilespmem:s10], [sflag:$0x3] =	stream.linear.gather [hbm4b:s22+s3], $0x50, $0x38;
	[tilespmem:$0x1E400] =	vst v63  }
0x91: {  	_ =	swait.ge [sflag:s8], $0x2800  }
0x92: {  	[sflag:s8] =	ssyncset.done $0x0  }
0x93: {  	[sflag:s8] =	ssyncadd.s32 $0xFFFFD800  }
0x94: {  	_ =	swait.ge [sflag:s7], $0x50  }
0x95: {  	[sflag:s7] =	ssyncset.done $0x0  }
0x96: {  	[sflag:s7] =	ssyncadd.s32 $0xFFFFFFB0  }
0x97: {  	_ =	swait.ge [sflag:s7], $0x50  }
0x98: {  	[sflag:s7] =	ssyncset.done $0x0  }
0x99: {  	[sflag:s7] =	ssyncadd.s32 $0xFFFFFFB0  }
0x9a: {  	[tilespmem:s12], [sflag:$0x7] =	stream.indirect.gather [hbm4b:s4+s28], $0x80, s6, s28, $0xb8;
	[tilespmem:$0x1E400] =	vst v63  }
0x9b: {  	s31 =	simm.s32 $0x280;
	_ =	swait.ge [sflag:s11], $0x2800  }
0x9c: {  	s21 =	sadd.s32 $0x140, s23;
	s29 =	simm.s32 $0x80;
	[sflag:s11] =	ssyncset.done $0x0  }
0x9d: {  	s22 =	simm.s32 $0x28;
	s24 =	rddreg [dreg:$0x3];
	[sflag:s11] =	ssyncadd.s32 $0xFFFFD800  }
0x9e: {  	[spmem:s2] =	stream.indirect.scatter.add.f32 [tilespmem:s0], [sflag:$0xA], $0x80, s25, s28, $0xb8;
	[tilespmem:$0x1E400] =	vst v63  }
0x9f: {  	s10 =	simm.s32 $0x100;
	s9 =	sadd.s32 $0x0, s24;
	s25 =	rddreg [dreg:$0x4]  }
0xa0: {  	[tilespmem:s13], [sflag:$0x4] =	stream.linear.gather [hbm4b:s9+s3], $0x50, $0x38;
	[tilespmem:$0x1E400] =	vst v63  }
0xa1: {  	s6 =	simm.s32 $0x2C00;
	s24 =	smov.u32 s5;
	s9 =	sadd.s32 $0x0, s25  }
.LBB2_2:
0xa2: {  	s1 =	simm.s32 $0x380  }
0xa3: {  	[tilespmem:s1], [sflag:$0x4] =	stream.linear.gather [hbm4b:s9+s3], $0x50, $0x38;
	[tilespmem:$0x1E400] =	vst v63  }
0xa4: {  	_ =	swait.ge [sflag:s14], $0x2800  }
0xa5: {  	[sflag:s14] =	ssyncset.done $0x0  }
0xa6: {  	[sflag:s14] =	ssyncadd.s32 $0xFFFFD800  }
0xa7: {  	_ =	swait.ge [sflag:s15], $0x50  }
0xa8: {  	[sflag:s15] =	ssyncset.done $0x0  }
0xa9: {  	[sflag:s15] =	ssyncadd.s32 $0xFFFFFFB0  }
0xaa: {  	_ =	swait.ge [sflag:s15], $0x50  }
0xab: {  	[sflag:s15] =	ssyncset.done $0x0  }
0xac: {  	s16 =	simm.s32 $0x180;
	s11 =	simm.s32 $0x7C00;
	[sflag:s15] =	ssyncadd.s32 $0xFFFFFFB0  }
0xad: {  	[tilespmem:s11], [sflag:$0x8] =	stream.indirect.gather [hbm4b:s4+s28], $0x80, s16, s28, $0xb8;
	[tilespmem:$0x1E400] =	vst v63  }
0xae: {  	_ =	swait.ge [sflag:s17], $0x2800  }
0xaf: {  	s5 =	sshrl.u32 s21, $0x3;
	[sflag:s17] =	ssyncset.done $0x0  }
0xb0: {  	s12 =	simm.s32 $0x300;
	s13 =	simm.s32 $0x5400;
	[sflag:s17] =	ssyncadd.s32 $0xFFFFD800  }
0xb1: {  	[spmem:s2] =	stream.indirect.scatter.add.f32 [tilespmem:s13], [sflag:$0xB], $0x80, s12, s28, $0xb8;
	[tilespmem:$0x1E400] =	vst v63  }
0xb2: {  	s9 =	smov.u32 s22;
	s5 =	sadd.s32 s24, s5;
	s23 =	rddreg [dreg:$0x9]  }
0xb3: {  	[tilespmem:s3], [sflag:$0x1] =	stream.linear.gather [hbm4b:s5+s3], $0x50, $0x38;
	[tilespmem:$0x1E400] =	vst v63  }
0xb4: {  	s25 =	simm.s32 $0x200;
	s0 =	sadd.s32 s9, s23  }
0xb5: {  	[tilespmem:s25], [sflag:$0x1] =	stream.linear.gather [hbm4b:s0+s3], $0x50, $0x38;
	[tilespmem:$0x1E400] =	vst v63  }
0xb6: {  	_ =	swait.ge [sflag:s18], $0x2800  }
0xb7: {  	[sflag:s18] =	ssyncset.done $0x0  }
0xb8: {  	[sflag:s18] =	ssyncadd.s32 $0xFFFFD800  }
0xb9: {  	_ =	swait.ge [sflag:s26], $0x50  }
0xba: {  	[sflag:s26] =	ssyncset.done $0x0  }
0xbb: {  	[sflag:s26] =	ssyncadd.s32 $0xFFFFFFB0  }
0xbc: {  	_ =	swait.ge [sflag:s26], $0x50  }
0xbd: {  	[sflag:s26] =	ssyncset.done $0x0  }
0xbe: {  	s0 =	simm.s32 $0x400;
	[sflag:s26] =	ssyncadd.s32 $0xFFFFFFB0  }
0xbf: {  	[tilespmem:s0], [sflag:$0x5] =	stream.indirect.gather [hbm4b:s4+s28], $0x80, s3, s28, $0xb8;
	[tilespmem:$0x1E400] =	vst v63  }
0xc0: {  	_ =	swait.ge [sflag:s19], $0x2800  }
0xc1: {  	[sflag:s19] =	ssyncset.done $0x0  }
0xc2: {  	s5 =	rddreg [dreg:$0x7];
	[sflag:s19] =	ssyncadd.s32 $0xFFFFD800  }
0xc3: {  	[spmem:s2] =	stream.indirect.scatter.add.f32 [tilespmem:s11], [sflag:$0xC], $0x80, s1, s28, $0xb8;
	[tilespmem:$0x1E400] =	vst v63  }
0xc4: {  	s23 =	rddreg [dreg:$0x8];
	s5 =	sadd.s32 s9, s5  }
0xc5: {  	[tilespmem:s29], [sflag:$0x2] =	stream.linear.gather [hbm4b:s5+s3], $0x50, $0x38;
	[tilespmem:$0x1E400] =	vst v63  }
0xc6: {  	s1 =	sadd.s32 s9, s23  }
0xc7: {  	[tilespmem:s31], [sflag:$0x2] =	stream.linear.gather [hbm4b:s1+s3], $0x50, $0x38;
	[tilespmem:$0x1E400] =	vst v63  }
0xc8: {  	_ =	swait.ge [sflag:s20], $0x2800  }
0xc9: {  	[sflag:s20] =	ssyncset.done $0x0  }
0xca: {  	[sflag:s20] =	ssyncadd.s32 $0xFFFFD800  }
0xcb: {  	_ =	swait.ge [sflag:s30], $0x50  }
0xcc: {  	[sflag:s30] =	ssyncset.done $0x0  }
0xcd: {  	[sflag:s30] =	ssyncadd.s32 $0xFFFFFFB0  }
0xce: {  	_ =	swait.ge [sflag:s30], $0x50  }
0xcf: {  	[sflag:s30] =	ssyncset.done $0x0  }
0xd0: {  	s5 =	simm.s32 $0x5;
	[sflag:s30] =	ssyncadd.s32 $0xFFFFFFB0  }
0xd1: {  	[tilespmem:s6], [sflag:$0x6] =	stream.indirect.gather [hbm4b:s4+s28], $0x80, s29, s28, $0xb8;
	[tilespmem:$0x1E400] =	vst v63  }
0xd2: {  	_ =	swait.ge [sflag:s5], $0x2800  }
0xd3: {  	[sflag:s5] =	ssyncset.done $0x0  }
0xd4: {  	s23 =	rddreg [dreg:$0x5];
	[sflag:s5] =	ssyncadd.s32 $0xFFFFD800  }
0xd5: {  	[spmem:s2] =	stream.indirect.scatter.add.f32 [tilespmem:s0], [sflag:$0x9], $0x80, s25, s28, $0xb8;
	[tilespmem:$0x1E400] =	vst v63  }
0xd6: {  	s1 =	rddreg [dreg:$0x6];
	s5 =	sadd.s32 s9, s23  }
0xd7: {  	[tilespmem:s10], [sflag:$0x3] =	stream.linear.gather [hbm4b:s5+s3], $0x50, $0x38;
	[tilespmem:$0x1E400] =	vst v63  }
0xd8: {  	s1 =	sadd.s32 s9, s1  }
0xd9: {  	[tilespmem:s12], [sflag:$0x3] =	stream.linear.gather [hbm4b:s1+s3], $0x50, $0x38;
	[tilespmem:$0x1E400] =	vst v63  }
0xda: {  	_ =	swait.ge [sflag:s8], $0x2800  }
0xdb: {  	[sflag:s8] =	ssyncset.done $0x0  }
0xdc: {  	[sflag:s8] =	ssyncadd.s32 $0xFFFFD800  }
0xdd: {  	_ =	swait.ge [sflag:s7], $0x50  }
0xde: {  	[sflag:s7] =	ssyncset.done $0x0  }
0xdf: {  	[sflag:s7] =	ssyncadd.s32 $0xFFFFFFB0  }
0xe0: {  	_ =	swait.ge [sflag:s7], $0x50  }
0xe1: {  	p0 =	sne.s32 s22, $0x488;
	[sflag:s7] =	ssyncset.done $0x0  }
0xe2: {  	s21 =	sadd.s32 $0x140, s21;
	s11 =	simm.s32 $0x6;
	[sflag:s7] =	ssyncadd.s32 $0xFFFFFFB0  }
0xe3: {  	[tilespmem:s13], [sflag:$0x7] =	stream.indirect.gather [hbm4b:s4+s28], $0x80, s10, s28, $0xb8;
	[tilespmem:$0x1E400] =	vst v63  }
0xe4: {  	s22 =	sadd.s32 $0x28, s22;
	s0 =	simm.s32 $0x300;
	_ =	swait.ge [sflag:s11], $0x2800  }
.Ltmp0:
0xe5: {  	[sflag:s11] =	ssyncset.done $0x0;
	s23 =	rddreg [dreg:$0x3];
	(pc) =	sbr.rel @p0 .LBB2_2-.Ltmp0, $4  }
0xe6: {  	s12 =	simm.s32 $0x5400;
	s25 =	rddreg [dreg:$0x4];
	[sflag:s11] =	ssyncadd.s32 $0xFFFFD800  }
0xe7: {  	[spmem:s2] =	stream.indirect.scatter.add.f32 [tilespmem:s6], [sflag:$0xA], $0x80, s31, s28, $0xb8;
	[tilespmem:$0x1E400] =	vst v63  }
0xe8: {  	s13 =	simm.s32 $0x180;
	s5 =	sadd.s32 s9, s23;
	s9 =	sadd.s32 s9, s25  }
0xe9: {  	[tilespmem:s16], [sflag:$0x4] =	stream.linear.gather [hbm4b:s5+s3], $0x50, $0x38;
	[tilespmem:$0x1E400] =	vst v63  }
0xea: {  	s1 =	simm.s32 $0x380  }
0xeb: {  	[tilespmem:s1], [sflag:$0x4] =	stream.linear.gather [hbm4b:s9+s3], $0x50, $0x38;
	[tilespmem:$0x1E400] =	vst v63  }
0xec: {  	_ =	swait.ge [sflag:s14], $0x2800  }
0xed: {  	[sflag:s14] =	ssyncset.done $0x0  }
0xee: {  	[sflag:s14] =	ssyncadd.s32 $0xFFFFD800  }
0xef: {  	_ =	swait.ge [sflag:s15], $0x50  }
0xf0: {  	[sflag:s15] =	ssyncset.done $0x0  }
0xf1: {  	[sflag:s15] =	ssyncadd.s32 $0xFFFFFFB0  }
0xf2: {  	_ =	swait.ge [sflag:s15], $0x50  }
0xf3: {  	[sflag:s15] =	ssyncset.done $0x0  }
0xf4: {  	s6 =	simm.s32 $0x7C00;
	[sflag:s15] =	ssyncadd.s32 $0xFFFFFFB0  }
0xf5: {  	[tilespmem:s6], [sflag:$0x8] =	stream.indirect.gather [hbm4b:s4+s28], $0x80, s13, s28, $0xb8;
	[tilespmem:$0x1E400] =	vst v63  }
0xf6: {  	_ =	swait.ge [sflag:s17], $0x2800  }
0xf7: {  	[sflag:s17] =	ssyncset.done $0x0  }
0xf8: {  	[sflag:s17] =	ssyncadd.s32 $0xFFFFD800  }
0xf9: {  	[spmem:s2] =	stream.indirect.scatter.add.f32 [tilespmem:s12], [sflag:$0xB], $0x80, s0, s28, $0xb8;
	[tilespmem:$0x1E400] =	vst v63  }
0xfa: {  	s5 =	rddreg [dreg:$0x15]  }
0xfb: {  	[tilespmem:s3], [sflag:$0x1] =	stream.linear.gather [hbm4b:s5+s3], $0x50, $0x38;
	[tilespmem:$0x1E400] =	vst v63  }
0xfc: {  	s16 =	simm.s32 $0x200;
	s13 =	rddreg [dreg:$0x16]  }
0xfd: {  	[tilespmem:s16], [sflag:$0x1] =	stream.linear.gather [hbm4b:s13+s3], $0x50, $0x38;
	[tilespmem:$0x1E400] =	vst v63  }
0xfe: {  	_ =	swait.ge [sflag:s18], $0x2800  }
0xff: {  	[sflag:s18] =	ssyncset.done $0x0  }
0x100: {  	[sflag:s18] =	ssyncadd.s32 $0xFFFFD800  }
0x101: {  	_ =	swait.ge [sflag:s26], $0x50  }
0x102: {  	[sflag:s26] =	ssyncset.done $0x0  }
0x103: {  	[sflag:s26] =	ssyncadd.s32 $0xFFFFFFB0  }
0x104: {  	_ =	swait.ge [sflag:s26], $0x50  }
0x105: {  	[sflag:s26] =	ssyncset.done $0x0  }
0x106: {  	s21 =	simm.s32 $0x400;
	[sflag:s26] =	ssyncadd.s32 $0xFFFFFFB0  }
0x107: {  	[tilespmem:s21], [sflag:$0x5] =	stream.indirect.gather [hbm4b:s4+s28], $0x80, s3, s28, $0xb8;
	[tilespmem:$0x1E400] =	vst v63  }
0x108: {  	_ =	swait.ge [sflag:s19], $0x2800  }
0x109: {  	[sflag:s19] =	ssyncset.done $0x0  }
0x10a: {  	[sflag:s19] =	ssyncadd.s32 $0xFFFFD800  }
0x10b: {  	[spmem:s2] =	stream.indirect.scatter.add.f32 [tilespmem:s6], [sflag:$0xC], $0x80, s1, s28, $0xb8;
	[tilespmem:$0x1E400] =	vst v63  }
0x10c: {  	_ =	swait.ge [sflag:s20], $0x2800  }
0x10d: {  	[sflag:s20] =	ssyncset.done $0x0  }
0x10e: {  	s22 =	simm.s32 $0x5;
	[sflag:s20] =	ssyncadd.s32 $0xFFFFD800  }
0x10f: {  	_ =	swait.ge [sflag:s22], $0x2800  }
0x110: {  	[sflag:s22] =	ssyncset.done $0x0  }
0x111: {  	[sflag:s22] =	ssyncadd.s32 $0xFFFFD800  }
0x112: {  	[spmem:s2] =	stream.indirect.scatter.add.f32 [tilespmem:s21], [sflag:$0x9], $0x80, s16, s28, $0xb8;
	[tilespmem:$0x1E400] =	vst v63  }
0x113: {  	_ =	swait.ge [sflag:s8], $0x2800  }
0x114: {  	[sflag:s8] =	ssyncset.done $0x0  }
0x115: {  	[sflag:s8] =	ssyncadd.s32 $0xFFFFD800  }
0x116: {  	_ =	swait.ge [sflag:s14], $0x2800  }
0x117: {  	[sflag:s14] =	ssyncset.done $0x0  }
0x118: {  	[sflag:s14] =	ssyncadd.s32 $0xFFFFD800  }
0x119: {  	[bflag:$0x0] =	sbarrier.arrive $0xFFFF  }
0x11a: {  	s21 =	rddreg [dreg:$0xd]  }
0x11b: {  	s23 =	rddreg [dreg:$0x17]  }
0x11c: {  	s22 =	simm.s32 $0xD;
	s25 =	rddreg [dreg:$0x1b]  }
0x11d: {  	[hbm:s23], [sflag:s21] =	dma.local [spmem:s25], $0x2800  }
0x11e: {  	_ =	swait.ge [sflag:s22], $0x2800  }
0x11f: {  	s29 =	rddreg [dreg:$0x1a]  }
0x120: {  	s31 =	rddreg [dreg:$0x18];
	s1 =	sadd.s32 $0x1, s29  }
0x121: {  	p0 =	sne.s32 s1, s31  }
.Ltmp1:
0x122: {  	_ = 	snop;
	(pc) =	sbr.rel @p0 .LBB2_1-.Ltmp1, $4  }
0x123: {  	_ = 	snop  }
0x124: {  	s0 =	simm.s32 $0x2C00  }
0x125: {  	s5 =	smov.u32 s24;
	s24 =	simm.s32 $0x80;
	[sflag:s22] =	ssyncset.done $0x0  }
0x126: {  	s6 =	simm.s32 $0x100;
	s25 =	simm.s32 $0x280;
	[sflag:s22] =	ssyncadd.s32 $0xFFFFD800  }
0x127: {  	_ =	sfence.sel $0x180000  }
0x128: {  	[bflag:$0x0] =	sbarrier.arrive $0xFFFF  }
0x129: {  	_ =	strace $0x9000004A  }
0x12a: {  	s0 =	stileid.u32;
	[bflag:$0x2] =	sbarrier.arrive $0xFFFF  }
0x12b: {  	p0 =	sne.s32 s0, $0x0;
	s0 =	rddreg [dreg:$0x2]  }
0x12c: {  	s0 =	sadd.s32 @!p0 $0x100000, s0  }
0x12d: {  	[sflag:s0] =	ssyncadd.tile.s32 @!p0 $0x1;
	_ =	shalt  }
.Lfunc_end2:
_tile_overlayer_lowered:
.L_overlay_start_2:
0x12e: {  	(tag) =	ssettag $0x2  }
0x12f: {  	s0 =	rddreg [dreg:$0x0];
	s2 =	stileid.u32  }
0x130: {  	s1 =	rddreg [dreg:$0x1];
	p0 =	sne.s32 s2, $0x0  }
0x131: {  	s3 =	rddreg [dreg:$0x2];
	[bflag:$0x3] =	sbarrier.arrive $0xFFFF;
	s2 =	simm.s32 @!p0 $0x1C0D  }
0x132: {  	[timem:s3], [sflag:s2] =	dma.local @!p0 [hbm:s0], s1  }
0x133: {  	s0 =	simm.s32 @!p0 $0xD  }
0x134: {  	_ =	swait.ge @!p0 [sflag:s0], s1  }
0x135: {  	s1 =	ssub.s32 @!p0 $0x0, s1;
	[sflag:s0] =	ssyncset.done @!p0 $0x0  }
0x136: {  	[sflag:s0] =	ssyncadd.s32 @!p0 s1  }
0x137: {  	[bflag:$0x3] =	sbarrier.arrive $0xFFFF  }
0x138: {  	_ =	shalt  }

// kernel: kernel.15.cloned.1.call-start
scs
__scs_entry_jumppad:
0x0: {  	(pc) =	sbr.rel $0x88, $3  }
0x1: {  	(tag) =	ssettag $0x0;
	lr =	simm.s32 $0x1  }
0x2: {  	[smem:$0x3F96] =	sst lr;
	_ =	strace $0xD0000000  }
0x3: {  	_ = 	snop  }
0x4: {  	_ = 	snop  }
0x5: {  	_ = 	snop  }
0x6: {  	_ = 	snop  }
0x7: {  	_ = 	snop  }
__scs_overlays_trampoline_lowered:
0x8: {  	[smem:$0x3FA5] =	sst s0  }
0x9: {  	[smem:$0x3FA6] =	sst s1  }
0xa: {  	[smem:$0x3FA7] =	sst s2  }
0xb: {  	[smem:$0x3FA8] =	sst s3  }
0xc: {  	[smem:$0x3FA9] =	sst s4  }
0xd: {  	[smem:$0x3FAA] =	sst s5  }
0xe: {  	[smem:$0x3FAB] =	sst s6  }
0xf: {  	[smem:$0x3FAC] =	sst s7  }
0x10: {  	[smem:$0x3FAD] =	sst s8  }
0x11: {  	[smem:$0x3FAE] =	sst s9;
	s0 =	simm.s32 @!p0 $0x0  }
0x12: {  	s1 =	sld [smem:$0x3F94];
	s0 =	simm.s32 @p0 $0x1  }
0x13: {  	[smem:$0x3FAF] =	sst s0;
	s0 =	simm.s32 @!p1 $0x0  }
0x14: {  	s2 =	sld [smem:$0x3F93];
	s0 =	simm.s32 @p1 $0x1  }
0x15: {  	[smem:$0x3FB0] =	sst s0;
	s0 =	simm.s32 @!p2 $0x0  }
0x16: {  	s3 =	sld [smem:$0x3FDB];
	s0 =	simm.s32 @p2 $0x1  }
0x17: {  	s4 =	simm.s32 $0x1BF5;
	[smem:$0x3FB2] =	sst s0  }
0x18: {  	s0 =	sld [smem:$0x3F95];
	_ =	swait.ge [sflag:s4], $0x0  }
0x19: {  	s7 =	sld [smem:$0x3F96]  }
0x1a: {  	s8 =	sadd.s32 $0xFFFFE003, lr  }
0x1b: {  	s9 =	sadd.s32 $0xFFFFFEF7, lr;
	s5 =	simm.s32 $0xFFFFFFFF;
	p2 =	slt.u32 s8, $0xFFFFF086  }
0x1c: {  	p1 =	slt.u32 s9, $0xF7A;
	s5 =	simm.s32 @!p2 $0x0  }
0x1d: {  	s5 =	simm.s32 @p1 $0x1;
	p0 =	seq.s32 s7, s2  }
0x1e: {  	s7 =	smul.u32 @!p0 $0xF7A, s2;
	p2 =	seq.s32 @!p0 s5, $0x0  }
0x1f: {  	s9 =	smul.u32 $0xF7A, s1;
	s8 =	simm.s32 @!p0 $0x1BF5;
	p2 =	por !p2, p0  }
0x20: {  	[sflag:s8] =	ssyncset.s32 @!p0 $0xFFFFF086;
	s6 =	sadd.s32 @!p0 s3, s7;
	s7 =	simm.s32 @!p0 $0x108  }
0x21: {  	s3 =	sadd.s32 s3, s9;
	s6 =	sadd.s32 @!p0 $0x88, s6;
	s7 =	simm.s32 @p2 $0x1082  }
0x22: {  	[simem:s7], [sflag:s8] =	dma.local @!p0 [hbm:s6], $0xF7A  }
0x23: {  	s9 =	sor.u32 $0xD0000000, s2;
	s6 =	simm.s32 $0x108;
	_ =	swait.ge @!p0 [sflag:s8], $0x0  }
0x24: {  	s3 =	sadd.s32 $0x88, s3;
	s6 =	simm.s32 @!p1 $0x1082;
	[sflag:s4] =	ssyncset.s32 $0xFFFFF086  }
0x25: {  	[simem:s6], [sflag:s4] =	dma.local [hbm:s3], $0xF7A  }
0x26: {  	[smem:$0x3F96] =	sst s1;
	(tag) =	ssettag s2;
	_ =	strace s9  }
0x27: {  	s1 =	sld [smem:$0x3FA6]  }
0x28: {  	s2 =	sld [smem:$0x3FA7]  }
0x29: {  	s4 =	sld [smem:$0x3FA9]  }
0x2a: {  	p0 =	seq.s32 s5, $0x0;
	s5 =	sld [smem:$0x3FAA]  }
0x2b: {  	s6 =	sld [smem:$0x3FAB]  }
0x2c: {  	s7 =	sld [smem:$0x3FAC]  }
0x2d: {  	s3 =	simm.s32 $0x108;
	s8 =	sld [smem:$0x3FAD]  }
0x2e: {  	s3 =	simm.s32 @!p0 $0x1082;
	s9 =	sld [smem:$0x3FAE]  }
0x2f: {  	lr =	sadd.s32 s0, s3;
	s0 =	sld [smem:$0x3FA5]  }
0x30: {  	s3 =	sld [smem:$0x3FA8]  }
0x31: {  	[smem:$0x3FB1] =	sst s10  }
0x32: {  	s10 =	sld [smem:$0x3FAF];
	_ =	sdelay $0x3  }
0x33: {  	p0 =	seq.s32 s10, $0x1;
	s10 =	sld [smem:$0x3FB1];
	_ =	sdelay $0x3  }
0x34: {  	[smem:$0x3FB1] =	sst s10  }
0x35: {  	s10 =	sld [smem:$0x3FB0];
	_ =	sdelay $0x3  }
0x36: {  	p1 =	seq.s32 s10, $0x1;
	s10 =	sld [smem:$0x3FB1];
	_ =	sdelay $0x3  }
0x37: {  	[smem:$0x3FB1] =	sst s10  }
0x38: {  	s10 =	sld [smem:$0x3FB2]  }
0x39: {  	_ = 	snop;
	(pc) =	sbr.ind lr, $3  }
0x3a: {  	_ = 	snop  }
0x3b: {  	_ = 	snop  }
0x3c: {  	p2 =	seq.s32 s10, $0x1;
	s10 =	sld [smem:$0x3FB1]  }
0x3d: {  	_ =	shalt  }
0x3e: {  	_ =	shalt  }
0x3f: {  	_ =	shalt  }
0x40: {  	_ =	shalt  }
0x41: {  	_ =	shalt  }
0x42: {  	_ =	shalt  }
0x43: {  	_ =	shalt  }
0x44: {  	_ =	shalt  }
0x45: {  	_ =	shalt  }
0x46: {  	_ =	shalt  }
0x47: {  	_ =	shalt  }
0x48: {  	_ =	shalt  }
0x49: {  	_ =	shalt  }
0x4a: {  	_ =	shalt  }
0x4b: {  	_ =	shalt  }
0x4c: {  	_ =	shalt  }
0x4d: {  	_ =	shalt  }
0x4e: {  	_ =	shalt  }
0x4f: {  	_ =	shalt  }
0x50: {  	_ =	shalt  }
0x51: {  	_ =	shalt  }
0x52: {  	_ =	shalt  }
0x53: {  	_ =	shalt  }
0x54: {  	_ =	shalt  }
0x55: {  	_ =	shalt  }
0x56: {  	_ =	shalt  }
0x57: {  	_ =	shalt  }
0x58: {  	_ =	shalt  }
0x59: {  	_ =	shalt  }
0x5a: {  	_ =	shalt  }
0x5b: {  	_ =	shalt  }
0x5c: {  	_ =	shalt  }
0x5d: {  	_ =	shalt  }
0x5e: {  	_ =	shalt  }
0x5f: {  	_ =	shalt  }
0x60: {  	_ =	shalt  }
0x61: {  	_ =	shalt  }
0x62: {  	_ =	shalt  }
0x63: {  	_ =	shalt  }
0x64: {  	_ =	shalt  }
0x65: {  	_ =	shalt  }
0x66: {  	_ =	shalt  }
0x67: {  	_ =	shalt  }
0x68: {  	_ =	shalt  }
0x69: {  	_ =	shalt  }
0x6a: {  	_ =	shalt  }
0x6b: {  	_ =	shalt  }
0x6c: {  	_ =	shalt  }
0x6d: {  	_ =	shalt  }
0x6e: {  	_ =	shalt  }
0x6f: {  	_ =	shalt  }
0x70: {  	_ =	shalt  }
0x71: {  	_ =	shalt  }
0x72: {  	_ =	shalt  }
0x73: {  	_ =	shalt  }
0x74: {  	_ =	shalt  }
0x75: {  	_ =	shalt  }
0x76: {  	_ =	shalt  }
0x77: {  	_ =	shalt  }
0x78: {  	_ =	shalt  }
0x79: {  	_ =	shalt  }
0x7a: {  	_ =	shalt  }
0x7b: {  	_ =	shalt  }
0x7c: {  	_ =	shalt  }
0x7d: {  	_ =	shalt  }
0x7e: {  	_ =	shalt  }
0x7f: {  	_ =	shalt  }
0x80: {  	_ =	shalt  }
0x81: {  	_ =	shalt  }
0x82: {  	_ =	shalt  }
0x83: {  	_ =	shalt  }
0x84: {  	_ =	shalt  }
0x85: {  	_ =	shalt  }
0x86: {  	_ =	shalt  }
0x87: {  	_ =	shalt  }
.Lfunc_end0:
.L_simem_size_0:
called_computation.2_lowered:
.L_overlay_start_0:
0x88: {  	s2 =	sld [smem:$0x3FD9]  }
0x89: {  	s3 =	sld [smem:$0x3FFE];
	_ =	sdelay $0x1  }
0x8a: {  	s1 =	srdreg.scid  }
0x8b: {  	s0 =	sand.u32 $0x1, s1  }
0x8c: {  	s16 =	sshll.u32 s0, $0xA;
	s2 =	sadd.s32 s3, s2  }
0x8d: {  	s2 =	sadd.s32 s2, s16  }
0x8e: {  	[smem:$0x3FBD] =	sst s2  }
0x8f: {  	_ = 	snop  }
0x90: {  	(tm) =	ssettm $0x1  }
0x91: {  	s17 =	sld [smem:$0x3FFB];
	_ =	sdelay $0x3  }
0x92: {  	_ =	strace s17  }
0x93: {  	s2 =	sld [smem:$0x3FFC];
	_ =	sdelay $0x3  }
0x94: {  	_ =	strace s2  }
0x95: {  	s2 =	sld [smem:$0x3FFD];
	_ =	sdelay $0x3  }
0x96: {  	_ =	strace s2  }
0x97: {  	_ =	strace $0x8FFFFFFF  }
0x98: {  	s18 =	sld [smem:$0x3FDB];
	_ =	sdelay $0x1  }
0x99: {  	s19 =	simm.s32 $_scs_section_size  }
0x9a: {  	s4 =	simm.s32 $_size__tile_overlayer_lowered;
	s5 =	simm.s32 $_tile_overlayer_lowered  }
0x9b: {  	s22 =	simm.s32 $0x1BFF;
	s21 =	sshll.u32 s5, $0x1;
	s2 =	sadd.s32 s19, s18  }
0x9c: {  	s6 =	simm.s32 $0x0;
	s20 =	sshll.u32 s4, $0x1;
	s4 =	sadd.s32 s21, s2  }
0x9d: {  	[timem:s6], [sflag:s22] =	dma.local [hbm:s4], s20  }
0x9e: {  	_ =	swait.ge [sflag:s22], s20  }
0x9f: {  	s3 =	ssub.s32 $0x0, s20;
	[sflag:s22] =	ssyncset.done $0x0  }
0xa0: {  	[sflag:s22] =	ssyncadd.s32 s3;
	_ =	sdelay $0x1  }
0xa1: {  	s23 =	simm.s32 $0x1B8B  }
0xa2: {  	_ =	swait.ge [sflag:s23], $0x1  }
0xa3: {  	[sflag:s23] =	ssyncset.done $0x0  }
0xa4: {  	s25 =	simm.s32 $0x1B8E;
	s24 =	sld [smem:$0x3FFE];
	[sflag:s23] =	ssyncadd.s32 $0xFFFFFFFF  }
0xa5: {  	s26 =	simm.s32 $execute0_lowered;
	[smem:$0x3FD2] =	sst s25  }
0xa6: {  	s4 =	sshll.u32 s26, $0x1;
	_ =	strace $0x8000004C;
	[dreg:$0x1] =	wrdreg $0xFFFFFFFF  }
0xa7: {  	s28 =	simm.s32 $_size_execute0_lowered;
	s2 =	sadd.s32 s2, s4;
	[dreg:$0x0] =	wrdreg $0x0  }
0xa8: {  	s4 =	sshll.u32 s28, $0x1;
	[dreg:$0x2] =	wrdreg s2  }
0xa9: {  	[dreg:$0x3] =	wrdreg s4  }
0xaa: {  	[dreg:$0x4] =	wrdreg $0xC0  }
0xab: {  	_ =	task [dreg:s6], $0x5FFFF  }
0xac: {  	[dreg:$0x1] =	wrdreg $0xFFFFFFFF  }
0xad: {  	[dreg:$0x0] =	wrdreg $0x60  }
0xae: {  	[dreg:$0x2] =	wrdreg s24  }
0xaf: {  	[dreg:$0x3] =	wrdreg $0xA4000  }
0xb0: {  	[dreg:$0x4] =	wrdreg $0x9  }
0xb1: {  	_ =	task.clear_ibuf [dreg:s6], $0x5FFFF;
	_ =	strace $0x9000004C  }
0xb2: {  	s29 =	simm.s32 $0x9;
	_ =	strace $0x8000004E  }
0xb3: {  	_ =	swait.ge [sflag:s29], $0x1  }
0xb4: {  	[sflag:s29] =	ssyncadd.s32 $0xFFFFFFFF  }
0xb5: {  	_ =	strace $0x9000004E  }
0xb6: {  	_ =	sfence  }
0xb7: {  	s30 =	sld [smem:$0x0];
	_ =	sdelay $0x2  }
0xb8: {  	s31 =	sshll.u32 s1, $0xD;
	s1 =	sshrl.u32 s1, $0x2  }
0xb9: {  	s3 =	sand.u32 $0x4000, s31;
	s1 =	sadd.s32 s1, s30  }
0xba: {  	s0 =	sor.u32 s3, s0;
	s1 =	sshll.u32 s1, $0x11  }
0xbb: {  	s0 =	sor.u32 s1, s0  }
0xbc: {  	s0 =	sadd.s32 $0x8F2B, s0  }
0xbd: {  	[sflag:s0] =	ssyncadd.remote.s32 $0x1  }
0xbe: {  	_ =	sfence.sel $0xFFFF  }
0xbf: {  	[dreg:$0x0] =	wrdreg $0xFFFFFFFF;
	(pc) =	sbr.abs _section_cstart, $3  }
0xc0: {  	[dreg:$0x1] =	wrdreg $0xFFFFFFFF  }
0xc1: {  	_ =	task.clear_ibuf [dreg:s6], $0x2FFFF;
	_ =	strace $0x9FFFFFFF  }
0xc2: {  	(tm) =	ssettm $0x7FFFFFFF  }
0xc3: {  	_ =	shalt  }
tec
execute0_lowered:
.L_overlay_start_1:
0x0: {  	(tag) =	ssettag $0x1  }
0x1: {  	s0 =	rddreg [dreg:$0x0];
	s1 =	srdreg.scid  }
0x2: {  	s11 =	stileid.u32;
	s2 =	rddreg [dreg:$0x1];
	s3 =	simm.s32 $0x0  }
0x3: {  	s28 =	simm.s32 $0x50;
	s1 =	sand.u32 $0x1, s1;
	s6 =	smul.u32 $0x14000, s11  }
0x4: {  	[smem:$0x7FF] =	sst s3;
	s4 =	sadd.s32 $0x17000, s0;
	s10 =	smul.u32 $0x50000, s11  }
0x5: {  	s17 =	sshll.u32 s11, $0x6;
	s5 =	smul.u32 $0x140000, s1;
	_ =	strace $0x8000004D  }
0x6: {  	s8 =	sshll.u32 s1, $0x4;
	s9 =	ssub.s32 $0x2, s1;
	s21 =	sor.u32 $0x1C0D, s17  }
0x7: {  	s8 =	sor.u32 s11, s8;
	s14 =	sshrl.u32 s9, $0x1;
	s15 =	sshrl.u32 s10, $0x2  }
0x8: {  	[dreg:$0xd] =	wrdreg s21;
	s7 =	sadd.s32 s6, s5;
	s5 =	sadd.s32 $0x3600, s0  }
0x9: {  	s8 =	smul.u32 $0x2710, s8;
	s6 =	sshrl.u32 s6, $0x3;
	s7 =	sshrl.u32 s7, $0x3  }
0xa: {  	s6 =	sadd.s32 s4, s6;
	s0 =	sadd.s32 s7, s0;
	s7 =	ssub.s32 s9, s14  }
0xb: {  	s9 =	sadd.s32 s15, s2;
	[dreg:$0xb] =	wrdreg s6;
	s16 =	sshrl.u32 s8, $0x3  }
0xc: {  	s19 =	smul.u32 $0x2710, s11;
	[dreg:$0xa] =	wrdreg s9;
	s18 =	sadd.s32 s5, s16  }
0xd: {  	s1 =	smul.u32 $0x27100, s1;
	s0 =	sadd.s32 $0x3F000, s0;
	[dreg:$0xc] =	wrdreg s18  }
0xe: {  	s30 =	simm.s32 $0x2;
	s12 =	smax.u32 s7, $0x1;
	[dreg:$0x17] =	wrdreg s0  }
0xf: {  	s1 =	sadd.s32 s19, s1;
	s6 =	sadd.s32 $0x9C40, s18;
	[dreg:$0x18] =	wrdreg s12  }
0x10: {  	s31 =	sadd.s32 $0x230, s1;
	s20 =	sadd.s32 $0xA, s18;
	[dreg:$0xe] =	wrdreg s6  }
0x11: {  	s13 =	sadd.s32 $0x4E430, s1;
	s22 =	sadd.s32 $0x9C4A, s18;
	[dreg:$0xf] =	wrdreg s20  }
0x12: {  	s11 =	sshrl.u32 s31, $0x3;
	s23 =	sadd.s32 $0x14, s18;
	[dreg:$0x10] =	wrdreg s22  }
0x13: {  	s14 =	sshrl.u32 s13, $0x3;
	s24 =	sadd.s32 $0x9C54, s18;
	[dreg:$0x11] =	wrdreg s23  }
0x14: {  	s15 =	sadd.s32 $0x1E0, s1;
	s25 =	sadd.s32 $0x1E, s18;
	[dreg:$0x12] =	wrdreg s24  }
0x15: {  	s8 =	simm.s32 $0xC;
	s26 =	sadd.s32 $0x9C5E, s18;
	[dreg:$0x13] =	wrdreg s25  }
0x16: {  	s16 =	sadd.s32 $0x4E3E0, s1;
	s29 =	sadd.s32 $0x4D8, s18;
	[dreg:$0x14] =	wrdreg s26  }
0x17: {  	s7 =	simm.s32 $0x3;
	s10 =	sadd.s32 $0xA118, s18;
	[dreg:$0x15] =	wrdreg s29  }
0x18: {  	s0 =	sadd.s32 s11, s5;
	s18 =	sshrl.u32 s16, $0x3;
	[dreg:$0x16] =	wrdreg s10  }
0x19: {  	s11 =	simm.s32 $0x6;
	[dreg:$0x3] =	wrdreg s0;
	s0 =	sadd.s32 s14, s5  }
0x1a: {  	s6 =	sshrl.u32 s15, $0x3;
	s19 =	sadd.s32 s18, s5;
	s20 =	sadd.s32 $0x190, s1  }
0x1b: {  	s23 =	sadd.s32 $0x4E390, s1;
	s24 =	sadd.s32 $0x4E340, s1;
	s29 =	sadd.s32 $0x140, s1  }
0x1c: {  	s14 =	simm.s32 $0x9;
	s15 =	simm.s32 $0x4;
	s18 =	simm.s32 $0xA  }
0x1d: {  	s1 =	simm.s32 $0x0;
	[dreg:$0x4] =	wrdreg s0;
	s17 =	sadd.s32 s6, s5  }
0x1e: {  	[dreg:$0x6] =	wrdreg s19;
	s22 =	sshrl.u32 s20, $0x3;
	s6 =	sshrl.u32 s23, $0x3  }
0x1f: {  	s26 =	sshrl.u32 s24, $0x3;
	[dreg:$0x19] =	wrdreg s29;
	s24 =	simm.s32 $0x80  }
0x20: {  	s19 =	simm.s32 $0x8;
	s20 =	simm.s32 $0xB;
	[dreg:$0x5] =	wrdreg s17  }
0x21: {  	s0 =	sadd.s32 s22, s5;
	s25 =	sadd.s32 s6, s5;
	s31 =	sadd.s32 s26, s5  }
0x22: {  	s22 =	simm.s32 $0xD;
	s26 =	simm.s32 $0x1;
	[dreg:$0x7] =	wrdreg s0  }
0x23: {  	s6 =	simm.s32 $0x100;
	s17 =	simm.s32 $0x7;
	[dreg:$0x8] =	wrdreg s25  }
0x24: {  	[dreg:$0x9] =	wrdreg s31;
	s25 =	simm.s32 $0x280;
	s0 =	simm.s32 $0x2C00  }
.LBB2_1:
0x25: {  	[dreg:$0x1a] =	wrdreg s1  }
0x26: {  	s9 =	rddreg [dreg:$0xa]  }
0x27: {  	s16 =	rddreg [dreg:$0xb];
	s13 =	sshrl.u32 s9, $0x3  }
0x28: {  	[dreg:$0x1b] =	wrdreg s13  }
0x29: {  	[spmem:s13], [sflag:s21] =	dma.local [hbm:s16], $0x2800  }
0x2a: {  	_ =	swait.ge [sflag:s22], $0x2800  }
0x2b: {  	[sflag:s22] =	ssyncset.done $0x0  }
0x2c: {  	[sflag:s22] =	ssyncadd.s32 $0xFFFFD800  }
0x2d: {  	[bflag:$0x0] =	sbarrier.arrive $0xFFFF  }
0x2e: {  	s22 =	rddreg [dreg:$0xc]  }
0x2f: {  	[tilespmem:s3], [sflag:$0x1] =	stream.linear.gather [hbm4b:s22+s3], $0x50, $0x38;
	[tilespmem:$0x1E400] =	vst v63  }
0x30: {  	s23 =	rddreg [dreg:$0xe];
	s22 =	simm.s32 $0x200  }
0x31: {  	[tilespmem:s22], [sflag:$0x1] =	stream.linear.gather [hbm4b:s23+s3], $0x50, $0x38;
	[tilespmem:$0x1E400] =	vst v63  }
0x32: {  	s1 =	rddreg [dreg:$0xf]  }
0x33: {  	[tilespmem:s24], [sflag:$0x2] =	stream.linear.gather [hbm4b:s1+s3], $0x50, $0x38;
	[tilespmem:$0x1E400] =	vst v63  }
0x34: {  	s10 =	rddreg [dreg:$0x10]  }
0x35: {  	[tilespmem:s25], [sflag:$0x2] =	stream.linear.gather [hbm4b:s10+s3], $0x50, $0x38;
	[tilespmem:$0x1E400] =	vst v63  }
0x36: {  	_ =	swait.ge [sflag:s26], $0x50  }
0x37: {  	[sflag:s26] =	ssyncset.done $0x0  }
0x38: {  	[sflag:s26] =	ssyncadd.s32 $0xFFFFFFB0  }
0x39: {  	_ =	swait.ge [sflag:s26], $0x50  }
0x3a: {  	[sflag:s26] =	ssyncset.done $0x0  }
0x3b: {  	s29 =	simm.s32 $0x400;
	[sflag:s26] =	ssyncadd.s32 $0xFFFFFFB0  }
0x3c: {  	[tilespmem:s29], [sflag:$0x5] =	stream.indirect.gather [hbm4b:s4+s28], $0x80, s3, s28, $0xb8;
	[tilespmem:$0x1E400] =	vst v63  }
0x3d: {  	_ =	swait.ge [sflag:s30], $0x50  }
0x3e: {  	[sflag:s30] =	ssyncset.done $0x0  }
0x3f: {  	[sflag:s30] =	ssyncadd.s32 $0xFFFFFFB0  }
0x40: {  	_ =	swait.ge [sflag:s30], $0x50  }
0x41: {  	[sflag:s30] =	ssyncset.done $0x0  }
0x42: {  	s16 =	simm.s32 $0x5;
	[sflag:s30] =	ssyncadd.s32 $0xFFFFFFB0  }
0x43: {  	[tilespmem:s0], [sflag:$0x6] =	stream.indirect.gather [hbm4b:s4+s28], $0x80, s24, s28, $0xb8;
	[tilespmem:$0x1E400] =	vst v63  }
0x44: {  	_ =	swait.ge [sflag:s16], $0x2800  }
0x45: {  	[sflag:s16] =	ssyncset.done $0x0  }
0x46: {  	[sflag:s16] =	ssyncadd.s32 $0xFFFFD800  }
0x47: {  	[spmem:s2] =	stream.indirect.scatter.add.f32 [tilespmem:s29], [sflag:$0x9], $0x80, s22, s28, $0xb8;
	[tilespmem:$0x1E400] =	vst v63  }
0x48: {  	s12 =	rddreg [dreg:$0x11]  }
0x49: {  	[tilespmem:s6], [sflag:$0x3] =	stream.linear.gather [hbm4b:s12+s3], $0x50, $0x38;
	[tilespmem:$0x1E400] =	vst v63  }
0x4a: {  	s10 =	simm.s32 $0x300;
	s13 =	rddreg [dreg:$0x12]  }
0x4b: {  	[tilespmem:s10], [sflag:$0x3] =	stream.linear.gather [hbm4b:s13+s3], $0x50, $0x38;
	[tilespmem:$0x1E400] =	vst v63  }
0x4c: {  	_ =	swait.ge [sflag:s7], $0x50  }
0x4d: {  	[sflag:s7] =	ssyncset.done $0x0  }
0x4e: {  	[sflag:s7] =	ssyncadd.s32 $0xFFFFFFB0  }
0x4f: {  	_ =	swait.ge [sflag:s7], $0x50  }
0x50: {  	[sflag:s7] =	ssyncset.done $0x0  }
0x51: {  	s12 =	simm.s32 $0x5400;
	[sflag:s7] =	ssyncadd.s32 $0xFFFFFFB0  }
0x52: {  	[tilespmem:s12], [sflag:$0x7] =	stream.indirect.gather [hbm4b:s4+s28], $0x80, s6, s28, $0xb8;
	[tilespmem:$0x1E400] =	vst v63  }
0x53: {  	_ =	swait.ge [sflag:s11], $0x2800  }
0x54: {  	[sflag:s11] =	ssyncset.done $0x0  }
0x55: {  	[sflag:s11] =	ssyncadd.s32 $0xFFFFD800  }
0x56: {  	[spmem:s2] =	stream.indirect.scatter.add.f32 [tilespmem:s0], [sflag:$0xA], $0x80, s25, s28, $0xb8;
	[tilespmem:$0x1E400] =	vst v63  }
0x57: {  	s13 =	simm.s32 $0x180;
	s21 =	rddreg [dreg:$0x13]  }
0x58: {  	[tilespmem:s13], [sflag:$0x4] =	stream.linear.gather [hbm4b:s21+s3], $0x50, $0x38;
	[tilespmem:$0x1E400] =	vst v63  }
0x59: {  	s1 =	simm.s32 $0x380;
	s23 =	rddreg [dreg:$0x14]  }
0x5a: {  	[tilespmem:s1], [sflag:$0x4] =	stream.linear.gather [hbm4b:s23+s3], $0x50, $0x38;
	[tilespmem:$0x1E400] =	vst v63  }
0x5b: {  	_ =	swait.ge [sflag:s14], $0x2800  }
0x5c: {  	[sflag:s14] =	ssyncset.done $0x0  }
0x5d: {  	[sflag:s14] =	ssyncadd.s32 $0xFFFFD800  }
0x5e: {  	_ =	swait.ge [sflag:s15], $0x50  }
0x5f: {  	[sflag:s15] =	ssyncset.done $0x0  }
0x60: {  	[sflag:s15] =	ssyncadd.s32 $0xFFFFFFB0  }
0x61: {  	_ =	swait.ge [sflag:s15], $0x50  }
0x62: {  	[sflag:s15] =	ssyncset.done $0x0  }
0x63: {  	s31 =	simm.s32 $0x7C00;
	[sflag:s15] =	ssyncadd.s32 $0xFFFFFFB0  }
0x64: {  	[tilespmem:s31], [sflag:$0x8] =	stream.indirect.gather [hbm4b:s4+s28], $0x80, s13, s28, $0xb8;
	[tilespmem:$0x1E400] =	vst v63  }
0x65: {  	_ =	swait.ge [sflag:s17], $0x2800  }
0x66: {  	[sflag:s17] =	ssyncset.done $0x0;
	s23 =	rddreg [dreg:$0x19]  }
0x67: {  	[sflag:s17] =	ssyncadd.s32 $0xFFFFD800;
	s9 =	sshrl.u32 s23, $0x3  }
0x68: {  	[spmem:s2] =	stream.indirect.scatter.add.f32 [tilespmem:s12], [sflag:$0xB], $0x80, s10, s28, $0xb8;
	[tilespmem:$0x1E400] =	vst v63  }
0x69: {  	s21 =	rddreg [dreg:$0x9];
	s9 =	sadd.s32 s5, s9  }
0x6a: {  	[tilespmem:s3], [sflag:$0x1] =	stream.linear.gather [hbm4b:s9+s3], $0x50, $0x38;
	[tilespmem:$0x1E400] =	vst v63  }
0x6b: {  	s21 =	sadd.s32 $0x0, s21  }
0x6c: {  	[tilespmem:s22], [sflag:$0x1] =	stream.linear.gather [hbm4b:s21+s3], $0x50, $0x38;
	[tilespmem:$0x1E400] =	vst v63  }
0x6d: {  	_ =	swait.ge [sflag:s18], $0x2800  }
0x6e: {  	[sflag:s18] =	ssyncset.done $0x0  }
0x6f: {  	[sflag:s18] =	ssyncadd.s32 $0xFFFFD800  }
0x70: {  	_ =	swait.ge [sflag:s26], $0x50  }
0x71: {  	[sflag:s26] =	ssyncset.done $0x0  }
0x72: {  	[sflag:s26] =	ssyncadd.s32 $0xFFFFFFB0  }
0x73: {  	_ =	swait.ge [sflag:s26], $0x50  }
0x74: {  	[sflag:s26] =	ssyncset.done $0x0  }
0x75: {  	[sflag:s26] =	ssyncadd.s32 $0xFFFFFFB0  }
0x76: {  	[tilespmem:s29], [sflag:$0x5] =	stream.indirect.gather [hbm4b:s4+s28], $0x80, s3, s28, $0xb8;
	[tilespmem:$0x1E400] =	vst v63  }
0x77: {  	_ =	swait.ge [sflag:s19], $0x2800  }
0x78: {  	[sflag:s19] =	ssyncset.done $0x0  }
0x79: {  	s9 =	rddreg [dreg:$0x7];
	[sflag:s19] =	ssyncadd.s32 $0xFFFFD800  }
0x7a: {  	[spmem:s2] =	stream.indirect.scatter.add.f32 [tilespmem:s31], [sflag:$0xC], $0x80, s1, s28, $0xb8;
	[tilespmem:$0x1E400] =	vst v63  }
0x7b: {  	s21 =	rddreg [dreg:$0x8];
	s9 =	sadd.s32 $0x0, s9  }
0x7c: {  	[tilespmem:s24], [sflag:$0x2] =	stream.linear.gather [hbm4b:s9+s3], $0x50, $0x38;
	[tilespmem:$0x1E400] =	vst v63  }
0x7d: {  	s21 =	sadd.s32 $0x0, s21  }
0x7e: {  	[tilespmem:s25], [sflag:$0x2] =	stream.linear.gather [hbm4b:s21+s3], $0x50, $0x38;
	[tilespmem:$0x1E400] =	vst v63  }
0x7f: {  	_ =	swait.ge [sflag:s20], $0x2800  }
0x80: {  	[sflag:s20] =	ssyncset.done $0x0  }
0x81: {  	[sflag:s20] =	ssyncadd.s32 $0xFFFFD800  }
0x82: {  	_ =	swait.ge [sflag:s30], $0x50  }
0x83: {  	[sflag:s30] =	ssyncset.done $0x0  }
0x84: {  	[sflag:s30] =	ssyncadd.s32 $0xFFFFFFB0  }
0x85: {  	_ =	swait.ge [sflag:s30], $0x50  }
0x86: {  	[sflag:s30] =	ssyncset.done $0x0  }
0x87: {  	[sflag:s30] =	ssyncadd.s32 $0xFFFFFFB0  }
0x88: {  	[tilespmem:s0], [sflag:$0x6] =	stream.indirect.gather [hbm4b:s4+s28], $0x80, s24, s28, $0xb8;
	[tilespmem:$0x1E400] =	vst v63  }
0x89: {  	_ =	swait.ge [sflag:s16], $0x2800  }
0x8a: {  	[sflag:s16] =	ssyncset.done $0x0  }
0x8b: {  	s1 =	rddreg [dreg:$0x5];
	[sflag:s16] =	ssyncadd.s32 $0xFFFFD800  }
0x8c: {  	[spmem:s2] =	stream.indirect.scatter.add.f32 [tilespmem:s29], [sflag:$0x9], $0x80, s22, s28, $0xb8;
	[tilespmem:$0x1E400] =	vst v63  }
0x8d: {  	s16 =	rddreg [dreg:$0x6];
	s9 =	sadd.s32 $0x0, s1  }
0x8e: {  	[tilespmem:s6], [sflag:$0x3] =	stream.linear.gather [hbm4b:s9+s3], $0x50, $0x38;
	[tilespmem:$0x1E400] =	vst v63  }
0x8f: {  	s22 =	sadd.s32 $0x0, s16  }
0x90: {  	[tilespmem:s10], [sflag:$0x3] =	stream.linear.gather [hbm4b:s22+s3], $0x50, $0x38;
	[tilespmem:$0x1E400] =	vst v63  }
0x91: {  	_ =	swait.ge [sflag:s8], $0x2800  }
0x92: {  	[sflag:s8] =	ssyncset.done $0x0  }
0x93: {  	[sflag:s8] =	ssyncadd.s32 $0xFFFFD800  }
0x94: {  	_ =	swait.ge [sflag:s7], $0x50  }
0x95: {  	[sflag:s7] =	ssyncset.done $0x0  }
0x96: {  	[sflag:s7] =	ssyncadd.s32 $0xFFFFFFB0  }
0x97: {  	_ =	swait.ge [sflag:s7], $0x50  }
0x98: {  	[sflag:s7] =	ssyncset.done $0x0  }
0x99: {  	[sflag:s7] =	ssyncadd.s32 $0xFFFFFFB0  }
0x9a: {  	[tilespmem:s12], [sflag:$0x7] =	stream.indirect.gather [hbm4b:s4+s28], $0x80, s6, s28, $0xb8;
	[tilespmem:$0x1E400] =	vst v63  }
0x9b: {  	s31 =	simm.s32 $0x280;
	_ =	swait.ge [sflag:s11], $0x2800  }
0x9c: {  	s21 =	sadd.s32 $0x140, s23;
	s29 =	simm.s32 $0x80;
	[sflag:s11] =	ssyncset.done $0x0  }
0x9d: {  	s22 =	simm.s32 $0x28;
	s24 =	rddreg [dreg:$0x3];
	[sflag:s11] =	ssyncadd.s32 $0xFFFFD800  }
0x9e: {  	[spmem:s2] =	stream.indirect.scatter.add.f32 [tilespmem:s0], [sflag:$0xA], $0x80, s25, s28, $0xb8;
	[tilespmem:$0x1E400] =	vst v63  }
0x9f: {  	s10 =	simm.s32 $0x100;
	s9 =	sadd.s32 $0x0, s24;
	s25 =	rddreg [dreg:$0x4]  }
0xa0: {  	[tilespmem:s13], [sflag:$0x4] =	stream.linear.gather [hbm4b:s9+s3], $0x50, $0x38;
	[tilespmem:$0x1E400] =	vst v63  }
0xa1: {  	s6 =	simm.s32 $0x2C00;
	s24 =	smov.u32 s5;
	s9 =	sadd.s32 $0x0, s25  }
.LBB2_2:
0xa2: {  	s1 =	simm.s32 $0x380  }
0xa3: {  	[tilespmem:s1], [sflag:$0x4] =	stream.linear.gather [hbm4b:s9+s3], $0x50, $0x38;
	[tilespmem:$0x1E400] =	vst v63  }
0xa4: {  	_ =	swait.ge [sflag:s14], $0x2800  }
0xa5: {  	[sflag:s14] =	ssyncset.done $0x0  }
0xa6: {  	[sflag:s14] =	ssyncadd.s32 $0xFFFFD800  }
0xa7: {  	_ =	swait.ge [sflag:s15], $0x50  }
0xa8: {  	[sflag:s15] =	ssyncset.done $0x0  }
0xa9: {  	[sflag:s15] =	ssyncadd.s32 $0xFFFFFFB0  }
0xaa: {  	_ =	swait.ge [sflag:s15], $0x50  }
0xab: {  	[sflag:s15] =	ssyncset.done $0x0  }
0xac: {  	s16 =	simm.s32 $0x180;
	s11 =	simm.s32 $0x7C00;
	[sflag:s15] =	ssyncadd.s32 $0xFFFFFFB0  }
0xad: {  	[tilespmem:s11], [sflag:$0x8] =	stream.indirect.gather [hbm4b:s4+s28], $0x80, s16, s28, $0xb8;
	[tilespmem:$0x1E400] =	vst v63  }
0xae: {  	_ =	swait.ge [sflag:s17], $0x2800  }
0xaf: {  	s5 =	sshrl.u32 s21, $0x3;
	[sflag:s17] =	ssyncset.done $0x0  }
0xb0: {  	s12 =	simm.s32 $0x300;
	s13 =	simm.s32 $0x5400;
	[sflag:s17] =	ssyncadd.s32 $0xFFFFD800  }
0xb1: {  	[spmem:s2] =	stream.indirect.scatter.add.f32 [tilespmem:s13], [sflag:$0xB], $0x80, s12, s28, $0xb8;
	[tilespmem:$0x1E400] =	vst v63  }
0xb2: {  	s9 =	smov.u32 s22;
	s5 =	sadd.s32 s24, s5;
	s23 =	rddreg [dreg:$0x9]  }
0xb3: {  	[tilespmem:s3], [sflag:$0x1] =	stream.linear.gather [hbm4b:s5+s3], $0x50, $0x38;
	[tilespmem:$0x1E400] =	vst v63  }
0xb4: {  	s25 =	simm.s32 $0x200;
	s0 =	sadd.s32 s9, s23  }
0xb5: {  	[tilespmem:s25], [sflag:$0x1] =	stream.linear.gather [hbm4b:s0+s3], $0x50, $0x38;
	[tilespmem:$0x1E400] =	vst v63  }
0xb6: {  	_ =	swait.ge [sflag:s18], $0x2800  }
0xb7: {  	[sflag:s18] =	ssyncset.done $0x0  }
0xb8: {  	[sflag:s18] =	ssyncadd.s32 $0xFFFFD800  }
0xb9: {  	_ =	swait.ge [sflag:s26], $0x50  }
0xba: {  	[sflag:s26] =	ssyncset.done $0x0  }
0xbb: {  	[sflag:s26] =	ssyncadd.s32 $0xFFFFFFB0  }
0xbc: {  	_ =	swait.ge [sflag:s26], $0x50  }
0xbd: {  	[sflag:s26] =	ssyncset.done $0x0  }
0xbe: {  	s0 =	simm.s32 $0x400;
	[sflag:s26] =	ssyncadd.s32 $0xFFFFFFB0  }
0xbf: {  	[tilespmem:s0], [sflag:$0x5] =	stream.indirect.gather [hbm4b:s4+s28], $0x80, s3, s28, $0xb8;
	[tilespmem:$0x1E400] =	vst v63  }
0xc0: {  	_ =	swait.ge [sflag:s19], $0x2800  }
0xc1: {  	[sflag:s19] =	ssyncset.done $0x0  }
0xc2: {  	s5 =	rddreg [dreg:$0x7];
	[sflag:s19] =	ssyncadd.s32 $0xFFFFD800  }
0xc3: {  	[spmem:s2] =	stream.indirect.scatter.add.f32 [tilespmem:s11], [sflag:$0xC], $0x80, s1, s28, $0xb8;
	[tilespmem:$0x1E400] =	vst v63  }
0xc4: {  	s23 =	rddreg [dreg:$0x8];
	s5 =	sadd.s32 s9, s5  }
0xc5: {  	[tilespmem:s29], [sflag:$0x2] =	stream.linear.gather [hbm4b:s5+s3], $0x50, $0x38;
	[tilespmem:$0x1E400] =	vst v63  }
0xc6: {  	s1 =	sadd.s32 s9, s23  }
0xc7: {  	[tilespmem:s31], [sflag:$0x2] =	stream.linear.gather [hbm4b:s1+s3], $0x50, $0x38;
	[tilespmem:$0x1E400] =	vst v63  }
0xc8: {  	_ =	swait.ge [sflag:s20], $0x2800  }
0xc9: {  	[sflag:s20] =	ssyncset.done $0x0  }
0xca: {  	[sflag:s20] =	ssyncadd.s32 $0xFFFFD800  }
0xcb: {  	_ =	swait.ge [sflag:s30], $0x50  }
0xcc: {  	[sflag:s30] =	ssyncset.done $0x0  }
0xcd: {  	[sflag:s30] =	ssyncadd.s32 $0xFFFFFFB0  }
0xce: {  	_ =	swait.ge [sflag:s30], $0x50  }
0xcf: {  	[sflag:s30] =	ssyncset.done $0x0  }
0xd0: {  	s5 =	simm.s32 $0x5;
	[sflag:s30] =	ssyncadd.s32 $0xFFFFFFB0  }
0xd1: {  	[tilespmem:s6], [sflag:$0x6] =	stream.indirect.gather [hbm4b:s4+s28], $0x80, s29, s28, $0xb8;
	[tilespmem:$0x1E400] =	vst v63  }
0xd2: {  	_ =	swait.ge [sflag:s5], $0x2800  }
0xd3: {  	[sflag:s5] =	ssyncset.done $0x0  }
0xd4: {  	s23 =	rddreg [dreg:$0x5];
	[sflag:s5] =	ssyncadd.s32 $0xFFFFD800  }
0xd5: {  	[spmem:s2] =	stream.indirect.scatter.add.f32 [tilespmem:s0], [sflag:$0x9], $0x80, s25, s28, $0xb8;
	[tilespmem:$0x1E400] =	vst v63  }
0xd6: {  	s1 =	rddreg [dreg:$0x6];
	s5 =	sadd.s32 s9, s23  }
0xd7: {  	[tilespmem:s10], [sflag:$0x3] =	stream.linear.gather [hbm4b:s5+s3], $0x50, $0x38;
	[tilespmem:$0x1E400] =	vst v63  }
0xd8: {  	s1 =	sadd.s32 s9, s1  }
0xd9: {  	[tilespmem:s12], [sflag:$0x3] =	stream.linear.gather [hbm4b:s1+s3], $0x50, $0x38;
	[tilespmem:$0x1E400] =	vst v63  }
0xda: {  	_ =	swait.ge [sflag:s8], $0x2800  }
0xdb: {  	[sflag:s8] =	ssyncset.done $0x0  }
0xdc: {  	[sflag:s8] =	ssyncadd.s32 $0xFFFFD800  }
0xdd: {  	_ =	swait.ge [sflag:s7], $0x50  }
0xde: {  	[sflag:s7] =	ssyncset.done $0x0  }
0xdf: {  	[sflag:s7] =	ssyncadd.s32 $0xFFFFFFB0  }
0xe0: {  	_ =	swait.ge [sflag:s7], $0x50  }
0xe1: {  	p0 =	sne.s32 s22, $0x488;
	[sflag:s7] =	ssyncset.done $0x0  }
0xe2: {  	s21 =	sadd.s32 $0x140, s21;
	s11 =	simm.s32 $0x6;
	[sflag:s7] =	ssyncadd.s32 $0xFFFFFFB0  }
0xe3: {  	[tilespmem:s13], [sflag:$0x7] =	stream.indirect.gather [hbm4b:s4+s28], $0x80, s10, s28, $0xb8;
	[tilespmem:$0x1E400] =	vst v63  }
0xe4: {  	s22 =	sadd.s32 $0x28, s22;
	s0 =	simm.s32 $0x300;
	_ =	swait.ge [sflag:s11], $0x2800  }
.Ltmp0:
0xe5: {  	[sflag:s11] =	ssyncset.done $0x0;
	s23 =	rddreg [dreg:$0x3];
	(pc) =	sbr.rel @p0 .LBB2_2-.Ltmp0, $4  }
0xe6: {  	s12 =	simm.s32 $0x5400;
	s25 =	rddreg [dreg:$0x4];
	[sflag:s11] =	ssyncadd.s32 $0xFFFFD800  }
0xe7: {  	[spmem:s2] =	stream.indirect.scatter.add.f32 [tilespmem:s6], [sflag:$0xA], $0x80, s31, s28, $0xb8;
	[tilespmem:$0x1E400] =	vst v63  }
0xe8: {  	s13 =	simm.s32 $0x180;
	s5 =	sadd.s32 s9, s23;
	s9 =	sadd.s32 s9, s25  }
0xe9: {  	[tilespmem:s16], [sflag:$0x4] =	stream.linear.gather [hbm4b:s5+s3], $0x50, $0x38;
	[tilespmem:$0x1E400] =	vst v63  }
0xea: {  	s1 =	simm.s32 $0x380  }
0xeb: {  	[tilespmem:s1], [sflag:$0x4] =	stream.linear.gather [hbm4b:s9+s3], $0x50, $0x38;
	[tilespmem:$0x1E400] =	vst v63  }
0xec: {  	_ =	swait.ge [sflag:s14], $0x2800  }
0xed: {  	[sflag:s14] =	ssyncset.done $0x0  }
0xee: {  	[sflag:s14] =	ssyncadd.s32 $0xFFFFD800  }
0xef: {  	_ =	swait.ge [sflag:s15], $0x50  }
0xf0: {  	[sflag:s15] =	ssyncset.done $0x0  }
0xf1: {  	[sflag:s15] =	ssyncadd.s32 $0xFFFFFFB0  }
0xf2: {  	_ =	swait.ge [sflag:s15], $0x50  }
0xf3: {  	[sflag:s15] =	ssyncset.done $0x0  }
0xf4: {  	s6 =	simm.s32 $0x7C00;
	[sflag:s15] =	ssyncadd.s32 $0xFFFFFFB0  }
0xf5: {  	[tilespmem:s6], [sflag:$0x8] =	stream.indirect.gather [hbm4b:s4+s28], $0x80, s13, s28, $0xb8;
	[tilespmem:$0x1E400] =	vst v63  }
0xf6: {  	_ =	swait.ge [sflag:s17], $0x2800  }
0xf7: {  	[sflag:s17] =	ssyncset.done $0x0  }
0xf8: {  	[sflag:s17] =	ssyncadd.s32 $0xFFFFD800  }
0xf9: {  	[spmem:s2] =	stream.indirect.scatter.add.f32 [tilespmem:s12], [sflag:$0xB], $0x80, s0, s28, $0xb8;
	[tilespmem:$0x1E400] =	vst v63  }
0xfa: {  	s5 =	rddreg [dreg:$0x15]  }
0xfb: {  	[tilespmem:s3], [sflag:$0x1] =	stream.linear.gather [hbm4b:s5+s3], $0x50, $0x38;
	[tilespmem:$0x1E400] =	vst v63  }
0xfc: {  	s16 =	simm.s32 $0x200;
	s13 =	rddreg [dreg:$0x16]  }
0xfd: {  	[tilespmem:s16], [sflag:$0x1] =	stream.linear.gather [hbm4b:s13+s3], $0x50, $0x38;
	[tilespmem:$0x1E400] =	vst v63  }
0xfe: {  	_ =	swait.ge [sflag:s18], $0x2800  }
0xff: {  	[sflag:s18] =	ssyncset.done $0x0  }
0x100: {  	[sflag:s18] =	ssyncadd.s32 $0xFFFFD800  }
0x101: {  	_ =	swait.ge [sflag:s26], $0x50  }
0x102: {  	[sflag:s26] =	ssyncset.done $0x0  }
0x103: {  	[sflag:s26] =	ssyncadd.s32 $0xFFFFFFB0  }
0x104: {  	_ =	swait.ge [sflag:s26], $0x50  }
0x105: {  	[sflag:s26] =	ssyncset.done $0x0  }
0x106: {  	s21 =	simm.s32 $0x400;
	[sflag:s26] =	ssyncadd.s32 $0xFFFFFFB0  }
0x107: {  	[tilespmem:s21], [sflag:$0x5] =	stream.indirect.gather [hbm4b:s4+s28], $0x80, s3, s28, $0xb8;
	[tilespmem:$0x1E400] =	vst v63  }
0x108: {  	_ =	swait.ge [sflag:s19], $0x2800  }
0x109: {  	[sflag:s19] =	ssyncset.done $0x0  }
0x10a: {  	[sflag:s19] =	ssyncadd.s32 $0xFFFFD800  }
0x10b: {  	[spmem:s2] =	stream.indirect.scatter.add.f32 [tilespmem:s6], [sflag:$0xC], $0x80, s1, s28, $0xb8;
	[tilespmem:$0x1E400] =	vst v63  }
0x10c: {  	_ =	swait.ge [sflag:s20], $0x2800  }
0x10d: {  	[sflag:s20] =	ssyncset.done $0x0  }
0x10e: {  	s22 =	simm.s32 $0x5;
	[sflag:s20] =	ssyncadd.s32 $0xFFFFD800  }
0x10f: {  	_ =	swait.ge [sflag:s22], $0x2800  }
0x110: {  	[sflag:s22] =	ssyncset.done $0x0  }
0x111: {  	[sflag:s22] =	ssyncadd.s32 $0xFFFFD800  }
0x112: {  	[spmem:s2] =	stream.indirect.scatter.add.f32 [tilespmem:s21], [sflag:$0x9], $0x80, s16, s28, $0xb8;
	[tilespmem:$0x1E400] =	vst v63  }
0x113: {  	_ =	swait.ge [sflag:s8], $0x2800  }
0x114: {  	[sflag:s8] =	ssyncset.done $0x0  }
0x115: {  	[sflag:s8] =	ssyncadd.s32 $0xFFFFD800  }
0x116: {  	_ =	swait.ge [sflag:s14], $0x2800  }
0x117: {  	[sflag:s14] =	ssyncset.done $0x0  }
0x118: {  	[sflag:s14] =	ssyncadd.s32 $0xFFFFD800  }
0x119: {  	[bflag:$0x0] =	sbarrier.arrive $0xFFFF  }
0x11a: {  	s21 =	rddreg [dreg:$0xd]  }
0x11b: {  	s23 =	rddreg [dreg:$0x17]  }
0x11c: {  	s22 =	simm.s32 $0xD;
	s25 =	rddreg [dreg:$0x1b]  }
0x11d: {  	[hbm:s23], [sflag:s21] =	dma.local [spmem:s25], $0x2800  }
0x11e: {  	_ =	swait.ge [sflag:s22], $0x2800  }
0x11f: {  	s29 =	rddreg [dreg:$0x1a]  }
0x120: {  	s31 =	rddreg [dreg:$0x18];
	s1 =	sadd.s32 $0x1, s29  }
0x121: {  	p0 =	sne.s32 s1, s31  }
.Ltmp1:
0x122: {  	_ = 	snop;
	(pc) =	sbr.rel @p0 .LBB2_1-.Ltmp1, $4  }
0x123: {  	_ = 	snop  }
0x124: {  	s0 =	simm.s32 $0x2C00  }
0x125: {  	s5 =	smov.u32 s24;
	s24 =	simm.s32 $0x80;
	[sflag:s22] =	ssyncset.done $0x0  }
0x126: {  	s6 =	simm.s32 $0x100;
	s25 =	simm.s32 $0x280;
	[sflag:s22] =	ssyncadd.s32 $0xFFFFD800  }
0x127: {  	_ =	sfence.sel $0x180000  }
0x128: {  	[bflag:$0x0] =	sbarrier.arrive $0xFFFF  }
0x129: {  	_ =	strace $0x9000004D  }
0x12a: {  	s0 =	stileid.u32;
	[bflag:$0x2] =	sbarrier.arrive $0xFFFF  }
0x12b: {  	p0 =	sne.s32 s0, $0x0;
	s0 =	rddreg [dreg:$0x2]  }
0x12c: {  	s0 =	sadd.s32 @!p0 $0x100000, s0  }
0x12d: {  	[sflag:s0] =	ssyncadd.tile.s32 @!p0 $0x1;
	_ =	shalt  }
.Lfunc_end2:
_tile_overlayer_lowered:
.L_overlay_start_2:
0x12e: {  	(tag) =	ssettag $0x2  }
0x12f: {  	s0 =	rddreg [dreg:$0x0];
	s2 =	stileid.u32  }
0x130: {  	s1 =	rddreg [dreg:$0x1];
	p0 =	sne.s32 s2, $0x0  }
0x131: {  	s3 =	rddreg [dreg:$0x2];
	[bflag:$0x3] =	sbarrier.arrive $0xFFFF;
	s2 =	simm.s32 @!p0 $0x1C0D  }
0x132: {  	[timem:s3], [sflag:s2] =	dma.local @!p0 [hbm:s0], s1  }
0x133: {  	s0 =	simm.s32 @!p0 $0xD  }
0x134: {  	_ =	swait.ge @!p0 [sflag:s0], s1  }
0x135: {  	s1 =	ssub.s32 @!p0 $0x0, s1;
	[sflag:s0] =	ssyncset.done @!p0 $0x0  }
0x136: {  	[sflag:s0] =	ssyncadd.s32 @!p0 s1  }
0x137: {  	[bflag:$0x3] =	sbarrier.arrive $0xFFFF  }
0x138: {  	_ =	shalt  }

// kernel: kernel.9.cloned.1.call-start
scs
__scs_entry_jumppad:
0x0: {  	(pc) =	sbr.rel $0x88, $3  }
0x1: {  	(tag) =	ssettag $0x0;
	lr =	simm.s32 $0x1  }
0x2: {  	[smem:$0x3F96] =	sst lr;
	_ =	strace $0xD0000000  }
0x3: {  	_ = 	snop  }
0x4: {  	_ = 	snop  }
0x5: {  	_ = 	snop  }
0x6: {  	_ = 	snop  }
0x7: {  	_ = 	snop  }
__scs_overlays_trampoline_lowered:
0x8: {  	[smem:$0x3FA5] =	sst s0  }
0x9: {  	[smem:$0x3FA6] =	sst s1  }
0xa: {  	[smem:$0x3FA7] =	sst s2  }
0xb: {  	[smem:$0x3FA8] =	sst s3  }
0xc: {  	[smem:$0x3FA9] =	sst s4  }
0xd: {  	[smem:$0x3FAA] =	sst s5  }
0xe: {  	[smem:$0x3FAB] =	sst s6  }
0xf: {  	[smem:$0x3FAC] =	sst s7  }
0x10: {  	[smem:$0x3FAD] =	sst s8  }
0x11: {  	[smem:$0x3FAE] =	sst s9;
	s0 =	simm.s32 @!p0 $0x0  }
0x12: {  	s1 =	sld [smem:$0x3F94];
	s0 =	simm.s32 @p0 $0x1  }
0x13: {  	[smem:$0x3FAF] =	sst s0;
	s0 =	simm.s32 @!p1 $0x0  }
0x14: {  	s2 =	sld [smem:$0x3F93];
	s0 =	simm.s32 @p1 $0x1  }
0x15: {  	[smem:$0x3FB0] =	sst s0;
	s0 =	simm.s32 @!p2 $0x0  }
0x16: {  	s3 =	sld [smem:$0x3FDB];
	s0 =	simm.s32 @p2 $0x1  }
0x17: {  	s4 =	simm.s32 $0x1BF5;
	[smem:$0x3FB2] =	sst s0  }
0x18: {  	s0 =	sld [smem:$0x3F95];
	_ =	swait.ge [sflag:s4], $0x0  }
0x19: {  	s7 =	sld [smem:$0x3F96]  }
0x1a: {  	s8 =	sadd.s32 $0xFFFFE003, lr  }
0x1b: {  	s9 =	sadd.s32 $0xFFFFFEF7, lr;
	s5 =	simm.s32 $0xFFFFFFFF;
	p2 =	slt.u32 s8, $0xFFFFF086  }
0x1c: {  	p1 =	slt.u32 s9, $0xF7A;
	s5 =	simm.s32 @!p2 $0x0  }
0x1d: {  	s5 =	simm.s32 @p1 $0x1;
	p0 =	seq.s32 s7, s2  }
0x1e: {  	s7 =	smul.u32 @!p0 $0xF7A, s2;
	p2 =	seq.s32 @!p0 s5, $0x0  }
0x1f: {  	s9 =	smul.u32 $0xF7A, s1;
	s8 =	simm.s32 @!p0 $0x1BF5;
	p2 =	por !p2, p0  }
0x20: {  	[sflag:s8] =	ssyncset.s32 @!p0 $0xFFFFF086;
	s6 =	sadd.s32 @!p0 s3, s7;
	s7 =	simm.s32 @!p0 $0x108  }
0x21: {  	s3 =	sadd.s32 s3, s9;
	s6 =	sadd.s32 @!p0 $0x88, s6;
	s7 =	simm.s32 @p2 $0x1082  }
0x22: {  	[simem:s7], [sflag:s8] =	dma.local @!p0 [hbm:s6], $0xF7A  }
0x23: {  	s9 =	sor.u32 $0xD0000000, s2;
	s6 =	simm.s32 $0x108;
	_ =	swait.ge @!p0 [sflag:s8], $0x0  }
0x24: {  	s3 =	sadd.s32 $0x88, s3;
	s6 =	simm.s32 @!p1 $0x1082;
	[sflag:s4] =	ssyncset.s32 $0xFFFFF086  }
0x25: {  	[simem:s6], [sflag:s4] =	dma.local [hbm:s3], $0xF7A  }
0x26: {  	[smem:$0x3F96] =	sst s1;
	(tag) =	ssettag s2;
	_ =	strace s9  }
0x27: {  	s1 =	sld [smem:$0x3FA6]  }
0x28: {  	s2 =	sld [smem:$0x3FA7]  }
0x29: {  	s4 =	sld [smem:$0x3FA9]  }
0x2a: {  	p0 =	seq.s32 s5, $0x0;
	s5 =	sld [smem:$0x3FAA]  }
0x2b: {  	s6 =	sld [smem:$0x3FAB]  }
0x2c: {  	s7 =	sld [smem:$0x3FAC]  }
0x2d: {  	s3 =	simm.s32 $0x108;
	s8 =	sld [smem:$0x3FAD]  }
0x2e: {  	s3 =	simm.s32 @!p0 $0x1082;
	s9 =	sld [smem:$0x3FAE]  }
0x2f: {  	lr =	sadd.s32 s0, s3;
	s0 =	sld [smem:$0x3FA5]  }
0x30: {  	s3 =	sld [smem:$0x3FA8]  }
0x31: {  	[smem:$0x3FB1] =	sst s10  }
0x32: {  	s10 =	sld [smem:$0x3FAF];
	_ =	sdelay $0x3  }
0x33: {  	p0 =	seq.s32 s10, $0x1;
	s10 =	sld [smem:$0x3FB1];
	_ =	sdelay $0x3  }
0x34: {  	[smem:$0x3FB1] =	sst s10  }
0x35: {  	s10 =	sld [smem:$0x3FB0];
	_ =	sdelay $0x3  }
0x36: {  	p1 =	seq.s32 s10, $0x1;
	s10 =	sld [smem:$0x3FB1];
	_ =	sdelay $0x3  }
0x37: {  	[smem:$0x3FB1] =	sst s10  }
0x38: {  	s10 =	sld [smem:$0x3FB2]  }
0x39: {  	_ = 	snop;
	(pc) =	sbr.ind lr, $3  }
0x3a: {  	_ = 	snop  }
0x3b: {  	_ = 	snop  }
0x3c: {  	p2 =	seq.s32 s10, $0x1;
	s10 =	sld [smem:$0x3FB1]  }
0x3d: {  	_ =	shalt  }
0x3e: {  	_ =	shalt  }
0x3f: {  	_ =	shalt  }
0x40: {  	_ =	shalt  }
0x41: {  	_ =	shalt  }
0x42: {  	_ =	shalt  }
0x43: {  	_ =	shalt  }
0x44: {  	_ =	shalt  }
0x45: {  	_ =	shalt  }
0x46: {  	_ =	shalt  }
0x47: {  	_ =	shalt  }
0x48: {  	_ =	shalt  }
0x49: {  	_ =	shalt  }
0x4a: {  	_ =	shalt  }
0x4b: {  	_ =	shalt  }
0x4c: {  	_ =	shalt  }
0x4d: {  	_ =	shalt  }
0x4e: {  	_ =	shalt  }
0x4f: {  	_ =	shalt  }
0x50: {  	_ =	shalt  }
0x51: {  	_ =	shalt  }
0x52: {  	_ =	shalt  }
0x53: {  	_ =	shalt  }
0x54: {  	_ =	shalt  }
0x55: {  	_ =	shalt  }
0x56: {  	_ =	shalt  }
0x57: {  	_ =	shalt  }
0x58: {  	_ =	shalt  }
0x59: {  	_ =	shalt  }
0x5a: {  	_ =	shalt  }
0x5b: {  	_ =	shalt  }
0x5c: {  	_ =	shalt  }
0x5d: {  	_ =	shalt  }
0x5e: {  	_ =	shalt  }
0x5f: {  	_ =	shalt  }
0x60: {  	_ =	shalt  }
0x61: {  	_ =	shalt  }
0x62: {  	_ =	shalt  }
0x63: {  	_ =	shalt  }
0x64: {  	_ =	shalt  }
0x65: {  	_ =	shalt  }
0x66: {  	_ =	shalt  }
0x67: {  	_ =	shalt  }
0x68: {  	_ =	shalt  }
0x69: {  	_ =	shalt  }
0x6a: {  	_ =	shalt  }
0x6b: {  	_ =	shalt  }
0x6c: {  	_ =	shalt  }
0x6d: {  	_ =	shalt  }
0x6e: {  	_ =	shalt  }
0x6f: {  	_ =	shalt  }
0x70: {  	_ =	shalt  }
0x71: {  	_ =	shalt  }
0x72: {  	_ =	shalt  }
0x73: {  	_ =	shalt  }
0x74: {  	_ =	shalt  }
0x75: {  	_ =	shalt  }
0x76: {  	_ =	shalt  }
0x77: {  	_ =	shalt  }
0x78: {  	_ =	shalt  }
0x79: {  	_ =	shalt  }
0x7a: {  	_ =	shalt  }
0x7b: {  	_ =	shalt  }
0x7c: {  	_ =	shalt  }
0x7d: {  	_ =	shalt  }
0x7e: {  	_ =	shalt  }
0x7f: {  	_ =	shalt  }
0x80: {  	_ =	shalt  }
0x81: {  	_ =	shalt  }
0x82: {  	_ =	shalt  }
0x83: {  	_ =	shalt  }
0x84: {  	_ =	shalt  }
0x85: {  	_ =	shalt  }
0x86: {  	_ =	shalt  }
0x87: {  	_ =	shalt  }
.Lfunc_end0:
.L_simem_size_0:
called_computation_lowered:
.L_overlay_start_0:
0x88: {  	s2 =	sld [smem:$0x3FD9]  }
0x89: {  	s3 =	sld [smem:$0x3FFE];
	_ =	sdelay $0x1  }
0x8a: {  	s1 =	srdreg.scid  }
0x8b: {  	s0 =	sand.u32 $0x1, s1  }
0x8c: {  	s16 =	sshll.u32 s0, $0xA;
	s2 =	sadd.s32 s3, s2  }
0x8d: {  	s2 =	sadd.s32 s2, s16  }
0x8e: {  	[smem:$0x3FBD] =	sst s2  }
0x8f: {  	_ = 	snop  }
0x90: {  	(tm) =	ssettm $0x1  }
0x91: {  	s17 =	sld [smem:$0x3FFB];
	_ =	sdelay $0x3  }
0x92: {  	_ =	strace s17  }
0x93: {  	s2 =	sld [smem:$0x3FFC];
	_ =	sdelay $0x3  }
0x94: {  	_ =	strace s2  }
0x95: {  	s2 =	sld [smem:$0x3FFD];
	_ =	sdelay $0x3  }
0x96: {  	_ =	strace s2  }
0x97: {  	_ =	strace $0x8FFFFFFF  }
0x98: {  	s18 =	sld [smem:$0x3FDB];
	_ =	sdelay $0x1  }
0x99: {  	s19 =	simm.s32 $_scs_section_size  }
0x9a: {  	s4 =	simm.s32 $_size__tile_overlayer_lowered;
	s5 =	simm.s32 $_tile_overlayer_lowered  }
0x9b: {  	s22 =	simm.s32 $0x1BFF;
	s21 =	sshll.u32 s5, $0x1;
	s2 =	sadd.s32 s19, s18  }
0x9c: {  	s6 =	simm.s32 $0x0;
	s20 =	sshll.u32 s4, $0x1;
	s4 =	sadd.s32 s21, s2  }
0x9d: {  	[timem:s6], [sflag:s22] =	dma.local [hbm:s4], s20  }
0x9e: {  	_ =	swait.ge [sflag:s22], s20  }
0x9f: {  	s3 =	ssub.s32 $0x0, s20;
	[sflag:s22] =	ssyncset.done $0x0  }
0xa0: {  	[sflag:s22] =	ssyncadd.s32 s3;
	_ =	sdelay $0x1  }
0xa1: {  	s23 =	simm.s32 $0x1B8B  }
0xa2: {  	_ =	swait.ge [sflag:s23], $0x1  }
0xa3: {  	[sflag:s23] =	ssyncset.done $0x0  }
0xa4: {  	s25 =	simm.s32 $0x1B8E;
	s24 =	sld [smem:$0x3FFE];
	[sflag:s23] =	ssyncadd.s32 $0xFFFFFFFF  }
0xa5: {  	s26 =	simm.s32 $execute0_lowered;
	[smem:$0x3FD2] =	sst s25  }
0xa6: {  	s4 =	sshll.u32 s26, $0x1;
	_ =	strace $0x80000046;
	[dreg:$0x1] =	wrdreg $0xFFFFFFFF  }
0xa7: {  	s28 =	simm.s32 $_size_execute0_lowered;
	s2 =	sadd.s32 s2, s4;
	[dreg:$0x0] =	wrdreg $0x0  }
0xa8: {  	s4 =	sshll.u32 s28, $0x1;
	[dreg:$0x2] =	wrdreg s2  }
0xa9: {  	[dreg:$0x3] =	wrdreg s4  }
0xaa: {  	[dreg:$0x4] =	wrdreg $0xC0  }
0xab: {  	_ =	task [dreg:s6], $0x5FFFF  }
0xac: {  	[dreg:$0x1] =	wrdreg $0xFFFFFFFF  }
0xad: {  	[dreg:$0x0] =	wrdreg $0x60  }
0xae: {  	[dreg:$0x2] =	wrdreg s24  }
0xaf: {  	[dreg:$0x3] =	wrdreg $0x9  }
0xb0: {  	_ =	task.clear_ibuf [dreg:s6], $0x4FFFF;
	_ =	strace $0x90000046  }
0xb1: {  	s29 =	simm.s32 $0x9;
	_ =	strace $0x80000048  }
0xb2: {  	_ =	swait.ge [sflag:s29], $0x1  }
0xb3: {  	[sflag:s29] =	ssyncadd.s32 $0xFFFFFFFF  }
0xb4: {  	_ =	strace $0x90000048  }
0xb5: {  	_ =	sfence  }
0xb6: {  	s30 =	sld [smem:$0x0];
	_ =	sdelay $0x2  }
0xb7: {  	s31 =	sshll.u32 s1, $0xD;
	s1 =	sshrl.u32 s1, $0x2  }
0xb8: {  	s3 =	sand.u32 $0x4000, s31;
	s1 =	sadd.s32 s1, s30  }
0xb9: {  	s0 =	sor.u32 s3, s0;
	s1 =	sshll.u32 s1, $0x11  }
0xba: {  	s0 =	sor.u32 s1, s0  }
0xbb: {  	s0 =	sadd.s32 $0x8F2B, s0  }
0xbc: {  	[sflag:s0] =	ssyncadd.remote.s32 $0x1  }
0xbd: {  	_ =	sfence.sel $0xFFFF  }
0xbe: {  	[dreg:$0x0] =	wrdreg $0xFFFFFFFF;
	(pc) =	sbr.abs _section_cstart, $3  }
0xbf: {  	[dreg:$0x1] =	wrdreg $0xFFFFFFFF  }
0xc0: {  	_ =	task.clear_ibuf [dreg:s6], $0x2FFFF;
	_ =	strace $0x9FFFFFFF  }
0xc1: {  	(tm) =	ssettm $0x7FFFFFFF  }
tec
execute0_lowered:
.L_overlay_start_1:
0x0: {  	(tag) =	ssettag $0x1  }
0x1: {  	s1 =	srdreg.scid  }
0x2: {  	s0 =	stileid.u32;
	s5 =	rddreg [dreg:$0x0]  }
0x3: {  	s2 =	simm.s32 $0x0;
	s3 =	sand.u32 $0x1, s1;
	s8 =	smul.u32 $0x2710, s0  }
0x4: {  	s26 =	sshrl.u32 s0, $0x3;
	s1 =	rddreg [dreg:$0x1];
	s4 =	smul.u32 $0x28000, s3  }
0x5: {  	[smem:$0x7FF] =	sst s2;
	s6 =	smul.u32 $0x14000, s26  }
0x6: {  	s9 =	sshll.u32 s0, $0x7;
	s7 =	smul.u32 $0x27100, s3;
	_ =	strace $0x80000047  }
0x7: {  	s28 =	sand.u32 $0x380, s9;
	s3 =	ssub.s32 $0x2, s3;
	s9 =	simm.s32 $0x400  }
0x8: {  	s30 =	sshrl.u32 s3, $0x1;
	s4 =	sadd.s32 s4, s6;
	s7 =	sadd.s32 s7, s8  }
0x9: {  	s31 =	ssub.s32 s3, s30;
	s4 =	sor.u32 s28, s4;
	s29 =	sshrl.u32 s7, $0x3  }
0xa: {  	s8 =	simm.s32 $0x80;
	s4 =	sshrl.u32 s4, $0x3;
	s6 =	sadd.s32 s5, s29  }
0xb: {  	s7 =	simm.s32 $0x2780;
	s4 =	sadd.s32 s4, s5;
	s3 =	sadd.s32 $0xD240, s6  }
0xc: {  	v0 =	vimm.f32 $0.0e+00;
	v1 =	vimm.f32 $1.000000000e+00;
	s5 =	smax.u32 s31, $0x1;
	s6 =	simm.s32 $0x1;
	s4 =	sadd.s32 $0x17000, s4  }
.LBB2_1:
0xd: {  	s10 =	simm.s32 $0x40;
	s11 =	simm.s32 $0x0  }
.LBB2_2:
0xe: {  	p0 =	sne.s32 s10, $0x9FC0;
	[tilespmem:s11+$0x2780] =	vst v0;
	s11 =	smov.u32 s10;
	s10 =	sadd.s32 $0x40, s10  }
.Ltmp0:
0xf: {  	(pc) =	sbr.rel @p0 .LBB2_2-.Ltmp0, $2  }
0x10: {  	_ =	sdelay $0x2  }
0x11: {  	s11 =	sshra.s32 s11, $0x2  }
0x12: {  	[tilespmem:s11+$0x2780] =	vst v0;
	s10 =	simm.s32 $0x0  }
0x13: {  	[tilespmem:s10], [sflag:$0x1] =	stream.linear.gather [hbm4b:s3+s10], $0x2710, $0x38;
	[tilespmem:$0x4F80] =	vst v63  }
0x14: {  	_ =	swait.ge [sflag:s6], $0x2710  }
0x15: {  	[sflag:s6] =	ssyncset.done $0x0  }
0x16: {  	s11 =	simm.s32 $0x0;
	s10 =	simm.s32 $0x40;
	[sflag:s6] =	ssyncadd.s32 $0xFFFFD8F0  }
.LBB2_4:
0x17: {  	p0 =	sne.s32 s10, $0x9C00;
	v2 =	vld [tilespmem:s11+$0x0];
	_ =	sdelay $0x3  }
.Ltmp1:
0x18: {  	(pc) =	sbr.rel @p0 .LBB2_4-.Ltmp1, $2  }
0x19: {  	_ =	sdelay $0x2  }
0x1a: {  	s11 =	sshra.s32 s10, $0x2;
	s10 =	sadd.s32 $0x40, s10;
	[tilespmem:v2+s7+$0x0] =	vst.idx.add.f32.msk $0xffff, v1  }
0x1b: {  	v2 =	vld [tilespmem:s11+$0x0];
	_ =	sdelay $0x5  }
0x1c: {  	s2 =	sadd.s32 $0x1, s2  }
0x1d: {  	p0 =	sne.s32 s2, s5  }
.Ltmp2:
0x1e: {  	[tilespmem:v2+s7+$0x0] =	vst.idx.add.f32.msk $0xffff, v1;
	(pc) =	sbr.rel @p0 .LBB2_1-.Ltmp2, $4  }
0x1f: {  	[hbm4b:s4+s8] =	stream.strided.scatter [tilespmem:s7], [sflag:$0x1], $0x2800, s9, s8, $0x38;
	[tilespmem:$0x4F80] =	vst v63  }
0x20: {  	_ =	swait.ge [sflag:s6], $0x2800  }
0x21: {  	[sflag:s6] =	ssyncset.done $0x0  }
0x22: {  	[sflag:s6] =	ssyncadd.s32 $0xFFFFD800  }
0x23: {  	_ =	sfence.sel $0x180000  }
0x24: {  	[bflag:$0x0] =	sbarrier.arrive $0xFFFF  }
0x25: {  	p0 =	sne.s32 s0, $0x0;
	_ =	strace $0x90000047  }
0x26: {  	s0 =	sadd.s32 @!p0 $0x100000, s1;
	[bflag:$0x2] =	sbarrier.arrive $0xFFFF  }
0x27: {  	[sflag:s0] =	ssyncadd.tile.s32 @!p0 $0x1;
	_ =	shalt  }
.Lfunc_end2:
_tile_overlayer_lowered:
.L_overlay_start_2:
0x28: {  	(tag) =	ssettag $0x2  }
0x29: {  	s0 =	rddreg [dreg:$0x0];
	s2 =	stileid.u32  }
0x2a: {  	s1 =	rddreg [dreg:$0x1];
	p0 =	sne.s32 s2, $0x0  }
0x2b: {  	s3 =	rddreg [dreg:$0x2];
	[bflag:$0x3] =	sbarrier.arrive $0xFFFF;
	s2 =	simm.s32 @!p0 $0x1C01  }
0x2c: {  	[timem:s3], [sflag:s2] =	dma.local @!p0 [hbm:s0], s1  }
0x2d: {  	s0 =	simm.s32 @!p0 $0x1  }
0x2e: {  	_ =	swait.ge @!p0 [sflag:s0], s1  }
0x2f: {  	s1 =	ssub.s32 @!p0 $0x0, s1;
	[sflag:s0] =	ssyncset.done @!p0 $0x0  }
0x30: {  	[sflag:s0] =	ssyncadd.s32 @!p0 s1  }
0x31: {  	[bflag:$0x3] =	sbarrier.arrive $0xFFFF  }
0x32: {  	_ =	shalt  }

</sc_bundles>
